<compile_context>
chip_gen: v7x
topology: tpu7x:2x2x1
jax: 0.10.2.dev20260603
libtpu: 0.0.44.dev20260713+nightly
codegen_flags: <defaults>
</compile_context>

<pallas_src>
import dataclasses

import jax
import jax.numpy as jnp
from jax import lax
from jax.experimental import pallas as pl
from jax.experimental.pallas import tpu as pltpu
from jax.experimental.pallas import tpu_sc as plsc

NC = 2
NS = 16
NW = NC * NS
CH = 80

_CP = pltpu.CompilerParams()
if "needs_layout_passes" in pltpu.CompilerParams.__dataclass_fields__:
  _CP = dataclasses.replace(_CP, needs_layout_passes=False)


def _seg_sum_call(n, d, e, with_cnt, K, CH=CH):
  mesh = plsc.VectorSubcoreMesh(core_axis_name="c", subcore_axis_name="s")
  epw = e // NW
  nch = epw // CH
  RC = CH
  nrc = n // RC
  assert epw % CH == 0 and n % RC == 0
  assert not with_cnt or CH % 16 == 0

  out_type = [jax.ShapeDtypeStruct((NC, n, d), jnp.float32)]
  scratch = ([pltpu.VMEM_SHARED((n, d), jnp.float32),
              pltpu.VMEM((epw,), jnp.int32)]
             + [pltpu.VMEM((CH,), jnp.int32) for _ in range(K)]
             + [pltpu.VMEM((CH, d), jnp.float32) for _ in range(K)]
             + [pltpu.SemaphoreType.DMA for _ in range(2 * K)])
  if with_cnt:
    out_type.append(jax.ShapeDtypeStruct((NW, n), jnp.float32))
    scratch.append(pltpu.VMEM((n,), jnp.float32))

  def body(x_hbm, src_hbm, dst_hbm, *rest):
    if with_cnt:
      sum_out, cnt_out = rest[:2]
      rest = rest[2:]
    else:
      sum_out = rest[0]
      rest = rest[1:]
    sum_sp, idx_s = rest[:2]
    idxd = rest[2:2 + K]
    rows = rest[2 + K:2 + 2 * K]
    semI = rest[2 + 2 * K:2 + 3 * K]
    semG = rest[2 + 3 * K:2 + 4 * K]
    hist = rest[-1] if with_cnt else None
    c = lax.axis_index("c")
    s = lax.axis_index("s")
    wid = c * NS + s
    e0 = wid * epw

    @pl.loop(0, CH)
    def _(i):
      for j in range(d // 16):
        rows[0][i, pl.ds(16 * j, 16)] = jnp.zeros((16,), jnp.float32)
    if with_cnt:
      @pl.loop(0, n, step=16)
      def _(i):
        hist[pl.ds(i, 16)] = jnp.zeros((16,), jnp.float32)

    pltpu.sync_copy(src_hbm.at[pl.ds(e0, epw)], idx_s)

    @pl.loop(s, nrc, step=NS)
    def _(j):
      pltpu.sync_copy(rows[0], sum_sp.at[pl.ds(j * RC, RC)])
    plsc.subcore_barrier()

    ones16 = jnp.full((16,), 1.0, jnp.float32)

    def fetch(i, b):
      pltpu.async_copy(dst_hbm.at[pl.ds(e0 + i * CH, CH)], idxd[b], semI[b])
      pltpu.async_copy(x_hbm.at[idx_s.at[pl.ds(i * CH, CH)]], rows[b],
                       semG[b])

    def process(i, b, reissue):
      pltpu.make_async_copy(dst_hbm.at[pl.ds(0, CH)], idxd[b],
                            semI[b]).wait()
      pltpu.make_async_copy(x_hbm.at[idx_s.at[pl.ds(0, CH)]], rows[b],
                            semG[b]).wait()
      pltpu.sync_copy(rows[b], sum_sp.at[idxd[b]], add=True)
      if with_cnt:
        for j in range(CH // 16):
          idx16 = idxd[b][pl.ds(16 * j, 16)]
          plsc.addupdate_scatter(hist, [idx16], ones16)
      if reissue:
        nxt = i + K
        @pl.when(nxt < nch)
        def _():
          fetch(nxt, b)

    for b in range(K):
      fetch(b, b)

    nfull = nch // K

    @pl.loop(0, nfull)
    def _(t):
      for b in range(K):
        process(t * K + b, b, True)

    for r in range(nch % K):
      process(nfull * K + r, r, False)

    plsc.subcore_barrier()

    @pl.loop(s, nrc, step=NS)
    def _(j):
      pltpu.sync_copy(sum_sp.at[pl.ds(j * RC, RC)], rows[0])
      pltpu.sync_copy(rows[0], sum_out.at[c, pl.ds(j * RC, RC)])
    if with_cnt:
      pltpu.sync_copy(hist, cnt_out.at[wid])

  return pl.kernel(
      body,
      out_type=tuple(out_type) if with_cnt else out_type[0],
      mesh=mesh,
      compiler_params=_CP,
      scratch_types=scratch,
  )


def _pair_gather_call(n, d, p, K=2):
  mesh = plsc.VectorSubcoreMesh(core_axis_name="c", subcore_axis_name="s")
  assert p % CH == 0
  nch = p // CH
  nt = -(-nch // NW)
  assert nt % K == 0

  scratch = ([pltpu.VMEM((CH,), jnp.int32) for _ in range(K)]
             + [pltpu.VMEM((CH,), jnp.int32) for _ in range(K)]
             + [pltpu.VMEM((CH, d), jnp.float32) for _ in range(K)]
             + [pltpu.VMEM((CH, d), jnp.float32) for _ in range(K)]
             + [pltpu.SemaphoreType.DMA for _ in range(4 * K)])

  def body(h_hbm, pa_hbm, pb_hbm, ha_out, hb_out, *rest):
    ia = rest[:K]
    ib = rest[K:2 * K]
    ra = rest[2 * K:3 * K]
    rb = rest[3 * K:4 * K]
    semIA = rest[4 * K:5 * K]
    semIB = rest[5 * K:6 * K]
    semA = rest[6 * K:7 * K]
    semB = rest[7 * K:8 * K]
    c = lax.axis_index("c")
    s = lax.axis_index("s")
    wid = c * NS + s

    def cid(t):
      return jnp.minimum(wid + t * NW, nch - 1)

    def fetch_idx(t, b):
      base = cid(t) * CH
      pltpu.async_copy(pa_hbm.at[pl.ds(base, CH)], ia[b], semIA[b])
      pltpu.async_copy(pb_hbm.at[pl.ds(base, CH)], ib[b], semIB[b])

    def launch_gather(b):
      pltpu.make_async_copy(pa_hbm.at[pl.ds(0, CH)], ia[b], semIA[b]).wait()
      pltpu.make_async_copy(pb_hbm.at[pl.ds(0, CH)], ib[b], semIB[b]).wait()
      pltpu.async_copy(h_hbm.at[ia[b]], ra[b], semA[b])
      pltpu.async_copy(h_hbm.at[ib[b]], rb[b], semB[b])

    def process(t, b, reissue):
      b2 = (b + 1) % K
      if reissue:
        @pl.when(t + 1 < nt)
        def _():
          launch_gather(b2)
      pltpu.make_async_copy(h_hbm.at[ia[b]], ra[b], semA[b]).wait()
      pltpu.make_async_copy(h_hbm.at[ib[b]], rb[b], semB[b]).wait()
      base = cid(t) * CH
      pltpu.sync_copy(ra[b], ha_out.at[pl.ds(base, CH)])
      pltpu.sync_copy(rb[b], hb_out.at[pl.ds(base, CH)])
      if reissue:
        @pl.when(t + K < nt)
        def _():
          fetch_idx(t + K, b)

    fetch_idx(0, 0)
    launch_gather(0)
    for b in range(1, K):
      fetch_idx(b, b)

    @pl.loop(0, nt // K)
    def _(tt):
      for b in range(K):
        process(tt * K + b, b, True)

  return pl.kernel(
      body,
      out_type=(jax.ShapeDtypeStruct((p, d), jnp.float32),
                jax.ShapeDtypeStruct((p, d), jnp.float32)),
      mesh=mesh,
      compiler_params=_CP,
      scratch_types=scratch,
  )


def _sage_layer_call(n, d, blk=2000):
  def body(sum_ref, cnt_ref, x_ref, wlt_ref, bl_ref, wrt_ref, o_ref):
    sums = sum_ref[0] + sum_ref[1]
    deg = jnp.sum(cnt_ref[...], axis=1, keepdims=True)
    mean = sums / jnp.maximum(deg, 1.0)
    h = jnp.dot(mean, wlt_ref[...], preferred_element_type=jnp.float32)
    h += jnp.dot(x_ref[...], wrt_ref[...], preferred_element_type=jnp.float32)
    o_ref[...] = jnp.maximum(h + bl_ref[...], 0.0)

  return pl.pallas_call(
      body,
      grid=(n // blk,),
      in_specs=[
          pl.BlockSpec((NC, blk, d), lambda i: (0, i, 0)),
          pl.BlockSpec((blk, NW), lambda i: (i, 0)),
          pl.BlockSpec((blk, d), lambda i: (i, 0)),
          pl.BlockSpec((d, d), lambda i: (0, 0)),
          pl.BlockSpec((1, d), lambda i: (0, 0)),
          pl.BlockSpec((d, d), lambda i: (0, 0)),
      ],
      out_specs=pl.BlockSpec((blk, d), lambda i: (i, 0)),
      out_shape=jax.ShapeDtypeStruct((n, d), jnp.float32),
  )


def _mlp_call(p, d, dh, blk=2000):
  def body(ha_ref, hb_ref, w3at_ref, w3bt_ref, b3_ref, w4t_ref, b4_ref, o_ref):
    hid = jnp.dot(ha_ref[...], w3at_ref[...], preferred_element_type=jnp.float32)
    hid += jnp.dot(hb_ref[...], w3bt_ref[...], preferred_element_type=jnp.float32)
    hid = jnp.maximum(hid + b3_ref[...], 0.0)
    o_ref[...] = jnp.dot(hid, w4t_ref[...],
                         preferred_element_type=jnp.float32) + b4_ref[...]

  return pl.pallas_call(
      body,
      grid=(p // blk,),
      in_specs=[
          pl.BlockSpec((blk, d), lambda i: (i, 0)),
          pl.BlockSpec((blk, d), lambda i: (i, 0)),
          pl.BlockSpec((d, dh), lambda i: (0, 0)),
          pl.BlockSpec((d, dh), lambda i: (0, 0)),
          pl.BlockSpec((1, dh), lambda i: (0, 0)),
          pl.BlockSpec((dh, 1), lambda i: (0, 0)),
          pl.BlockSpec((1, 1), lambda i: (0, 0)),
      ],
      out_specs=pl.BlockSpec((blk, 1), lambda i: (i, 0)),
      out_shape=jax.ShapeDtypeStruct((p, 1), jnp.float32),
  )


def kernel(x, edge_index, edge_pairs, Wl1, bl1, Wr1, Wl2, bl2, Wr2, W3, b3,
           W4, b4):
  n, d = x.shape
  e = edge_index.shape[1]
  p = edge_pairs.shape[0]
  dh = W3.shape[0]

  src = edge_index[0]
  dst = edge_index[1]

  seg1 = _seg_sum_call(n, d, e, with_cnt=True, K=2)
  seg2 = _seg_sum_call(n, d, e, with_cnt=False, K=3)
  layer = _sage_layer_call(n, d)
  pair_gather = _pair_gather_call(n, d, p // 2)
  mlp = _mlp_call(p // 2, d, dh)

  sum1, cnt = seg1(x, src, dst)
  cnt_t = cnt.T
  h1 = layer(sum1, cnt_t, x, Wl1.T, bl1.reshape(1, d), Wr1.T)
  sum2 = seg2(h1, src, dst)
  h2 = layer(sum2, cnt_t, h1, Wl2.T, bl2.reshape(1, d), Wr2.T)

  pa = edge_pairs[:, 0]
  pb = edge_pairs[:, 1]
  w3at, w3bt = W3[:, :d].T, W3[:, d:].T
  b3r, w4t, b4r = b3.reshape(1, dh), W4.T, b4.reshape(1, 1)
  ph = p // 2
  outs = []
  for sl in range(2):
    pa_s = lax.dynamic_slice_in_dim(pa, sl * ph, ph)
    pb_s = lax.dynamic_slice_in_dim(pb, sl * ph, ph)
    ha, hb = pair_gather(h2, pa_s, pb_s)
    outs.append(mlp(ha, hb, w3at, w3bt, b3r, w4t, b4r))
  return jnp.concatenate(outs, axis=0)

# --- scband reference (transcript-rebuilt; emitter-appended) ---
"""Pipeline reference for scband-pitcher-batter-gnn-24696061952120 (READ-ONLY COPY).

The authoritative reference and input builder live on the scoring server;
editing this copy changes nothing except your own understanding.
"""

import jax, jax.numpy as jnp
import numpy as np

N_NODES = 10000
N_EDGES = 320000
N_PAIRS = 100000
D_IN = 128
D_HID = 128
D_OUT = 1


def _sage_conv(x, edge_index, Wl, bl, Wr):
    # PyG SAGEConv with mean aggregation:
    #   out = lin_l(mean_{j in N(i)} x_j) + lin_r(x_i)
    src = edge_index[0]
    dst = edge_index[1]
    n = x.shape[0]
    msgs = jnp.take(x, src, axis=0)
    summed = jax.ops.segment_sum(msgs, dst, num_segments=n)
    deg = jax.ops.segment_sum(jnp.ones((msgs.shape[0],), dtype=x.dtype), dst, num_segments=n)
    mean = summed / jnp.maximum(deg, 1.0)[:, None]
    return mean @ Wl.T + bl + x @ Wr.T


def setup_inputs(seed: int = 0) -> dict:
    key = jax.random.key(seed)
    ks = jax.random.split(key, 16)
    x = jax.random.normal(ks[0], (N_NODES, D_IN), dtype=jnp.float32)
    edge_index = jax.random.randint(ks[1], (2, N_EDGES), 0, N_NODES, dtype=jnp.int64 if jax.config.jax_enable_x64 else jnp.int32).astype(jnp.int32)
    edge_pairs = jax.random.randint(ks[2], (N_PAIRS, 2), 0, N_NODES, dtype=jnp.int64 if jax.config.jax_enable_x64 else jnp.int32).astype(jnp.int32)
    s1 = 1.0 / np.sqrt(D_IN)
    s2 = 1.0 / np.sqrt(D_HID)
    s3 = 1.0 / np.sqrt(2 * D_HID)
    s4 = 1.0 / np.sqrt(64)
    Wl1 = jax.random.uniform(ks[3], (D_HID, D_IN), jnp.float32, -s1, s1)
    bl1 = jax.random.uniform(ks[4], (D_HID,), jnp.float32, -s1, s1)
    Wr1 = jax.random.uniform(ks[5], (D_HID, D_IN), jnp.float32, -s1, s1)
    Wl2 = jax.random.uniform(ks[6], (D_HID, D_HID), jnp.float32, -s2, s2)
    bl2 = jax.random.uniform(ks[7], (D_HID,), jnp.float32, -s2, s2)
    Wr2 = jax.random.uniform(ks[8], (D_HID, D_HID), jnp.float32, -s2, s2)
    W3 = jax.random.uniform(ks[9], (64, 2 * D_HID), jnp.float32, -s3, s3)
    b3 = jax.random.uniform(ks[10], (64,), jnp.float32, -s3, s3)
    W4 = jax.random.uniform(ks[11], (D_OUT, 64), jnp.float32, -s4, s4)
    b4 = jax.random.uniform(ks[12], (D_OUT,), jnp.float32, -s4, s4)
    return {"x": x, "edge_index": edge_index, "edge_pairs": edge_pairs,
            "Wl1": Wl1, "bl1": bl1, "Wr1": Wr1,
            "Wl2": Wl2, "bl2": bl2, "Wr2": Wr2,
            "W3": W3, "b3": b3, "W4": W4, "b4": b4}


def reference(x, edge_index, edge_pairs, Wl1, bl1, Wr1, Wl2, bl2, Wr2, W3, b3, W4, b4):
    h = jax.nn.relu(_sage_conv(x, edge_index, Wl1, bl1, Wr1))
    h = jax.nn.relu(_sage_conv(h, edge_index, Wl2, bl2, Wr2))
    h_src = jnp.take(h, edge_pairs[:, 0], axis=0)
    h_dst = jnp.take(h, edge_pairs[:, 1], axis=0)
    h_pair = jnp.concatenate([h_src, h_dst], axis=1)
    hid = jax.nn.relu(h_pair @ W3.T + b3)
    return hid @ W4.T + b4

if __name__ == "__main__":
    import jax
    _d = setup_inputs()
    print(jax.jit(kernel)(*tuple(_d.values())))

</pallas_src>

<mosaic_0001>
#map = affine_map<(d0, d1) -> (0, 0)>
#map1 = affine_map<(d0, d1) -> (0)>
module attributes {stable_mosaic.version = 14 : i64} {
  func.func @body(%arg0: i32, %arg1: i32, %arg2: memref<10000x128xf32, #tpu.memory_space<hbm>>, %arg3: memref<50000xi32, #tpu.memory_space<hbm>>, %arg4: memref<50000xi32, #tpu.memory_space<hbm>>, %arg5: memref<50000x128xf32, #tpu.memory_space<hbm>>, %arg6: memref<50000x128xf32, #tpu.memory_space<hbm>>, %arg7: memref<80xi32, #tpu.memory_space<vmem>>, %arg8: memref<80xi32, #tpu.memory_space<vmem>>, %arg9: memref<80xi32, #tpu.memory_space<vmem>>, %arg10: memref<80xi32, #tpu.memory_space<vmem>>, %arg11: memref<80x128xf32, #tpu.memory_space<vmem>>, %arg12: memref<80x128xf32, #tpu.memory_space<vmem>>, %arg13: memref<80x128xf32, #tpu.memory_space<vmem>>, %arg14: memref<80x128xf32, #tpu.memory_space<vmem>>, %arg15: memref<!tpu.dma_semaphore, #tpu.memory_space<semaphore_mem>>, %arg16: memref<!tpu.dma_semaphore, #tpu.memory_space<semaphore_mem>>, %arg17: memref<!tpu.dma_semaphore, #tpu.memory_space<semaphore_mem>>, %arg18: memref<!tpu.dma_semaphore, #tpu.memory_space<semaphore_mem>>, %arg19: memref<!tpu.dma_semaphore, #tpu.memory_space<semaphore_mem>>, %arg20: memref<!tpu.dma_semaphore, #tpu.memory_space<semaphore_mem>>, %arg21: memref<!tpu.dma_semaphore, #tpu.memory_space<semaphore_mem>>, %arg22: memref<!tpu.dma_semaphore, #tpu.memory_space<semaphore_mem>>) attributes {dimension_semantics = [#tpu.dimension_semantics<core_parallel>, #tpu.dimension_semantics<subcore_parallel>], iteration_bounds = array<i64: 2, 16>, scalar_prefetch = 0 : i64, scratch_operands = 16 : i64, tpu.core_type = #tpu.core_type<sc_vector_subcore>, window_params = [{transform_indices = #map}, {transform_indices = #map1}, {transform_indices = #map1}, {transform_indices = #map}, {transform_indices = #map}]} {
    %mul3A = arith.constant 16 : i32
    %mul3A_0 = arith.muli %arg0, %mul3A : i32
    %add3A = arith.addi %mul3A_0, %arg1 : i32
    %add3A_1 = arith.constant 0 : i32
    %add3A_2 = arith.addi %add3A, %add3A_1 : i32
    %min3A = arith.constant 624 : i32
    %min3A_3 = arith.minsi %add3A_2, %min3A : i32
    %mul3A_4 = arith.constant 80 : i32
    %mul3A_5 = arith.muli %min3A_3, %mul3A_4 : i32
    %dma_start3A = tpu.memref_slice %arg3[%mul3A_5] : memref<50000xi32, #tpu.memory_space<hbm>> -> memref<80xi32, #tpu.memory_space<hbm>>
    %dma_start3A_6 = tpu.memref_slice %arg3[%mul3A_5] : memref<50000xi32, #tpu.memory_space<hbm>> -> memref<80xi32, #tpu.memory_space<hbm>>
    tpu.enqueue_dma source(%dma_start3A_6 : memref<80xi32, #tpu.memory_space<hbm>>) target(%arg7 : memref<80xi32, #tpu.memory_space<vmem>>) target_semaphore(%arg15 : memref<!tpu.dma_semaphore, #tpu.memory_space<semaphore_mem>>)
    %dma_start3A_7 = tpu.memref_slice %arg4[%mul3A_5] : memref<50000xi32, #tpu.memory_space<hbm>> -> memref<80xi32, #tpu.memory_space<hbm>>
    %dma_start3A_8 = tpu.memref_slice %arg4[%mul3A_5] : memref<50000xi32, #tpu.memory_space<hbm>> -> memref<80xi32, #tpu.memory_space<hbm>>
    tpu.enqueue_dma source(%dma_start3A_8 : memref<80xi32, #tpu.memory_space<hbm>>) target(%arg9 : memref<80xi32, #tpu.memory_space<vmem>>) target_semaphore(%arg17 : memref<!tpu.dma_semaphore, #tpu.memory_space<semaphore_mem>>)
    %dma_wait3A = arith.constant 0 : i32
    %dma_wait3A_9 = tpu.memref_slice %arg3[%dma_wait3A] : memref<50000xi32, #tpu.memory_space<hbm>> -> memref<80xi32, #tpu.memory_space<hbm>>
    %dma_wait3A_10 = arith.constant 0 : i32
    %dma_wait3A_11 = tpu.memref_slice %arg3[%dma_wait3A_10] : memref<50000xi32, #tpu.memory_space<hbm>> -> memref<80xi32, #tpu.memory_space<hbm>>
    tpu.wait_dma2 semaphore(%arg15 : memref<!tpu.dma_semaphore, #tpu.memory_space<semaphore_mem>>) src(%dma_wait3A_11 : memref<80xi32, #tpu.memory_space<hbm>>) dst(%arg7 : memref<80xi32, #tpu.memory_space<vmem>>)
    %dma_wait3A_12 = arith.constant 0 : i32
    %dma_wait3A_13 = tpu.memref_slice %arg4[%dma_wait3A_12] : memref<50000xi32, #tpu.memory_space<hbm>> -> memref<80xi32, #tpu.memory_space<hbm>>
    %dma_wait3A_14 = arith.constant 0 : i32
    %dma_wait3A_15 = tpu.memref_slice %arg4[%dma_wait3A_14] : memref<50000xi32, #tpu.memory_space<hbm>> -> memref<80xi32, #tpu.memory_space<hbm>>
    tpu.wait_dma2 semaphore(%arg17 : memref<!tpu.dma_semaphore, #tpu.memory_space<semaphore_mem>>) src(%dma_wait3A_15 : memref<80xi32, #tpu.memory_space<hbm>>) dst(%arg9 : memref<80xi32, #tpu.memory_space<vmem>>)
    %dma_start3A_16 = arith.constant 0 : i32
    %dma_start3A_17 = arith.constant 0 : i32
    %dma_start3A_18 = tpu.memref_slice %arg2[%dma_start3A_16, %dma_start3A_17] : memref<10000x128xf32, #tpu.memory_space<hbm>> -> memref<10000x128xf32, #tpu.memory_space<hbm>>
    tpu.enqueue_indirect_dma source(%dma_start3A_18 : memref<10000x128xf32, #tpu.memory_space<hbm>>) target(%arg11 : memref<80x128xf32, #tpu.memory_space<vmem>>) offsets(%arg7 : memref<80xi32, #tpu.memory_space<vmem>>) semaphore(%arg19 : memref<!tpu.dma_semaphore, #tpu.memory_space<semaphore_mem>>)
    %dma_start3A_19 = arith.constant 0 : i32
    %dma_start3A_20 = arith.constant 0 : i32
    %dma_start3A_21 = tpu.memref_slice %arg2[%dma_start3A_19, %dma_start3A_20] : memref<10000x128xf32, #tpu.memory_space<hbm>> -> memref<10000x128xf32, #tpu.memory_space<hbm>>
    tpu.enqueue_indirect_dma source(%dma_start3A_21 : memref<10000x128xf32, #tpu.memory_space<hbm>>) target(%arg13 : memref<80x128xf32, #tpu.memory_space<vmem>>) offsets(%arg9 : memref<80xi32, #tpu.memory_space<vmem>>) semaphore(%arg21 : memref<!tpu.dma_semaphore, #tpu.memory_space<semaphore_mem>>)
    %add3A_22 = arith.constant 32 : i32
    %add3A_23 = arith.addi %add3A, %add3A_22 : i32
    %min3A_24 = arith.constant 624 : i32
    %min3A_25 = arith.minsi %add3A_23, %min3A_24 : i32
    %mul3A_26 = arith.constant 80 : i32
    %mul3A_27 = arith.muli %min3A_25, %mul3A_26 : i32
    %dma_start3A_28 = tpu.memref_slice %arg3[%mul3A_27] : memref<50000xi32, #tpu.memory_space<hbm>> -> memref<80xi32, #tpu.memory_space<hbm>>
    %dma_start3A_29 = tpu.memref_slice %arg3[%mul3A_27] : memref<50000xi32, #tpu.memory_space<hbm>> -> memref<80xi32, #tpu.memory_space<hbm>>
    tpu.enqueue_dma source(%dma_start3A_29 : memref<80xi32, #tpu.memory_space<hbm>>) target(%arg8 : memref<80xi32, #tpu.memory_space<vmem>>) target_semaphore(%arg16 : memref<!tpu.dma_semaphore, #tpu.memory_space<semaphore_mem>>)
    %dma_start3A_30 = tpu.memref_slice %arg4[%mul3A_27] : memref<50000xi32, #tpu.memory_space<hbm>> -> memref<80xi32, #tpu.memory_space<hbm>>
    %dma_start3A_31 = tpu.memref_slice %arg4[%mul3A_27] : memref<50000xi32, #tpu.memory_space<hbm>> -> memref<80xi32, #tpu.memory_space<hbm>>
    tpu.enqueue_dma source(%dma_start3A_31 : memref<80xi32, #tpu.memory_space<hbm>>) target(%arg10 : memref<80xi32, #tpu.memory_space<vmem>>) target_semaphore(%arg18 : memref<!tpu.dma_semaphore, #tpu.memory_space<semaphore_mem>>)
    %scan3A = arith.constant 0 : i32
    %scan3A_32 = arith.constant 10 : i32
    %scan3A_33 = arith.addi %scan3A, %scan3A_32 : i32
    %scan3A_34 = arith.constant 1 : i32
    scf.for %scan3A_36 = %scan3A to %scan3A_33 step %scan3A_34  : i32 {
      %mul3A_37 = arith.constant 1 : i32
      %mul3A_38 = arith.muli %scan3A_36, %mul3A_37 : i32
      %add3A_39 = arith.constant 0 : i32
      %add3A_40 = arith.addi %add3A_39, %mul3A_38 : i32
      %mul3A_41 = arith.constant 2 : i32
      %mul3A_42 = arith.muli %add3A_40, %mul3A_41 : i32
      %add3A_43 = arith.constant 0 : i32
      %add3A_44 = arith.addi %mul3A_42, %add3A_43 : i32
      %add3A_45 = arith.constant 1 : i32
      %add3A_46 = arith.addi %add3A_44, %add3A_45 : i32
      %lt3A = arith.constant 20 : i32
      %lt3A_47 = arith.cmpi slt, %add3A_46, %lt3A : i32
      %convert_element_type3A = arith.extui %lt3A_47 : i1 to i32
      %cond3A = arith.constant 0 : i32
      %cond3A_48 = arith.cmpi ne, %convert_element_type3A, %cond3A : i32
      scf.if %cond3A_48 {
        %dma_wait3A_100 = arith.constant 0 : i32
        %dma_wait3A_101 = tpu.memref_slice %arg3[%dma_wait3A_100] : memref<50000xi32, #tpu.memory_space<hbm>> -> memref<80xi32, #tpu.memory_space<hbm>>
        %dma_wait3A_102 = arith.constant 0 : i32
        %dma_wait3A_103 = tpu.memref_slice %arg3[%dma_wait3A_102] : memref<50000xi32, #tpu.memory_space<hbm>> -> memref<80xi32, #tpu.memory_space<hbm>>
        tpu.wait_dma2 semaphore(%arg16 : memref<!tpu.dma_semaphore, #tpu.memory_space<semaphore_mem>>) src(%dma_wait3A_103 : memref<80xi32, #tpu.memory_space<hbm>>) dst(%arg8 : memref<80xi32, #tpu.memory_space<vmem>>)
        %dma_wait3A_104 = arith.constant 0 : i32
        %dma_wait3A_105 = tpu.memref_slice %arg4[%dma_wait3A_104] : memref<50000xi32, #tpu.memory_space<hbm>> -> memref<80xi32, #tpu.memory_space<hbm>>
        %dma_wait3A_106 = arith.constant 0 : i32
        %dma_wait3A_107 = tpu.memref_slice %arg4[%dma_wait3A_106] : memref<50000xi32, #tpu.memory_space<hbm>> -> memref<80xi32, #tpu.memory_space<hbm>>
        tpu.wait_dma2 semaphore(%arg18 : memref<!tpu.dma_semaphore, #tpu.memory_space<semaphore_mem>>) src(%dma_wait3A_107 : memref<80xi32, #tpu.memory_space<hbm>>) dst(%arg10 : memref<80xi32, #tpu.memory_space<vmem>>)
        %dma_start3A_108 = arith.constant 0 : i32
        %dma_start3A_109 = arith.constant 0 : i32
        %dma_start3A_110 = tpu.memref_slice %arg2[%dma_start3A_108, %dma_start3A_109] : memref<10000x128xf32, #tpu.memory_space<hbm>> -> memref<10000x128xf32, #tpu.memory_space<hbm>>
        tpu.enqueue_indirect_dma source(%dma_start3A_110 : memref<10000x128xf32, #tpu.memory_space<hbm>>) target(%arg12 : memref<80x128xf32, #tpu.memory_space<vmem>>) offsets(%arg8 : memref<80xi32, #tpu.memory_space<vmem>>) semaphore(%arg20 : memref<!tpu.dma_semaphore, #tpu.memory_space<semaphore_mem>>)
        %dma_start3A_111 = arith.constant 0 : i32
        %dma_start3A_112 = arith.constant 0 : i32
        %dma_start3A_113 = tpu.memref_slice %arg2[%dma_start3A_111, %dma_start3A_112] : memref<10000x128xf32, #tpu.memory_space<hbm>> -> memref<10000x128xf32, #tpu.memory_space<hbm>>
        tpu.enqueue_indirect_dma source(%dma_start3A_113 : memref<10000x128xf32, #tpu.memory_space<hbm>>) target(%arg14 : memref<80x128xf32, #tpu.memory_space<vmem>>) offsets(%arg10 : memref<80xi32, #tpu.memory_space<vmem>>) semaphore(%arg22 : memref<!tpu.dma_semaphore, #tpu.memory_space<semaphore_mem>>)
      } else {
      }
      %dma_wait3A_49 = arith.constant 0 : i32
      %dma_wait3A_50 = arith.constant 0 : i32
      %dma_wait3A_51 = tpu.memref_slice %arg2[%dma_wait3A_49, %dma_wait3A_50] : memref<10000x128xf32, #tpu.memory_space<hbm>> -> memref<10000x128xf32, #tpu.memory_space<hbm>>
      tpu.wait_indirect_dma semaphore(%arg19 : memref<!tpu.dma_semaphore, #tpu.memory_space<semaphore_mem>>) src(%dma_wait3A_51 : memref<10000x128xf32, #tpu.memory_space<hbm>>) dst(%arg11 : memref<80x128xf32, #tpu.memory_space<vmem>>)
      %dma_wait3A_52 = arith.constant 0 : i32
      %dma_wait3A_53 = arith.constant 0 : i32
      %dma_wait3A_54 = tpu.memref_slice %arg2[%dma_wait3A_52, %dma_wait3A_53] : memref<10000x128xf32, #tpu.memory_space<hbm>> -> memref<10000x128xf32, #tpu.memory_space<hbm>>
      tpu.wait_indirect_dma semaphore(%arg21 : memref<!tpu.dma_semaphore, #tpu.memory_space<semaphore_mem>>) src(%dma_wait3A_54 : memref<10000x128xf32, #tpu.memory_space<hbm>>) dst(%arg13 : memref<80x128xf32, #tpu.memory_space<vmem>>)
      %mul3A_55 = arith.constant 32 : i32
      %mul3A_56 = arith.muli %add3A_44, %mul3A_55 : i32
      %add3A_57 = arith.addi %add3A, %mul3A_56 : i32
      %min3A_58 = arith.constant 624 : i32
      %min3A_59 = arith.minsi %add3A_57, %min3A_58 : i32
      %mul3A_60 = arith.constant 80 : i32
      %mul3A_61 = arith.muli %min3A_59, %mul3A_60 : i32
      "tpu.region"() ({
        %run_scoped3A = tpu.sem_alloc : memref<!tpu.dma_semaphore, #tpu.memory_space<semaphore_mem>>
        %dma_start3A_100 = arith.constant 0 : i32
        %dma_start3A_101 = tpu.memref_slice %arg5[%mul3A_61, %dma_start3A_100] : memref<50000x128xf32, #tpu.memory_space<hbm>> -> memref<80x128xf32, #tpu.memory_space<hbm>>
        %dma_start3A_102 = arith.constant 0 : i32
        %dma_start3A_103 = tpu.memref_slice %arg5[%mul3A_61, %dma_start3A_102] : memref<50000x128xf32, #tpu.memory_space<hbm>> -> memref<80x128xf32, #tpu.memory_space<hbm>>
        tpu.enqueue_dma source(%arg11 : memref<80x128xf32, #tpu.memory_space<vmem>>) target(%dma_start3A_103 : memref<80x128xf32, #tpu.memory_space<hbm>>) target_semaphore(%run_scoped3A : memref<!tpu.dma_semaphore, #tpu.memory_space<semaphore_mem>>)
        %dma_wait3A_104 = arith.constant 0 : i32
        %dma_wait3A_105 = tpu.memref_slice %arg5[%mul3A_61, %dma_wait3A_104] : memref<50000x128xf32, #tpu.memory_space<hbm>> -> memref<80x128xf32, #tpu.memory_space<hbm>>
        %dma_wait3A_106 = arith.constant 0 : i32
        %dma_wait3A_107 = tpu.memref_slice %arg5[%mul3A_61, %dma_wait3A_106] : memref<50000x128xf32, #tpu.memory_space<hbm>> -> memref<80x128xf32, #tpu.memory_space<hbm>>
        tpu.wait_dma2 semaphore(%run_scoped3A : memref<!tpu.dma_semaphore, #tpu.memory_space<semaphore_mem>>) src(%arg11 : memref<80x128xf32, #tpu.memory_space<vmem>>) dst(%dma_wait3A_107 : memref<80x128xf32, #tpu.memory_space<hbm>>)
        tpu.yield
      }) : () -> ()
      "tpu.region"() ({
        %run_scoped3A = tpu.sem_alloc : memref<!tpu.dma_semaphore, #tpu.memory_space<semaphore_mem>>
        %dma_start3A_100 = arith.constant 0 : i32
        %dma_start3A_101 = tpu.memref_slice %arg6[%mul3A_61, %dma_start3A_100] : memref<50000x128xf32, #tpu.memory_space<hbm>> -> memref<80x128xf32, #tpu.memory_space<hbm>>
        %dma_start3A_102 = arith.constant 0 : i32
        %dma_start3A_103 = tpu.memref_slice %arg6[%mul3A_61, %dma_start3A_102] : memref<50000x128xf32, #tpu.memory_space<hbm>> -> memref<80x128xf32, #tpu.memory_space<hbm>>
        tpu.enqueue_dma source(%arg13 : memref<80x128xf32, #tpu.memory_space<vmem>>) target(%dma_start3A_103 : memref<80x128xf32, #tpu.memory_space<hbm>>) target_semaphore(%run_scoped3A : memref<!tpu.dma_semaphore, #tpu.memory_space<semaphore_mem>>)
        %dma_wait3A_104 = arith.constant 0 : i32
        %dma_wait3A_105 = tpu.memref_slice %arg6[%mul3A_61, %dma_wait3A_104] : memref<50000x128xf32, #tpu.memory_space<hbm>> -> memref<80x128xf32, #tpu.memory_space<hbm>>
        %dma_wait3A_106 = arith.constant 0 : i32
        %dma_wait3A_107 = tpu.memref_slice %arg6[%mul3A_61, %dma_wait3A_106] : memref<50000x128xf32, #tpu.memory_space<hbm>> -> memref<80x128xf32, #tpu.memory_space<hbm>>
        tpu.wait_dma2 semaphore(%run_scoped3A : memref<!tpu.dma_semaphore, #tpu.memory_space<semaphore_mem>>) src(%arg13 : memref<80x128xf32, #tpu.memory_space<vmem>>) dst(%dma_wait3A_107 : memref<80x128xf32, #tpu.memory_space<hbm>>)
        tpu.yield
      }) : () -> ()
      %add3A_62 = arith.constant 2 : i32
      %add3A_63 = arith.addi %add3A_44, %add3A_62 : i32
      %lt3A_64 = arith.constant 20 : i32
      %lt3A_65 = arith.cmpi slt, %add3A_63, %lt3A_64 : i32
      %convert_element_type3A_66 = arith.extui %lt3A_65 : i1 to i32
      %cond3A_67 = arith.constant 0 : i32
      %cond3A_68 = arith.cmpi ne, %convert_element_type3A_66, %cond3A_67 : i32
      scf.if %cond3A_68 {
        %add3A_100 = arith.constant 2 : i32
        %add3A_101 = arith.addi %add3A_44, %add3A_100 : i32
        %mul3A_102 = arith.constant 32 : i32
        %mul3A_103 = arith.muli %add3A_101, %mul3A_102 : i32
        %add3A_104 = arith.addi %add3A, %mul3A_103 : i32
        %min3A_105 = arith.constant 624 : i32
        %min3A_106 = arith.minsi %add3A_104, %min3A_105 : i32
        %mul3A_107 = arith.constant 80 : i32
        %mul3A_108 = arith.muli %min3A_106, %mul3A_107 : i32
        %dma_start3A_109 = tpu.memref_slice %arg3[%mul3A_108] : memref<50000xi32, #tpu.memory_space<hbm>> -> memref<80xi32, #tpu.memory_space<hbm>>
        %dma_start3A_110 = tpu.memref_slice %arg3[%mul3A_108] : memref<50000xi32, #tpu.memory_space<hbm>> -> memref<80xi32, #tpu.memory_space<hbm>>
        tpu.enqueue_dma source(%dma_start3A_110 : memref<80xi32, #tpu.memory_space<hbm>>) target(%arg7 : memref<80xi32, #tpu.memory_space<vmem>>) target_semaphore(%arg15 : memref<!tpu.dma_semaphore, #tpu.memory_space<semaphore_mem>>)
        %dma_start3A_111 = tpu.memref_slice %arg4[%mul3A_108] : memref<50000xi32, #tpu.memory_space<hbm>> -> memref<80xi32, #tpu.memory_space<hbm>>
        %dma_start3A_112 = tpu.memref_slice %arg4[%mul3A_108] : memref<50000xi32, #tpu.memory_space<hbm>> -> memref<80xi32, #tpu.memory_space<hbm>>
        tpu.enqueue_dma source(%dma_start3A_112 : memref<80xi32, #tpu.memory_space<hbm>>) target(%arg9 : memref<80xi32, #tpu.memory_space<vmem>>) target_semaphore(%arg17 : memref<!tpu.dma_semaphore, #tpu.memory_space<semaphore_mem>>)
      } else {
      }
      %mul3A_69 = arith.constant 2 : i32
      %mul3A_70 = arith.muli %add3A_40, %mul3A_69 : i32
      %add3A_71 = arith.constant 1 : i32
      %add3A_72 = arith.addi %mul3A_70, %add3A_71 : i32
      %add3A_73 = arith.constant 1 : i32
      %add3A_74 = arith.addi %add3A_72, %add3A_73 : i32
      %lt3A_75 = arith.constant 20 : i32
      %lt3A_76 = arith.cmpi slt, %add3A_74, %lt3A_75 : i32
      %convert_element_type3A_77 = arith.extui %lt3A_76 : i1 to i32
      %cond3A_78 = arith.constant 0 : i32
      %cond3A_79 = arith.cmpi ne, %convert_element_type3A_77, %cond3A_78 : i32
      scf.if %cond3A_79 {
        %dma_wait3A_100 = arith.constant 0 : i32
        %dma_wait3A_101 = tpu.memref_slice %arg3[%dma_wait3A_100] : memref<50000xi32, #tpu.memory_space<hbm>> -> memref<80xi32, #tpu.memory_space<hbm>>
        %dma_wait3A_102 = arith.constant 0 : i32
        %dma_wait3A_103 = tpu.memref_slice %arg3[%dma_wait3A_102] : memref<50000xi32, #tpu.memory_space<hbm>> -> memref<80xi32, #tpu.memory_space<hbm>>
        tpu.wait_dma2 semaphore(%arg15 : memref<!tpu.dma_semaphore, #tpu.memory_space<semaphore_mem>>) src(%dma_wait3A_103 : memref<80xi32, #tpu.memory_space<hbm>>) dst(%arg7 : memref<80xi32, #tpu.memory_space<vmem>>)
        %dma_wait3A_104 = arith.constant 0 : i32
        %dma_wait3A_105 = tpu.memref_slice %arg4[%dma_wait3A_104] : memref<50000xi32, #tpu.memory_space<hbm>> -> memref<80xi32, #tpu.memory_space<hbm>>
        %dma_wait3A_106 = arith.constant 0 : i32
        %dma_wait3A_107 = tpu.memref_slice %arg4[%dma_wait3A_106] : memref<50000xi32, #tpu.memory_space<hbm>> -> memref<80xi32, #tpu.memory_space<hbm>>
        tpu.wait_dma2 semaphore(%arg17 : memref<!tpu.dma_semaphore, #tpu.memory_space<semaphore_mem>>) src(%dma_wait3A_107 : memref<80xi32, #tpu.memory_space<hbm>>) dst(%arg9 : memref<80xi32, #tpu.memory_space<vmem>>)
        %dma_start3A_108 = arith.constant 0 : i32
        %dma_start3A_109 = arith.constant 0 : i32
        %dma_start3A_110 = tpu.memref_slice %arg2[%dma_start3A_108, %dma_start3A_109] : memref<10000x128xf32, #tpu.memory_space<hbm>> -> memref<10000x128xf32, #tpu.memory_space<hbm>>
        tpu.enqueue_indirect_dma source(%dma_start3A_110 : memref<10000x128xf32, #tpu.memory_space<hbm>>) target(%arg11 : memref<80x128xf32, #tpu.memory_space<vmem>>) offsets(%arg7 : memref<80xi32, #tpu.memory_space<vmem>>) semaphore(%arg19 : memref<!tpu.dma_semaphore, #tpu.memory_space<semaphore_mem>>)
        %dma_start3A_111 = arith.constant 0 : i32
        %dma_start3A_112 = arith.constant 0 : i32
        %dma_start3A_113 = tpu.memref_slice %arg2[%dma_start3A_111, %dma_start3A_112] : memref<10000x128xf32, #tpu.memory_space<hbm>> -> memref<10000x128xf32, #tpu.memory_space<hbm>>
        tpu.enqueue_indirect_dma source(%dma_start3A_113 : memref<10000x128xf32, #tpu.memory_space<hbm>>) target(%arg13 : memref<80x128xf32, #tpu.memory_space<vmem>>) offsets(%arg9 : memref<80xi32, #tpu.memory_space<vmem>>) semaphore(%arg21 : memref<!tpu.dma_semaphore, #tpu.memory_space<semaphore_mem>>)
      } else {
      }
      %dma_wait3A_80 = arith.constant 0 : i32
      %dma_wait3A_81 = arith.constant 0 : i32
      %dma_wait3A_82 = tpu.memref_slice %arg2[%dma_wait3A_80, %dma_wait3A_81] : memref<10000x128xf32, #tpu.memory_space<hbm>> -> memref<10000x128xf32, #tpu.memory_space<hbm>>
      tpu.wait_indirect_dma semaphore(%arg20 : memref<!tpu.dma_semaphore, #tpu.memory_space<semaphore_mem>>) src(%dma_wait3A_82 : memref<10000x128xf32, #tpu.memory_space<hbm>>) dst(%arg12 : memref<80x128xf32, #tpu.memory_space<vmem>>)
      %dma_wait3A_83 = arith.constant 0 : i32
      %dma_wait3A_84 = arith.constant 0 : i32
      %dma_wait3A_85 = tpu.memref_slice %arg2[%dma_wait3A_83, %dma_wait3A_84] : memref<10000x128xf32, #tpu.memory_space<hbm>> -> memref<10000x128xf32, #tpu.memory_space<hbm>>
      tpu.wait_indirect_dma semaphore(%arg22 : memref<!tpu.dma_semaphore, #tpu.memory_space<semaphore_mem>>) src(%dma_wait3A_85 : memref<10000x128xf32, #tpu.memory_space<hbm>>) dst(%arg14 : memref<80x128xf32, #tpu.memory_space<vmem>>)
      %mul3A_86 = arith.constant 32 : i32
      %mul3A_87 = arith.muli %add3A_72, %mul3A_86 : i32
      %add3A_88 = arith.addi %add3A, %mul3A_87 : i32
      %min3A_89 = arith.constant 624 : i32
      %min3A_90 = arith.minsi %add3A_88, %min3A_89 : i32
      %mul3A_91 = arith.constant 80 : i32
      %mul3A_92 = arith.muli %min3A_90, %mul3A_91 : i32
      "tpu.region"() ({
        %run_scoped3A = tpu.sem_alloc : memref<!tpu.dma_semaphore, #tpu.memory_space<semaphore_mem>>
        %dma_start3A_100 = arith.constant 0 : i32
        %dma_start3A_101 = tpu.memref_slice %arg5[%mul3A_92, %dma_start3A_100] : memref<50000x128xf32, #tpu.memory_space<hbm>> -> memref<80x128xf32, #tpu.memory_space<hbm>>
        %dma_start3A_102 = arith.constant 0 : i32
        %dma_start3A_103 = tpu.memref_slice %arg5[%mul3A_92, %dma_start3A_102] : memref<50000x128xf32, #tpu.memory_space<hbm>> -> memref<80x128xf32, #tpu.memory_space<hbm>>
        tpu.enqueue_dma source(%arg12 : memref<80x128xf32, #tpu.memory_space<vmem>>) target(%dma_start3A_103 : memref<80x128xf32, #tpu.memory_space<hbm>>) target_semaphore(%run_scoped3A : memref<!tpu.dma_semaphore, #tpu.memory_space<semaphore_mem>>)
        %dma_wait3A_104 = arith.constant 0 : i32
        %dma_wait3A_105 = tpu.memref_slice %arg5[%mul3A_92, %dma_wait3A_104] : memref<50000x128xf32, #tpu.memory_space<hbm>> -> memref<80x128xf32, #tpu.memory_space<hbm>>
        %dma_wait3A_106 = arith.constant 0 : i32
        %dma_wait3A_107 = tpu.memref_slice %arg5[%mul3A_92, %dma_wait3A_106] : memref<50000x128xf32, #tpu.memory_space<hbm>> -> memref<80x128xf32, #tpu.memory_space<hbm>>
        tpu.wait_dma2 semaphore(%run_scoped3A : memref<!tpu.dma_semaphore, #tpu.memory_space<semaphore_mem>>) src(%arg12 : memref<80x128xf32, #tpu.memory_space<vmem>>) dst(%dma_wait3A_107 : memref<80x128xf32, #tpu.memory_space<hbm>>)
        tpu.yield
      }) : () -> ()
      "tpu.region"() ({
        %run_scoped3A = tpu.sem_alloc : memref<!tpu.dma_semaphore, #tpu.memory_space<semaphore_mem>>
        %dma_start3A_100 = arith.constant 0 : i32
        %dma_start3A_101 = tpu.memref_slice %arg6[%mul3A_92, %dma_start3A_100] : memref<50000x128xf32, #tpu.memory_space<hbm>> -> memref<80x128xf32, #tpu.memory_space<hbm>>
        %dma_start3A_102 = arith.constant 0 : i32
        %dma_start3A_103 = tpu.memref_slice %arg6[%mul3A_92, %dma_start3A_102] : memref<50000x128xf32, #tpu.memory_space<hbm>> -> memref<80x128xf32, #tpu.memory_space<hbm>>
        tpu.enqueue_dma source(%arg14 : memref<80x128xf32, #tpu.memory_space<vmem>>) target(%dma_start3A_103 : memref<80x128xf32, #tpu.memory_space<hbm>>) target_semaphore(%run_scoped3A : memref<!tpu.dma_semaphore, #tpu.memory_space<semaphore_mem>>)
        %dma_wait3A_104 = arith.constant 0 : i32
        %dma_wait3A_105 = tpu.memref_slice %arg6[%mul3A_92, %dma_wait3A_104] : memref<50000x128xf32, #tpu.memory_space<hbm>> -> memref<80x128xf32, #tpu.memory_space<hbm>>
        %dma_wait3A_106 = arith.constant 0 : i32
        %dma_wait3A_107 = tpu.memref_slice %arg6[%mul3A_92, %dma_wait3A_106] : memref<50000x128xf32, #tpu.memory_space<hbm>> -> memref<80x128xf32, #tpu.memory_space<hbm>>
        tpu.wait_dma2 semaphore(%run_scoped3A : memref<!tpu.dma_semaphore, #tpu.memory_space<semaphore_mem>>) src(%arg14 : memref<80x128xf32, #tpu.memory_space<vmem>>) dst(%dma_wait3A_107 : memref<80x128xf32, #tpu.memory_space<hbm>>)
        tpu.yield
      }) : () -> ()
      %add3A_93 = arith.constant 2 : i32
      %add3A_94 = arith.addi %add3A_72, %add3A_93 : i32
      %lt3A_95 = arith.constant 20 : i32
      %lt3A_96 = arith.cmpi slt, %add3A_94, %lt3A_95 : i32
      %convert_element_type3A_97 = arith.extui %lt3A_96 : i1 to i32
      %cond3A_98 = arith.constant 0 : i32
      %cond3A_99 = arith.cmpi ne, %convert_element_type3A_97, %cond3A_98 : i32
      scf.if %cond3A_99 {
        %add3A_100 = arith.constant 2 : i32
        %add3A_101 = arith.addi %add3A_72, %add3A_100 : i32
        %mul3A_102 = arith.constant 32 : i32
        %mul3A_103 = arith.muli %add3A_101, %mul3A_102 : i32
        %add3A_104 = arith.addi %add3A, %mul3A_103 : i32
        %min3A_105 = arith.constant 624 : i32
        %min3A_106 = arith.minsi %add3A_104, %min3A_105 : i32
        %mul3A_107 = arith.constant 80 : i32
        %mul3A_108 = arith.muli %min3A_106, %mul3A_107 : i32
        %dma_start3A_109 = tpu.memref_slice %arg3[%mul3A_108] : memref<50000xi32, #tpu.memory_space<hbm>> -> memref<80xi32, #tpu.memory_space<hbm>>
        %dma_start3A_110 = tpu.memref_slice %arg3[%mul3A_108] : memref<50000xi32, #tpu.memory_space<hbm>> -> memref<80xi32, #tpu.memory_space<hbm>>
        tpu.enqueue_dma source(%dma_start3A_110 : memref<80xi32, #tpu.memory_space<hbm>>) target(%arg8 : memref<80xi32, #tpu.memory_space<vmem>>) target_semaphore(%arg16 : memref<!tpu.dma_semaphore, #tpu.memory_space<semaphore_mem>>)
        %dma_start3A_111 = tpu.memref_slice %arg4[%mul3A_108] : memref<50000xi32, #tpu.memory_space<hbm>> -> memref<80xi32, #tpu.memory_space<hbm>>
        %dma_start3A_112 = tpu.memref_slice %arg4[%mul3A_108] : memref<50000xi32, #tpu.memory_space<hbm>> -> memref<80xi32, #tpu.memory_space<hbm>>
        tpu.enqueue_dma source(%dma_start3A_112 : memref<80xi32, #tpu.memory_space<hbm>>) target(%arg10 : memref<80xi32, #tpu.memory_space<vmem>>) target_semaphore(%arg18 : memref<!tpu.dma_semaphore, #tpu.memory_space<semaphore_mem>>)
      } else {
      }
    }
    %scan3A_35 = arith.constant 10 : i32
    return
  }
}

#map = affine_map<(d0, d1) -> (0, 0)>
#map1 = affine_map<(d0, d1) -> (0)>
#map2 = affine_map<(d0, d1) -> (0, 0, 0)>
module attributes {stable_mosaic.version = 14 : i64} {
  func.func @body(%arg0: i32, %arg1: i32, %arg2: memref<10000x128xf32, #tpu.memory_space<hbm>>, %arg3: memref<320000xi32, #tpu.memory_space<hbm>>, %arg4: memref<320000xi32, #tpu.memory_space<hbm>>, %arg5: memref<2x10000x128xf32, #tpu.memory_space<hbm>>, %arg6: memref<32x10000xf32, #tpu.memory_space<hbm>>, %arg7: memref<10000x128xf32, #tpu.memory_space<vmem_shared>>, %arg8: memref<10000xi32, #tpu.memory_space<vmem>>, %arg9: memref<80xi32, #tpu.memory_space<vmem>>, %arg10: memref<80xi32, #tpu.memory_space<vmem>>, %arg11: memref<80x128xf32, #tpu.memory_space<vmem>>, %arg12: memref<80x128xf32, #tpu.memory_space<vmem>>, %arg13: memref<!tpu.dma_semaphore, #tpu.memory_space<semaphore_mem>>, %arg14: memref<!tpu.dma_semaphore, #tpu.memory_space<semaphore_mem>>, %arg15: memref<!tpu.dma_semaphore, #tpu.memory_space<semaphore_mem>>, %arg16: memref<!tpu.dma_semaphore, #tpu.memory_space<semaphore_mem>>, %arg17: memref<10000xf32, #tpu.memory_space<vmem>>) attributes {dimension_semantics = [#tpu.dimension_semantics<core_parallel>, #tpu.dimension_semantics<subcore_parallel>], iteration_bounds = array<i64: 2, 16>, scalar_prefetch = 0 : i64, scratch_operands = 11 : i64, tpu.core_type = #tpu.core_type<sc_vector_subcore>, window_params = [{transform_indices = #map}, {transform_indices = #map1}, {transform_indices = #map1}, {transform_indices = #map2}, {transform_indices = #map}]} {
    %mul3A = arith.constant 16 : i32
    %mul3A_0 = arith.muli %arg0, %mul3A : i32
    %add3A = arith.addi %mul3A_0, %arg1 : i32
    %mul3A_1 = arith.constant 10000 : i32
    %mul3A_2 = arith.muli %add3A, %mul3A_1 : i32
    %scan3A = arith.constant 0 : i32
    %scan3A_3 = arith.constant 80 : i32
    %scan3A_4 = arith.addi %scan3A, %scan3A_3 : i32
    %scan3A_5 = arith.constant 1 : i32
    scf.for %scan3A_86 = %scan3A to %scan3A_4 step %scan3A_5  : i32 {
      %mul3A_87 = arith.constant 1 : i32
      %mul3A_88 = arith.muli %scan3A_86, %mul3A_87 : i32
      %add3A_89 = arith.constant 0 : i32
      %add3A_90 = arith.addi %add3A_89, %mul3A_88 : i32
      %broadcast_in_dim3A_91 = arith.constant 0.000000e+00 : f32
      %broadcast_in_dim3A_92 = vector.broadcast %broadcast_in_dim3A_91 : f32 to vector<16xf32>
      %swap3A = arith.index_cast %add3A_90 : i32 to index
      %swap3A_93 = arith.constant 0 : index
      %swap3A_94 = tpu.vector_load %arg11[%swap3A, %swap3A_93] {strides = array<i32>} : memref<80x128xf32, #tpu.memory_space<vmem>>, vector<16xf32>,
      tpu.vector_store %arg11[%swap3A, %swap3A_93], %broadcast_in_dim3A_92 {strides = array<i32>} : memref<80x128xf32, #tpu.memory_space<vmem>>, vector<16xf32>,
      %broadcast_in_dim3A_95 = arith.constant 0.000000e+00 : f32
      %broadcast_in_dim3A_96 = vector.broadcast %broadcast_in_dim3A_95 : f32 to vector<16xf32>
      %swap3A_97 = arith.index_cast %add3A_90 : i32 to index
      %swap3A_98 = arith.constant 16 : index
      %swap3A_99 = tpu.vector_load %arg11[%swap3A_97, %swap3A_98] {strides = array<i32>} : memref<80x128xf32, #tpu.memory_space<vmem>>, vector<16xf32>,
      tpu.vector_store %arg11[%swap3A_97, %swap3A_98], %broadcast_in_dim3A_96 {strides = array<i32>} : memref<80x128xf32, #tpu.memory_space<vmem>>, vector<16xf32>,
      %broadcast_in_dim3A_100 = arith.constant 0.000000e+00 : f32
      %broadcast_in_dim3A_101 = vector.broadcast %broadcast_in_dim3A_100 : f32 to vector<16xf32>
      %swap3A_102 = arith.index_cast %add3A_90 : i32 to index
      %swap3A_103 = arith.constant 32 : index
      %swap3A_104 = tpu.vector_load %arg11[%swap3A_102, %swap3A_103] {strides = array<i32>} : memref<80x128xf32, #tpu.memory_space<vmem>>, vector<16xf32>,
      tpu.vector_store %arg11[%swap3A_102, %swap3A_103], %broadcast_in_dim3A_101 {strides = array<i32>} : memref<80x128xf32, #tpu.memory_space<vmem>>, vector<16xf32>,
      %broadcast_in_dim3A_105 = arith.constant 0.000000e+00 : f32
      %broadcast_in_dim3A_106 = vector.broadcast %broadcast_in_dim3A_105 : f32 to vector<16xf32>
      %swap3A_107 = arith.index_cast %add3A_90 : i32 to index
      %swap3A_108 = arith.constant 48 : index
      %swap3A_109 = tpu.vector_load %arg11[%swap3A_107, %swap3A_108] {strides = array<i32>} : memref<80x128xf32, #tpu.memory_space<vmem>>, vector<16xf32>,
      tpu.vector_store %arg11[%swap3A_107, %swap3A_108], %broadcast_in_dim3A_106 {strides = array<i32>} : memref<80x128xf32, #tpu.memory_space<vmem>>, vector<16xf32>,
      %broadcast_in_dim3A_110 = arith.constant 0.000000e+00 : f32
      %broadcast_in_dim3A_111 = vector.broadcast %broadcast_in_dim3A_110 : f32 to vector<16xf32>
      %swap3A_112 = arith.index_cast %add3A_90 : i32 to index
      %swap3A_113 = arith.constant 64 : index
      %swap3A_114 = tpu.vector_load %arg11[%swap3A_112, %swap3A_113] {strides = array<i32>} : memref<80x128xf32, #tpu.memory_space<vmem>>, vector<16xf32>,
      tpu.vector_store %arg11[%swap3A_112, %swap3A_113], %broadcast_in_dim3A_111 {strides = array<i32>} : memref<80x128xf32, #tpu.memory_space<vmem>>, vector<16xf32>,
      %broadcast_in_dim3A_115 = arith.constant 0.000000e+00 : f32
      %broadcast_in_dim3A_116 = vector.broadcast %broadcast_in_dim3A_115 : f32 to vector<16xf32>
      %swap3A_117 = arith.index_cast %add3A_90 : i32 to index
      %swap3A_118 = arith.constant 80 : index
      %swap3A_119 = tpu.vector_load %arg11[%swap3A_117, %swap3A_118] {strides = array<i32>} : memref<80x128xf32, #tpu.memory_space<vmem>>, vector<16xf32>,
      tpu.vector_store %arg11[%swap3A_117, %swap3A_118], %broadcast_in_dim3A_116 {strides = array<i32>} : memref<80x128xf32, #tpu.memory_space<vmem>>, vector<16xf32>,
      %broadcast_in_dim3A_120 = arith.constant 0.000000e+00 : f32
      %broadcast_in_dim3A_121 = vector.broadcast %broadcast_in_dim3A_120 : f32 to vector<16xf32>
      %swap3A_122 = arith.index_cast %add3A_90 : i32 to index
      %swap3A_123 = arith.constant 96 : index
      %swap3A_124 = tpu.vector_load %arg11[%swap3A_122, %swap3A_123] {strides = array<i32>} : memref<80x128xf32, #tpu.memory_space<vmem>>, vector<16xf32>,
      tpu.vector_store %arg11[%swap3A_122, %swap3A_123], %broadcast_in_dim3A_121 {strides = array<i32>} : memref<80x128xf32, #tpu.memory_space<vmem>>, vector<16xf32>,
      %broadcast_in_dim3A_125 = arith.constant 0.000000e+00 : f32
      %broadcast_in_dim3A_126 = vector.broadcast %broadcast_in_dim3A_125 : f32 to vector<16xf32>
      %swap3A_127 = arith.index_cast %add3A_90 : i32 to index
      %swap3A_128 = arith.constant 112 : index
      %swap3A_129 = tpu.vector_load %arg11[%swap3A_127, %swap3A_128] {strides = array<i32>} : memref<80x128xf32, #tpu.memory_space<vmem>>, vector<16xf32>,
      tpu.vector_store %arg11[%swap3A_127, %swap3A_128], %broadcast_in_dim3A_126 {strides = array<i32>} : memref<80x128xf32, #tpu.memory_space<vmem>>, vector<16xf32>,
    }
    %scan3A_6 = arith.constant 80 : i32
    %scan3A_7 = arith.constant 0 : i32
    %scan3A_8 = arith.constant 625 : i32
    %scan3A_9 = arith.addi %scan3A_7, %scan3A_8 : i32
    %scan3A_10 = arith.constant 1 : i32
    scf.for %scan3A_86 = %scan3A_7 to %scan3A_9 step %scan3A_10  : i32 {
      %mul3A_87 = arith.constant 16 : i32
      %mul3A_88 = arith.muli %scan3A_86, %mul3A_87 : i32
      %add3A_89 = arith.constant 0 : i32
      %add3A_90 = arith.addi %add3A_89, %mul3A_88 : i32
      %broadcast_in_dim3A_91 = arith.constant 0.000000e+00 : f32
      %broadcast_in_dim3A_92 = vector.broadcast %broadcast_in_dim3A_91 : f32 to vector<16xf32>
      %swap3A = arith.index_cast %add3A_90 : i32 to index
      %swap3A_93 = tpu.vector_load %arg17[%swap3A] {strides = array<i32>} : memref<10000xf32, #tpu.memory_space<vmem>>, vector<16xf32>,
      tpu.vector_store %arg17[%swap3A], %broadcast_in_dim3A_92 {strides = array<i32>} : memref<10000xf32, #tpu.memory_space<vmem>>, vector<16xf32>,
    }
    %scan3A_11 = arith.constant 625 : i32
    "tpu.region"() ({
      %run_scoped3A = tpu.sem_alloc : memref<!tpu.dma_semaphore, #tpu.memory_space<semaphore_mem>>
      %dma_start3A_86 = tpu.memref_slice %arg3[%mul3A_2] : memref<320000xi32, #tpu.memory_space<hbm>> -> memref<10000xi32, #tpu.memory_space<hbm>>
      %dma_start3A_87 = tpu.memref_slice %arg3[%mul3A_2] : memref<320000xi32, #tpu.memory_space<hbm>> -> memref<10000xi32, #tpu.memory_space<hbm>>
      tpu.enqueue_dma source(%dma_start3A_87 : memref<10000xi32, #tpu.memory_space<hbm>>) target(%arg8 : memref<10000xi32, #tpu.memory_space<vmem>>) target_semaphore(%run_scoped3A : memref<!tpu.dma_semaphore, #tpu.memory_space<semaphore_mem>>)
      %dma_wait3A_88 = tpu.memref_slice %arg3[%mul3A_2] : memref<320000xi32, #tpu.memory_space<hbm>> -> memref<10000xi32, #tpu.memory_space<hbm>>
      %dma_wait3A_89 = tpu.memref_slice %arg3[%mul3A_2] : memref<320000xi32, #tpu.memory_space<hbm>> -> memref<10000xi32, #tpu.memory_space<hbm>>
      tpu.wait_dma2 semaphore(%run_scoped3A : memref<!tpu.dma_semaphore, #tpu.memory_space<semaphore_mem>>) src(%dma_wait3A_89 : memref<10000xi32, #tpu.memory_space<hbm>>) dst(%arg8 : memref<10000xi32, #tpu.memory_space<vmem>>)
      tpu.yield
    }) : () -> ()
    %sub3A = arith.constant 125 : i32
    %sub3A_12 = arith.subi %sub3A, %arg1 : i32
    %sub3A_13 = arith.constant 16 : i32
    %sub3A_14 = arith.constant 1 : i32
    %sub3A_15 = arith.subi %sub3A_13, %sub3A_14 : i32
    %add3A_16 = arith.addi %sub3A_12, %sub3A_15 : i32
    %div3A = arith.constant 16 : i32
    %div3A_17 = arith.divsi %add3A_16, %div3A : i32
    %while3A = arith.constant 16 : i32
    %while3A_18 = arith.constant 0 : i32
    %while3A_19 = arith.subi %div3A_17, %while3A_18 : i32
    %while3A_20 = arith.addi %while3A_18, %while3A_19 : i32
    %while3A_21 = arith.constant 1 : i32
    %while3A_22 = arith.divsi %while3A_19, %while3A_21 : i32
    %while3A_23 = arith.muli %while3A_22, %while3A_21 : i32
    %while3A_24 = arith.addi %while3A_18, %while3A_23 : i32
    %while3A_25 = arith.constant 1 : i32
    scf.for %while3A_86 = %while3A_18 to %while3A_24 step %while3A_25  : i32 {
      %mul3A_87 = arith.muli %while3A_86, %while3A : i32
      %add3A_88 = arith.addi %arg1, %mul3A_87 : i32
      %mul3A_89 = arith.constant 80 : i32
      %mul3A_90 = arith.muli %add3A_88, %mul3A_89 : i32
      "tpu.region"() ({
        %run_scoped3A = tpu.sem_alloc : memref<!tpu.dma_semaphore, #tpu.memory_space<semaphore_mem>>
        %dma_start3A_91 = arith.constant 0 : i32
        %dma_start3A_92 = tpu.memref_slice %arg7[%mul3A_90, %dma_start3A_91] : memref<10000x128xf32, #tpu.memory_space<vmem_shared>> -> memref<80x128xf32, #tpu.memory_space<vmem_shared>>
        %dma_start3A_93 = arith.constant 0 : i32
        %dma_start3A_94 = tpu.memref_slice %arg7[%mul3A_90, %dma_start3A_93] : memref<10000x128xf32, #tpu.memory_space<vmem_shared>> -> memref<80x128xf32, #tpu.memory_space<vmem_shared>>
        tpu.enqueue_dma source(%arg11 : memref<80x128xf32, #tpu.memory_space<vmem>>) target(%dma_start3A_94 : memref<80x128xf32, #tpu.memory_space<vmem_shared>>) target_semaphore(%run_scoped3A : memref<!tpu.dma_semaphore, #tpu.memory_space<semaphore_mem>>)
        %dma_wait3A_95 = arith.constant 0 : i32
        %dma_wait3A_96 = tpu.memref_slice %arg7[%mul3A_90, %dma_wait3A_95] : memref<10000x128xf32, #tpu.memory_space<vmem_shared>> -> memref<80x128xf32, #tpu.memory_space<vmem_shared>>
        %dma_wait3A_97 = arith.constant 0 : i32
        %dma_wait3A_98 = tpu.memref_slice %arg7[%mul3A_90, %dma_wait3A_97] : memref<10000x128xf32, #tpu.memory_space<vmem_shared>> -> memref<80x128xf32, #tpu.memory_space<vmem_shared>>
        tpu.wait_dma2 semaphore(%run_scoped3A : memref<!tpu.dma_semaphore, #tpu.memory_space<semaphore_mem>>) src(%arg11 : memref<80x128xf32, #tpu.memory_space<vmem>>) dst(%dma_wait3A_98 : memref<80x128xf32, #tpu.memory_space<vmem_shared>>)
        tpu.yield
      }) : () -> ()
    }
    %while3A_26 = arith.constant 1 : i32
    scf.for %while3A_86 = %while3A_24 to %while3A_20 step %while3A_26  : i32 {
      %mul3A_87 = arith.muli %while3A_86, %while3A : i32
      %add3A_88 = arith.addi %arg1, %mul3A_87 : i32
      %mul3A_89 = arith.constant 80 : i32
      %mul3A_90 = arith.muli %add3A_88, %mul3A_89 : i32
      "tpu.region"() ({
        %run_scoped3A = tpu.sem_alloc : memref<!tpu.dma_semaphore, #tpu.memory_space<semaphore_mem>>
        %dma_start3A_91 = arith.constant 0 : i32
        %dma_start3A_92 = tpu.memref_slice %arg7[%mul3A_90, %dma_start3A_91] : memref<10000x128xf32, #tpu.memory_space<vmem_shared>> -> memref<80x128xf32, #tpu.memory_space<vmem_shared>>
        %dma_start3A_93 = arith.constant 0 : i32
        %dma_start3A_94 = tpu.memref_slice %arg7[%mul3A_90, %dma_start3A_93] : memref<10000x128xf32, #tpu.memory_space<vmem_shared>> -> memref<80x128xf32, #tpu.memory_space<vmem_shared>>
        tpu.enqueue_dma source(%arg11 : memref<80x128xf32, #tpu.memory_space<vmem>>) target(%dma_start3A_94 : memref<80x128xf32, #tpu.memory_space<vmem_shared>>) target_semaphore(%run_scoped3A : memref<!tpu.dma_semaphore, #tpu.memory_space<semaphore_mem>>)
        %dma_wait3A_95 = arith.constant 0 : i32
        %dma_wait3A_96 = tpu.memref_slice %arg7[%mul3A_90, %dma_wait3A_95] : memref<10000x128xf32, #tpu.memory_space<vmem_shared>> -> memref<80x128xf32, #tpu.memory_space<vmem_shared>>
        %dma_wait3A_97 = arith.constant 0 : i32
        %dma_wait3A_98 = tpu.memref_slice %arg7[%mul3A_90, %dma_wait3A_97] : memref<10000x128xf32, #tpu.memory_space<vmem_shared>> -> memref<80x128xf32, #tpu.memory_space<vmem_shared>>
        tpu.wait_dma2 semaphore(%run_scoped3A : memref<!tpu.dma_semaphore, #tpu.memory_space<semaphore_mem>>) src(%arg11 : memref<80x128xf32, #tpu.memory_space<vmem>>) dst(%dma_wait3A_98 : memref<80x128xf32, #tpu.memory_space<vmem_shared>>)
        tpu.yield
      }) : () -> ()
    }
    %barrier3A = arith.constant 0 : index
    tpu.barrier barrier_id(%barrier3A)
    %broadcast_in_dim3A = arith.constant 1.000000e+00 : f32
    %broadcast_in_dim3A_27 = vector.broadcast %broadcast_in_dim3A : f32 to vector<16xf32>
    %add3A_28 = arith.constant 0 : i32
    %add3A_29 = arith.addi %mul3A_2, %add3A_28 : i32
    %dma_start3A = tpu.memref_slice %arg4[%add3A_29] : memref<320000xi32, #tpu.memory_space<hbm>> -> memref<80xi32, #tpu.memory_space<hbm>>
    %dma_start3A_30 = tpu.memref_slice %arg4[%add3A_29] : memref<320000xi32, #tpu.memory_space<hbm>> -> memref<80xi32, #tpu.memory_space<hbm>>
    tpu.enqueue_dma source(%dma_start3A_30 : memref<80xi32, #tpu.memory_space<hbm>>) target(%arg9 : memref<80xi32, #tpu.memory_space<vmem>>) target_semaphore(%arg13 : memref<!tpu.dma_semaphore, #tpu.memory_space<semaphore_mem>>)
    %dma_start3A_31 = arith.constant 0 : i32
    %dma_start3A_32 = tpu.memref_slice %arg8[%dma_start3A_31] : memref<10000xi32, #tpu.memory_space<vmem>> -> memref<80xi32, #tpu.memory_space<vmem>>
    %dma_start3A_33 = arith.constant 0 : i32
    %dma_start3A_34 = arith.constant 0 : i32
    %dma_start3A_35 = tpu.memref_slice %arg2[%dma_start3A_33, %dma_start3A_34] : memref<10000x128xf32, #tpu.memory_space<hbm>> -> memref<10000x128xf32, #tpu.memory_space<hbm>>
    tpu.enqueue_indirect_dma source(%dma_start3A_35 : memref<10000x128xf32, #tpu.memory_space<hbm>>) target(%arg11 : memref<80x128xf32, #tpu.memory_space<vmem>>) offsets(%dma_start3A_32 : memref<80xi32, #tpu.memory_space<vmem>>) semaphore(%arg15 : memref<!tpu.dma_semaphore, #tpu.memory_space<semaphore_mem>>)
    %add3A_36 = arith.constant 80 : i32
    %add3A_37 = arith.addi %mul3A_2, %add3A_36 : i32
    %dma_start3A_38 = tpu.memref_slice %arg4[%add3A_37] : memref<320000xi32, #tpu.memory_space<hbm>> -> memref<80xi32, #tpu.memory_space<hbm>>
    %dma_start3A_39 = tpu.memref_slice %arg4[%add3A_37] : memref<320000xi32, #tpu.memory_space<hbm>> -> memref<80xi32, #tpu.memory_space<hbm>>
    tpu.enqueue_dma source(%dma_start3A_39 : memref<80xi32, #tpu.memory_space<hbm>>) target(%arg10 : memref<80xi32, #tpu.memory_space<vmem>>) target_semaphore(%arg14 : memref<!tpu.dma_semaphore, #tpu.memory_space<semaphore_mem>>)
    %dma_start3A_40 = arith.constant 80 : i32
    %dma_start3A_41 = tpu.memref_slice %arg8[%dma_start3A_40] : memref<10000xi32, #tpu.memory_space<vmem>> -> memref<80xi32, #tpu.memory_space<vmem>>
    %dma_start3A_42 = arith.constant 0 : i32
    %dma_start3A_43 = arith.constant 0 : i32
    %dma_start3A_44 = tpu.memref_slice %arg2[%dma_start3A_42, %dma_start3A_43] : memref<10000x128xf32, #tpu.memory_space<hbm>> -> memref<10000x128xf32, #tpu.memory_space<hbm>>
    tpu.enqueue_indirect_dma source(%dma_start3A_44 : memref<10000x128xf32, #tpu.memory_space<hbm>>) target(%arg12 : memref<80x128xf32, #tpu.memory_space<vmem>>) offsets(%dma_start3A_41 : memref<80xi32, #tpu.memory_space<vmem>>) semaphore(%arg16 : memref<!tpu.dma_semaphore, #tpu.memory_space<semaphore_mem>>)
    %scan3A_45 = arith.constant 0 : i32
    %scan3A_46 = arith.constant 62 : i32
    %scan3A_47 = arith.addi %scan3A_45, %scan3A_46 : i32
    %scan3A_48 = arith.constant 1 : i32
    scf.for %scan3A_86 = %scan3A_45 to %scan3A_47 step %scan3A_48  : i32 {
      %mul3A_87 = arith.constant 1 : i32
      %mul3A_88 = arith.muli %scan3A_86, %mul3A_87 : i32
      %add3A_89 = arith.constant 0 : i32
      %add3A_90 = arith.addi %add3A_89, %mul3A_88 : i32
      %mul3A_91 = arith.constant 2 : i32
      %mul3A_92 = arith.muli %add3A_90, %mul3A_91 : i32
      %add3A_93 = arith.constant 0 : i32
      %add3A_94 = arith.addi %mul3A_92, %add3A_93 : i32
      %dma_wait3A_95 = arith.constant 0 : i32
      %dma_wait3A_96 = tpu.memref_slice %arg4[%dma_wait3A_95] : memref<320000xi32, #tpu.memory_space<hbm>> -> memref<80xi32, #tpu.memory_space<hbm>>
      %dma_wait3A_97 = arith.constant 0 : i32
      %dma_wait3A_98 = tpu.memref_slice %arg4[%dma_wait3A_97] : memref<320000xi32, #tpu.memory_space<hbm>> -> memref<80xi32, #tpu.memory_space<hbm>>
      tpu.wait_dma2 semaphore(%arg13 : memref<!tpu.dma_semaphore, #tpu.memory_space<semaphore_mem>>) src(%dma_wait3A_98 : memref<80xi32, #tpu.memory_space<hbm>>) dst(%arg9 : memref<80xi32, #tpu.memory_space<vmem>>)
      %dma_wait3A_99 = arith.constant 0 : i32
      %dma_wait3A_100 = tpu.memref_slice %arg8[%dma_wait3A_99] : memref<10000xi32, #tpu.memory_space<vmem>> -> memref<80xi32, #tpu.memory_space<vmem>>
      %dma_wait3A_101 = arith.constant 0 : i32
      %dma_wait3A_102 = arith.constant 0 : i32
      %dma_wait3A_103 = tpu.memref_slice %arg2[%dma_wait3A_101, %dma_wait3A_102] : memref<10000x128xf32, #tpu.memory_space<hbm>> -> memref<10000x128xf32, #tpu.memory_space<hbm>>
      tpu.wait_indirect_dma semaphore(%arg15 : memref<!tpu.dma_semaphore, #tpu.memory_space<semaphore_mem>>) src(%dma_wait3A_103 : memref<10000x128xf32, #tpu.memory_space<hbm>>) dst(%arg11 : memref<80x128xf32, #tpu.memory_space<vmem>>)
      "tpu.region"() ({
        %run_scoped3A = tpu.sem_alloc : memref<!tpu.dma_semaphore, #tpu.memory_space<semaphore_mem>>
        %dma_start3A_148 = arith.constant 0 : i32
        %dma_start3A_149 = arith.constant 0 : i32
        %dma_start3A_150 = tpu.memref_slice %arg7[%dma_start3A_148, %dma_start3A_149] : memref<10000x128xf32, #tpu.memory_space<vmem_shared>> -> memref<10000x128xf32, #tpu.memory_space<vmem_shared>>
        tpu.enqueue_indirect_dma source(%arg11 : memref<80x128xf32, #tpu.memory_space<vmem>>) target(%dma_start3A_150 : memref<10000x128xf32, #tpu.memory_space<vmem_shared>>) offsets(%arg9 : memref<80xi32, #tpu.memory_space<vmem>>) semaphore(%run_scoped3A : memref<!tpu.dma_semaphore, #tpu.memory_space<semaphore_mem>>) {add = true}
        %dma_wait3A_151 = arith.constant 0 : i32
        %dma_wait3A_152 = arith.constant 0 : i32
        %dma_wait3A_153 = tpu.memref_slice %arg7[%dma_wait3A_151, %dma_wait3A_152] : memref<10000x128xf32, #tpu.memory_space<vmem_shared>> -> memref<10000x128xf32, #tpu.memory_space<vmem_shared>>
        tpu.wait_indirect_dma semaphore(%run_scoped3A : memref<!tpu.dma_semaphore, #tpu.memory_space<semaphore_mem>>) src(%arg11 : memref<80x128xf32, #tpu.memory_space<vmem>>) dst(%dma_wait3A_153 : memref<10000x128xf32, #tpu.memory_space<vmem_shared>>)
        tpu.yield
      }) : () -> ()
      %get3A_104 = arith.constant 0 : index
      %get3A_105 = tpu.vector_load %arg9[%get3A_104] {strides = array<i32>} : memref<80xi32, #tpu.memory_space<vmem>>, vector<16xi32>,
      tpu.vector_store_idx %arg17[%get3A_105], %broadcast_in_dim3A_27 {add = true} : memref<10000xf32, #tpu.memory_space<vmem>>[vector<16xi32>], vector<16xf32>,
      %get3A_106 = arith.constant 16 : index
      %get3A_107 = tpu.vector_load %arg9[%get3A_106] {strides = array<i32>} : memref<80xi32, #tpu.memory_space<vmem>>, vector<16xi32>,
      tpu.vector_store_idx %arg17[%get3A_107], %broadcast_in_dim3A_27 {add = true} : memref<10000xf32, #tpu.memory_space<vmem>>[vector<16xi32>], vector<16xf32>,
      %get3A_108 = arith.constant 32 : index
      %get3A_109 = tpu.vector_load %arg9[%get3A_108] {strides = array<i32>} : memref<80xi32, #tpu.memory_space<vmem>>, vector<16xi32>,
      tpu.vector_store_idx %arg17[%get3A_109], %broadcast_in_dim3A_27 {add = true} : memref<10000xf32, #tpu.memory_space<vmem>>[vector<16xi32>], vector<16xf32>,
      %get3A_110 = arith.constant 48 : index
      %get3A_111 = tpu.vector_load %arg9[%get3A_110] {strides = array<i32>} : memref<80xi32, #tpu.memory_space<vmem>>, vector<16xi32>,
      tpu.vector_store_idx %arg17[%get3A_111], %broadcast_in_dim3A_27 {add = true} : memref<10000xf32, #tpu.memory_space<vmem>>[vector<16xi32>], vector<16xf32>,
      %get3A_112 = arith.constant 64 : index
      %get3A_113 = tpu.vector_load %arg9[%get3A_112] {strides = array<i32>} : memref<80xi32, #tpu.memory_space<vmem>>, vector<16xi32>,
      tpu.vector_store_idx %arg17[%get3A_113], %broadcast_in_dim3A_27 {add = true} : memref<10000xf32, #tpu.memory_space<vmem>>[vector<16xi32>], vector<16xf32>,
      %add3A_114 = arith.constant 2 : i32
      %add3A_115 = arith.addi %add3A_94, %add3A_114 : i32
      %lt3A = arith.constant 125 : i32
      %lt3A_116 = arith.cmpi slt, %add3A_115, %lt3A : i32
      %convert_element_type3A = arith.extui %lt3A_116 : i1 to i32
      %cond3A = arith.constant 0 : i32
      %cond3A_117 = arith.cmpi ne, %convert_element_type3A, %cond3A : i32
      scf.if %cond3A_117 {
        %mul3A_148 = arith.constant 80 : i32
        %mul3A_149 = arith.muli %add3A_115, %mul3A_148 : i32
        %add3A_150 = arith.addi %mul3A_2, %mul3A_149 : i32
        %dma_start3A_151 = tpu.memref_slice %arg4[%add3A_150] : memref<320000xi32, #tpu.memory_space<hbm>> -> memref<80xi32, #tpu.memory_space<hbm>>
        %dma_start3A_152 = tpu.memref_slice %arg4[%add3A_150] : memref<320000xi32, #tpu.memory_space<hbm>> -> memref<80xi32, #tpu.memory_space<hbm>>
        tpu.enqueue_dma source(%dma_start3A_152 : memref<80xi32, #tpu.memory_space<hbm>>) target(%arg9 : memref<80xi32, #tpu.memory_space<vmem>>) target_semaphore(%arg13 : memref<!tpu.dma_semaphore, #tpu.memory_space<semaphore_mem>>)
        %mul3A_153 = arith.constant 80 : i32
        %mul3A_154 = arith.muli %add3A_115, %mul3A_153 : i32
        %dma_start3A_155 = tpu.memref_slice %arg8[%mul3A_154] : memref<10000xi32, #tpu.memory_space<vmem>> -> memref<80xi32, #tpu.memory_space<vmem>>
        %dma_start3A_156 = arith.constant 0 : i32
        %dma_start3A_157 = arith.constant 0 : i32
        %dma_start3A_158 = tpu.memref_slice %arg2[%dma_start3A_156, %dma_start3A_157] : memref<10000x128xf32, #tpu.memory_space<hbm>> -> memref<10000x128xf32, #tpu.memory_space<hbm>>
        tpu.enqueue_indirect_dma source(%dma_start3A_158 : memref<10000x128xf32, #tpu.memory_space<hbm>>) target(%arg11 : memref<80x128xf32, #tpu.memory_space<vmem>>) offsets(%dma_start3A_155 : memref<80xi32, #tpu.memory_space<vmem>>) semaphore(%arg15 : memref<!tpu.dma_semaphore, #tpu.memory_space<semaphore_mem>>)
      } else {
      }
      %mul3A_118 = arith.constant 2 : i32
      %mul3A_119 = arith.muli %add3A_90, %mul3A_118 : i32
      %add3A_120 = arith.constant 1 : i32
      %add3A_121 = arith.addi %mul3A_119, %add3A_120 : i32
      %dma_wait3A_122 = arith.constant 0 : i32
      %dma_wait3A_123 = tpu.memref_slice %arg4[%dma_wait3A_122] : memref<320000xi32, #tpu.memory_space<hbm>> -> memref<80xi32, #tpu.memory_space<hbm>>
      %dma_wait3A_124 = arith.constant 0 : i32
      %dma_wait3A_125 = tpu.memref_slice %arg4[%dma_wait3A_124] : memref<320000xi32, #tpu.memory_space<hbm>> -> memref<80xi32, #tpu.memory_space<hbm>>
      tpu.wait_dma2 semaphore(%arg14 : memref<!tpu.dma_semaphore, #tpu.memory_space<semaphore_mem>>) src(%dma_wait3A_125 : memref<80xi32, #tpu.memory_space<hbm>>) dst(%arg10 : memref<80xi32, #tpu.memory_space<vmem>>)
      %dma_wait3A_126 = arith.constant 0 : i32
      %dma_wait3A_127 = tpu.memref_slice %arg8[%dma_wait3A_126] : memref<10000xi32, #tpu.memory_space<vmem>> -> memref<80xi32, #tpu.memory_space<vmem>>
      %dma_wait3A_128 = arith.constant 0 : i32
      %dma_wait3A_129 = arith.constant 0 : i32
      %dma_wait3A_130 = tpu.memref_slice %arg2[%dma_wait3A_128, %dma_wait3A_129] : memref<10000x128xf32, #tpu.memory_space<hbm>> -> memref<10000x128xf32, #tpu.memory_space<hbm>>
      tpu.wait_indirect_dma semaphore(%arg16 : memref<!tpu.dma_semaphore, #tpu.memory_space<semaphore_mem>>) src(%dma_wait3A_130 : memref<10000x128xf32, #tpu.memory_space<hbm>>) dst(%arg12 : memref<80x128xf32, #tpu.memory_space<vmem>>)
      "tpu.region"() ({
        %run_scoped3A = tpu.sem_alloc : memref<!tpu.dma_semaphore, #tpu.memory_space<semaphore_mem>>
        %dma_start3A_148 = arith.constant 0 : i32
        %dma_start3A_149 = arith.constant 0 : i32
        %dma_start3A_150 = tpu.memref_slice %arg7[%dma_start3A_148, %dma_start3A_149] : memref<10000x128xf32, #tpu.memory_space<vmem_shared>> -> memref<10000x128xf32, #tpu.memory_space<vmem_shared>>
        tpu.enqueue_indirect_dma source(%arg12 : memref<80x128xf32, #tpu.memory_space<vmem>>) target(%dma_start3A_150 : memref<10000x128xf32, #tpu.memory_space<vmem_shared>>) offsets(%arg10 : memref<80xi32, #tpu.memory_space<vmem>>) semaphore(%run_scoped3A : memref<!tpu.dma_semaphore, #tpu.memory_space<semaphore_mem>>) {add = true}
        %dma_wait3A_151 = arith.constant 0 : i32
        %dma_wait3A_152 = arith.constant 0 : i32
        %dma_wait3A_153 = tpu.memref_slice %arg7[%dma_wait3A_151, %dma_wait3A_152] : memref<10000x128xf32, #tpu.memory_space<vmem_shared>> -> memref<10000x128xf32, #tpu.memory_space<vmem_shared>>
        tpu.wait_indirect_dma semaphore(%run_scoped3A : memref<!tpu.dma_semaphore, #tpu.memory_space<semaphore_mem>>) src(%arg12 : memref<80x128xf32, #tpu.memory_space<vmem>>) dst(%dma_wait3A_153 : memref<10000x128xf32, #tpu.memory_space<vmem_shared>>)
        tpu.yield
      }) : () -> ()
      %get3A_131 = arith.constant 0 : index
      %get3A_132 = tpu.vector_load %arg10[%get3A_131] {strides = array<i32>} : memref<80xi32, #tpu.memory_space<vmem>>, vector<16xi32>,
      tpu.vector_store_idx %arg17[%get3A_132], %broadcast_in_dim3A_27 {add = true} : memref<10000xf32, #tpu.memory_space<vmem>>[vector<16xi32>], vector<16xf32>,
      %get3A_133 = arith.constant 16 : index
      %get3A_134 = tpu.vector_load %arg10[%get3A_133] {strides = array<i32>} : memref<80xi32, #tpu.memory_space<vmem>>, vector<16xi32>,
      tpu.vector_store_idx %arg17[%get3A_134], %broadcast_in_dim3A_27 {add = true} : memref<10000xf32, #tpu.memory_space<vmem>>[vector<16xi32>], vector<16xf32>,
      %get3A_135 = arith.constant 32 : index
      %get3A_136 = tpu.vector_load %arg10[%get3A_135] {strides = array<i32>} : memref<80xi32, #tpu.memory_space<vmem>>, vector<16xi32>,
      tpu.vector_store_idx %arg17[%get3A_136], %broadcast_in_dim3A_27 {add = true} : memref<10000xf32, #tpu.memory_space<vmem>>[vector<16xi32>], vector<16xf32>,
      %get3A_137 = arith.constant 48 : index
      %get3A_138 = tpu.vector_load %arg10[%get3A_137] {strides = array<i32>} : memref<80xi32, #tpu.memory_space<vmem>>, vector<16xi32>,
      tpu.vector_store_idx %arg17[%get3A_138], %broadcast_in_dim3A_27 {add = true} : memref<10000xf32, #tpu.memory_space<vmem>>[vector<16xi32>], vector<16xf32>,
      %get3A_139 = arith.constant 64 : index
      %get3A_140 = tpu.vector_load %arg10[%get3A_139] {strides = array<i32>} : memref<80xi32, #tpu.memory_space<vmem>>, vector<16xi32>,
      tpu.vector_store_idx %arg17[%get3A_140], %broadcast_in_dim3A_27 {add = true} : memref<10000xf32, #tpu.memory_space<vmem>>[vector<16xi32>], vector<16xf32>,
      %add3A_141 = arith.constant 2 : i32
      %add3A_142 = arith.addi %add3A_121, %add3A_141 : i32
      %lt3A_143 = arith.constant 125 : i32
      %lt3A_144 = arith.cmpi slt, %add3A_142, %lt3A_143 : i32
      %convert_element_type3A_145 = arith.extui %lt3A_144 : i1 to i32
      %cond3A_146 = arith.constant 0 : i32
      %cond3A_147 = arith.cmpi ne, %convert_element_type3A_145, %cond3A_146 : i32
      scf.if %cond3A_147 {
        %mul3A_148 = arith.constant 80 : i32
        %mul3A_149 = arith.muli %add3A_142, %mul3A_148 : i32
        %add3A_150 = arith.addi %mul3A_2, %mul3A_149 : i32
        %dma_start3A_151 = tpu.memref_slice %arg4[%add3A_150] : memref<320000xi32, #tpu.memory_space<hbm>> -> memref<80xi32, #tpu.memory_space<hbm>>
        %dma_start3A_152 = tpu.memref_slice %arg4[%add3A_150] : memref<320000xi32, #tpu.memory_space<hbm>> -> memref<80xi32, #tpu.memory_space<hbm>>
        tpu.enqueue_dma source(%dma_start3A_152 : memref<80xi32, #tpu.memory_space<hbm>>) target(%arg10 : memref<80xi32, #tpu.memory_space<vmem>>) target_semaphore(%arg14 : memref<!tpu.dma_semaphore, #tpu.memory_space<semaphore_mem>>)
        %mul3A_153 = arith.constant 80 : i32
        %mul3A_154 = arith.muli %add3A_142, %mul3A_153 : i32
        %dma_start3A_155 = tpu.memref_slice %arg8[%mul3A_154] : memref<10000xi32, #tpu.memory_space<vmem>> -> memref<80xi32, #tpu.memory_space<vmem>>
        %dma_start3A_156 = arith.constant 0 : i32
        %dma_start3A_157 = arith.constant 0 : i32
        %dma_start3A_158 = tpu.memref_slice %arg2[%dma_start3A_156, %dma_start3A_157] : memref<10000x128xf32, #tpu.memory_space<hbm>> -> memref<10000x128xf32, #tpu.memory_space<hbm>>
        tpu.enqueue_indirect_dma source(%dma_start3A_158 : memref<10000x128xf32, #tpu.memory_space<hbm>>) target(%arg12 : memref<80x128xf32, #tpu.memory_space<vmem>>) offsets(%dma_start3A_155 : memref<80xi32, #tpu.memory_space<vmem>>) semaphore(%arg16 : memref<!tpu.dma_semaphore, #tpu.memory_space<semaphore_mem>>)
      } else {
      }
    }
    %scan3A_49 = arith.constant 62 : i32
    %dma_wait3A = arith.constant 0 : i32
    %dma_wait3A_50 = tpu.memref_slice %arg4[%dma_wait3A] : memref<320000xi32, #tpu.memory_space<hbm>> -> memref<80xi32, #tpu.memory_space<hbm>>
    %dma_wait3A_51 = arith.constant 0 : i32
    %dma_wait3A_52 = tpu.memref_slice %arg4[%dma_wait3A_51] : memref<320000xi32, #tpu.memory_space<hbm>> -> memref<80xi32, #tpu.memory_space<hbm>>
    tpu.wait_dma2 semaphore(%arg13 : memref<!tpu.dma_semaphore, #tpu.memory_space<semaphore_mem>>) src(%dma_wait3A_52 : memref<80xi32, #tpu.memory_space<hbm>>) dst(%arg9 : memref<80xi32, #tpu.memory_space<vmem>>)
    %dma_wait3A_53 = arith.constant 0 : i32
    %dma_wait3A_54 = tpu.memref_slice %arg8[%dma_wait3A_53] : memref<10000xi32, #tpu.memory_space<vmem>> -> memref<80xi32, #tpu.memory_space<vmem>>
    %dma_wait3A_55 = arith.constant 0 : i32
    %dma_wait3A_56 = arith.constant 0 : i32
    %dma_wait3A_57 = tpu.memref_slice %arg2[%dma_wait3A_55, %dma_wait3A_56] : memref<10000x128xf32, #tpu.memory_space<hbm>> -> memref<10000x128xf32, #tpu.memory_space<hbm>>
    tpu.wait_indirect_dma semaphore(%arg15 : memref<!tpu.dma_semaphore, #tpu.memory_space<semaphore_mem>>) src(%dma_wait3A_57 : memref<10000x128xf32, #tpu.memory_space<hbm>>) dst(%arg11 : memref<80x128xf32, #tpu.memory_space<vmem>>)
    "tpu.region"() ({
      %run_scoped3A = tpu.sem_alloc : memref<!tpu.dma_semaphore, #tpu.memory_space<semaphore_mem>>
      %dma_start3A_86 = arith.constant 0 : i32
      %dma_start3A_87 = arith.constant 0 : i32
      %dma_start3A_88 = tpu.memref_slice %arg7[%dma_start3A_86, %dma_start3A_87] : memref<10000x128xf32, #tpu.memory_space<vmem_shared>> -> memref<10000x128xf32, #tpu.memory_space<vmem_shared>>
      tpu.enqueue_indirect_dma source(%arg11 : memref<80x128xf32, #tpu.memory_space<vmem>>) target(%dma_start3A_88 : memref<10000x128xf32, #tpu.memory_space<vmem_shared>>) offsets(%arg9 : memref<80xi32, #tpu.memory_space<vmem>>) semaphore(%run_scoped3A : memref<!tpu.dma_semaphore, #tpu.memory_space<semaphore_mem>>) {add = true}
      %dma_wait3A_89 = arith.constant 0 : i32
      %dma_wait3A_90 = arith.constant 0 : i32
      %dma_wait3A_91 = tpu.memref_slice %arg7[%dma_wait3A_89, %dma_wait3A_90] : memref<10000x128xf32, #tpu.memory_space<vmem_shared>> -> memref<10000x128xf32, #tpu.memory_space<vmem_shared>>
      tpu.wait_indirect_dma semaphore(%run_scoped3A : memref<!tpu.dma_semaphore, #tpu.memory_space<semaphore_mem>>) src(%arg11 : memref<80x128xf32, #tpu.memory_space<vmem>>) dst(%dma_wait3A_91 : memref<10000x128xf32, #tpu.memory_space<vmem_shared>>)
      tpu.yield
    }) : () -> ()
    %get3A = arith.constant 0 : index
    %get3A_58 = tpu.vector_load %arg9[%get3A] {strides = array<i32>} : memref<80xi32, #tpu.memory_space<vmem>>, vector<16xi32>,
    tpu.vector_store_idx %arg17[%get3A_58], %broadcast_in_dim3A_27 {add = true} : memref<10000xf32, #tpu.memory_space<vmem>>[vector<16xi32>], vector<16xf32>,
    %get3A_59 = arith.constant 16 : index
    %get3A_60 = tpu.vector_load %arg9[%get3A_59] {strides = array<i32>} : memref<80xi32, #tpu.memory_space<vmem>>, vector<16xi32>,
    tpu.vector_store_idx %arg17[%get3A_60], %broadcast_in_dim3A_27 {add = true} : memref<10000xf32, #tpu.memory_space<vmem>>[vector<16xi32>], vector<16xf32>,
    %get3A_61 = arith.constant 32 : index
    %get3A_62 = tpu.vector_load %arg9[%get3A_61] {strides = array<i32>} : memref<80xi32, #tpu.memory_space<vmem>>, vector<16xi32>,
    tpu.vector_store_idx %arg17[%get3A_62], %broadcast_in_dim3A_27 {add = true} : memref<10000xf32, #tpu.memory_space<vmem>>[vector<16xi32>], vector<16xf32>,
    %get3A_63 = arith.constant 48 : index
    %get3A_64 = tpu.vector_load %arg9[%get3A_63] {strides = array<i32>} : memref<80xi32, #tpu.memory_space<vmem>>, vector<16xi32>,
    tpu.vector_store_idx %arg17[%get3A_64], %broadcast_in_dim3A_27 {add = true} : memref<10000xf32, #tpu.memory_space<vmem>>[vector<16xi32>], vector<16xf32>,
    %get3A_65 = arith.constant 64 : index
    %get3A_66 = tpu.vector_load %arg9[%get3A_65] {strides = array<i32>} : memref<80xi32, #tpu.memory_space<vmem>>, vector<16xi32>,
    tpu.vector_store_idx %arg17[%get3A_66], %broadcast_in_dim3A_27 {add = true} : memref<10000xf32, #tpu.memory_space<vmem>>[vector<16xi32>], vector<16xf32>,
    %barrier3A_67 = arith.constant 0 : index
    tpu.barrier barrier_id(%barrier3A_67)
    %sub3A_68 = arith.constant 125 : i32
    %sub3A_69 = arith.subi %sub3A_68, %arg1 : i32
    %sub3A_70 = arith.constant 16 : i32
    %sub3A_71 = arith.constant 1 : i32
    %sub3A_72 = arith.subi %sub3A_70, %sub3A_71 : i32
    %add3A_73 = arith.addi %sub3A_69, %sub3A_72 : i32
    %div3A_74 = arith.constant 16 : i32
    %div3A_75 = arith.divsi %add3A_73, %div3A_74 : i32
    %while3A_76 = arith.constant 16 : i32
    %while3A_77 = arith.constant 0 : i32
    %while3A_78 = arith.subi %div3A_75, %while3A_77 : i32
    %while3A_79 = arith.addi %while3A_77, %while3A_78 : i32
    %while3A_80 = arith.constant 1 : i32
    %while3A_81 = arith.divsi %while3A_78, %while3A_80 : i32
    %while3A_82 = arith.muli %while3A_81, %while3A_80 : i32
    %while3A_83 = arith.addi %while3A_77, %while3A_82 : i32
    %while3A_84 = arith.constant 1 : i32
    scf.for %while3A_86 = %while3A_77 to %while3A_83 step %while3A_84  : i32 {
      %mul3A_87 = arith.muli %while3A_86, %while3A_76 : i32
      %add3A_88 = arith.addi %arg1, %mul3A_87 : i32
      %mul3A_89 = arith.constant 80 : i32
      %mul3A_90 = arith.muli %add3A_88, %mul3A_89 : i32
      "tpu.region"() ({
        %run_scoped3A = tpu.sem_alloc : memref<!tpu.dma_semaphore, #tpu.memory_space<semaphore_mem>>
        %dma_start3A_93 = arith.constant 0 : i32
        %dma_start3A_94 = tpu.memref_slice %arg7[%mul3A_90, %dma_start3A_93] : memref<10000x128xf32, #tpu.memory_space<vmem_shared>> -> memref<80x128xf32, #tpu.memory_space<vmem_shared>>
        %dma_start3A_95 = arith.constant 0 : i32
        %dma_start3A_96 = tpu.memref_slice %arg7[%mul3A_90, %dma_start3A_95] : memref<10000x128xf32, #tpu.memory_space<vmem_shared>> -> memref<80x128xf32, #tpu.memory_space<vmem_shared>>
        tpu.enqueue_dma source(%dma_start3A_96 : memref<80x128xf32, #tpu.memory_space<vmem_shared>>) target(%arg11 : memref<80x128xf32, #tpu.memory_space<vmem>>) target_semaphore(%run_scoped3A : memref<!tpu.dma_semaphore, #tpu.memory_space<semaphore_mem>>)
        %dma_wait3A_97 = arith.constant 0 : i32
        %dma_wait3A_98 = tpu.memref_slice %arg7[%mul3A_90, %dma_wait3A_97] : memref<10000x128xf32, #tpu.memory_space<vmem_shared>> -> memref<80x128xf32, #tpu.memory_space<vmem_shared>>
        %dma_wait3A_99 = arith.constant 0 : i32
        %dma_wait3A_100 = tpu.memref_slice %arg7[%mul3A_90, %dma_wait3A_99] : memref<10000x128xf32, #tpu.memory_space<vmem_shared>> -> memref<80x128xf32, #tpu.memory_space<vmem_shared>>
        tpu.wait_dma2 semaphore(%run_scoped3A : memref<!tpu.dma_semaphore, #tpu.memory_space<semaphore_mem>>) src(%dma_wait3A_100 : memref<80x128xf32, #tpu.memory_space<vmem_shared>>) dst(%arg11 : memref<80x128xf32, #tpu.memory_space<vmem>>)
        tpu.yield
      }) : () -> ()
      %mul3A_91 = arith.constant 80 : i32
      %mul3A_92 = arith.muli %add3A_88, %mul3A_91 : i32
      "tpu.region"() ({
        %run_scoped3A = tpu.sem_alloc : memref<!tpu.dma_semaphore, #tpu.memory_space<semaphore_mem>>
        %dma_start3A_93 = arith.constant 0 : i32
        %dma_start3A_94 = tpu.memref_slice %arg5[%arg0, %mul3A_92, %dma_start3A_93] : memref<2x10000x128xf32, #tpu.memory_space<hbm>> -> memref<1x80x128xf32, #tpu.memory_space<hbm>>
        %dma_start3A_95 = tpu.memref_squeeze %dma_start3A_94 : memref<1x80x128xf32, #tpu.memory_space<hbm>> -> memref<80x128xf32, #tpu.memory_space<hbm>>
        %dma_start3A_96 = arith.constant 0 : i32
        %dma_start3A_97 = tpu.memref_slice %arg5[%arg0, %mul3A_92, %dma_start3A_96] : memref<2x10000x128xf32, #tpu.memory_space<hbm>> -> memref<1x80x128xf32, #tpu.memory_space<hbm>>
        %dma_start3A_98 = tpu.memref_squeeze %dma_start3A_97 : memref<1x80x128xf32, #tpu.memory_space<hbm>> -> memref<80x128xf32, #tpu.memory_space<hbm>>
        tpu.enqueue_dma source(%arg11 : memref<80x128xf32, #tpu.memory_space<vmem>>) target(%dma_start3A_98 : memref<80x128xf32, #tpu.memory_space<hbm>>) target_semaphore(%run_scoped3A : memref<!tpu.dma_semaphore, #tpu.memory_space<semaphore_mem>>)
        %dma_wait3A_99 = arith.constant 0 : i32
        %dma_wait3A_100 = tpu.memref_slice %arg5[%arg0, %mul3A_92, %dma_wait3A_99] : memref<2x10000x128xf32, #tpu.memory_space<hbm>> -> memref<1x80x128xf32, #tpu.memory_space<hbm>>
        %dma_wait3A_101 = tpu.memref_squeeze %dma_wait3A_100 : memref<1x80x128xf32, #tpu.memory_space<hbm>> -> memref<80x128xf32, #tpu.memory_space<hbm>>
        %dma_wait3A_102 = arith.constant 0 : i32
        %dma_wait3A_103 = tpu.memref_slice %arg5[%arg0, %mul3A_92, %dma_wait3A_102] : memref<2x10000x128xf32, #tpu.memory_space<hbm>> -> memref<1x80x128xf32, #tpu.memory_space<hbm>>
        %dma_wait3A_104 = tpu.memref_squeeze %dma_wait3A_103 : memref<1x80x128xf32, #tpu.memory_space<hbm>> -> memref<80x128xf32, #tpu.memory_space<hbm>>
        tpu.wait_dma2 semaphore(%run_scoped3A : memref<!tpu.dma_semaphore, #tpu.memory_space<semaphore_mem>>) src(%arg11 : memref<80x128xf32, #tpu.memory_space<vmem>>) dst(%dma_wait3A_104 : memref<80x128xf32, #tpu.memory_space<hbm>>)
        tpu.yield
      }) : () -> ()
    }
    %while3A_85 = arith.constant 1 : i32
    scf.for %while3A_86 = %while3A_83 to %while3A_79 step %while3A_85  : i32 {
      %mul3A_87 = arith.muli %while3A_86, %while3A_76 : i32
      %add3A_88 = arith.addi %arg1, %mul3A_87 : i32
      %mul3A_89 = arith.constant 80 : i32
      %mul3A_90 = arith.muli %add3A_88, %mul3A_89 : i32
      "tpu.region"() ({
        %run_scoped3A = tpu.sem_alloc : memref<!tpu.dma_semaphore, #tpu.memory_space<semaphore_mem>>
        %dma_start3A_93 = arith.constant 0 : i32
        %dma_start3A_94 = tpu.memref_slice %arg7[%mul3A_90, %dma_start3A_93] : memref<10000x128xf32, #tpu.memory_space<vmem_shared>> -> memref<80x128xf32, #tpu.memory_space<vmem_shared>>
        %dma_start3A_95 = arith.constant 0 : i32
        %dma_start3A_96 = tpu.memref_slice %arg7[%mul3A_90, %dma_start3A_95] : memref<10000x128xf32, #tpu.memory_space<vmem_shared>> -> memref<80x128xf32, #tpu.memory_space<vmem_shared>>
        tpu.enqueue_dma source(%dma_start3A_96 : memref<80x128xf32, #tpu.memory_space<vmem_shared>>) target(%arg11 : memref<80x128xf32, #tpu.memory_space<vmem>>) target_semaphore(%run_scoped3A : memref<!tpu.dma_semaphore, #tpu.memory_space<semaphore_mem>>)
        %dma_wait3A_97 = arith.constant 0 : i32
        %dma_wait3A_98 = tpu.memref_slice %arg7[%mul3A_90, %dma_wait3A_97] : memref<10000x128xf32, #tpu.memory_space<vmem_shared>> -> memref<80x128xf32, #tpu.memory_space<vmem_shared>>
        %dma_wait3A_99 = arith.constant 0 : i32
        %dma_wait3A_100 = tpu.memref_slice %arg7[%mul3A_90, %dma_wait3A_99] : memref<10000x128xf32, #tpu.memory_space<vmem_shared>> -> memref<80x128xf32, #tpu.memory_space<vmem_shared>>
        tpu.wait_dma2 semaphore(%run_scoped3A : memref<!tpu.dma_semaphore, #tpu.memory_space<semaphore_mem>>) src(%dma_wait3A_100 : memref<80x128xf32, #tpu.memory_space<vmem_shared>>) dst(%arg11 : memref<80x128xf32, #tpu.memory_space<vmem>>)
        tpu.yield
      }) : () -> ()
      %mul3A_91 = arith.constant 80 : i32
      %mul3A_92 = arith.muli %add3A_88, %mul3A_91 : i32
      "tpu.region"() ({
        %run_scoped3A = tpu.sem_alloc : memref<!tpu.dma_semaphore, #tpu.memory_space<semaphore_mem>>
        %dma_start3A_93 = arith.constant 0 : i32
        %dma_start3A_94 = tpu.memref_slice %arg5[%arg0, %mul3A_92, %dma_start3A_93] : memref<2x10000x128xf32, #tpu.memory_space<hbm>> -> memref<1x80x128xf32, #tpu.memory_space<hbm>>
        %dma_start3A_95 = tpu.memref_squeeze %dma_start3A_94 : memref<1x80x128xf32, #tpu.memory_space<hbm>> -> memref<80x128xf32, #tpu.memory_space<hbm>>
        %dma_start3A_96 = arith.constant 0 : i32
        %dma_start3A_97 = tpu.memref_slice %arg5[%arg0, %mul3A_92, %dma_start3A_96] : memref<2x10000x128xf32, #tpu.memory_space<hbm>> -> memref<1x80x128xf32, #tpu.memory_space<hbm>>
        %dma_start3A_98 = tpu.memref_squeeze %dma_start3A_97 : memref<1x80x128xf32, #tpu.memory_space<hbm>> -> memref<80x128xf32, #tpu.memory_space<hbm>>
        tpu.enqueue_dma source(%arg11 : memref<80x128xf32, #tpu.memory_space<vmem>>) target(%dma_start3A_98 : memref<80x128xf32, #tpu.memory_space<hbm>>) target_semaphore(%run_scoped3A : memref<!tpu.dma_semaphore, #tpu.memory_space<semaphore_mem>>)
        %dma_wait3A_99 = arith.constant 0 : i32
        %dma_wait3A_100 = tpu.memref_slice %arg5[%arg0, %mul3A_92, %dma_wait3A_99] : memref<2x10000x128xf32, #tpu.memory_space<hbm>> -> memref<1x80x128xf32, #tpu.memory_space<hbm>>
        %dma_wait3A_101 = tpu.memref_squeeze %dma_wait3A_100 : memref<1x80x128xf32, #tpu.memory_space<hbm>> -> memref<80x128xf32, #tpu.memory_space<hbm>>
        %dma_wait3A_102 = arith.constant 0 : i32
        %dma_wait3A_103 = tpu.memref_slice %arg5[%arg0, %mul3A_92, %dma_wait3A_102] : memref<2x10000x128xf32, #tpu.memory_space<hbm>> -> memref<1x80x128xf32, #tpu.memory_space<hbm>>
        %dma_wait3A_104 = tpu.memref_squeeze %dma_wait3A_103 : memref<1x80x128xf32, #tpu.memory_space<hbm>> -> memref<80x128xf32, #tpu.memory_space<hbm>>
        tpu.wait_dma2 semaphore(%run_scoped3A : memref<!tpu.dma_semaphore, #tpu.memory_space<semaphore_mem>>) src(%arg11 : memref<80x128xf32, #tpu.memory_space<vmem>>) dst(%dma_wait3A_104 : memref<80x128xf32, #tpu.memory_space<hbm>>)
        tpu.yield
      }) : () -> ()
    }
    "tpu.region"() ({
      %run_scoped3A = tpu.sem_alloc : memref<!tpu.dma_semaphore, #tpu.memory_space<semaphore_mem>>
      %dma_start3A_86 = arith.constant 0 : i32
      %dma_start3A_87 = tpu.memref_slice %arg6[%add3A, %dma_start3A_86] : memref<32x10000xf32, #tpu.memory_space<hbm>> -> memref<1x10000xf32, #tpu.memory_space<hbm>>
      %dma_start3A_88 = tpu.memref_squeeze %dma_start3A_87 : memref<1x10000xf32, #tpu.memory_space<hbm>> -> memref<10000xf32, #tpu.memory_space<hbm>>
      %dma_start3A_89 = arith.constant 0 : i32
      %dma_start3A_90 = tpu.memref_slice %arg6[%add3A, %dma_start3A_89] : memref<32x10000xf32, #tpu.memory_space<hbm>> -> memref<1x10000xf32, #tpu.memory_space<hbm>>
      %dma_start3A_91 = tpu.memref_squeeze %dma_start3A_90 : memref<1x10000xf32, #tpu.memory_space<hbm>> -> memref<10000xf32, #tpu.memory_space<hbm>>
      tpu.enqueue_dma source(%arg17 : memref<10000xf32, #tpu.memory_space<vmem>>) target(%dma_start3A_91 : memref<10000xf32, #tpu.memory_space<hbm>>) target_semaphore(%run_scoped3A : memref<!tpu.dma_semaphore, #tpu.memory_space<semaphore_mem>>)
      %dma_wait3A_92 = arith.constant 0 : i32
      %dma_wait3A_93 = tpu.memref_slice %arg6[%add3A, %dma_wait3A_92] : memref<32x10000xf32, #tpu.memory_space<hbm>> -> memref<1x10000xf32, #tpu.memory_space<hbm>>
      %dma_wait3A_94 = tpu.memref_squeeze %dma_wait3A_93 : memref<1x10000xf32, #tpu.memory_space<hbm>> -> memref<10000xf32, #tpu.memory_space<hbm>>
      %dma_wait3A_95 = arith.constant 0 : i32
      %dma_wait3A_96 = tpu.memref_slice %arg6[%add3A, %dma_wait3A_95] : memref<32x10000xf32, #tpu.memory_space<hbm>> -> memref<1x10000xf32, #tpu.memory_space<hbm>>
      %dma_wait3A_97 = tpu.memref_squeeze %dma_wait3A_96 : memref<1x10000xf32, #tpu.memory_space<hbm>> -> memref<10000xf32, #tpu.memory_space<hbm>>
      tpu.wait_dma2 semaphore(%run_scoped3A : memref<!tpu.dma_semaphore, #tpu.memory_space<semaphore_mem>>) src(%arg17 : memref<10000xf32, #tpu.memory_space<vmem>>) dst(%dma_wait3A_97 : memref<10000xf32, #tpu.memory_space<hbm>>)
      tpu.yield
    }) : () -> ()
    return
  }
}

#map = affine_map<(d0, d1) -> (0, 0)>
#map1 = affine_map<(d0, d1) -> (0)>
module attributes {stable_mosaic.version = 14 : i64} {
  func.func @body(%arg0: i32, %arg1: i32, %arg2: memref<10000x128xf32, #tpu.memory_space<hbm>>, %arg3: memref<50000xi32, #tpu.memory_space<hbm>>, %arg4: memref<50000xi32, #tpu.memory_space<hbm>>, %arg5: memref<50000x128xf32, #tpu.memory_space<hbm>>, %arg6: memref<50000x128xf32, #tpu.memory_space<hbm>>, %arg7: memref<80xi32, #tpu.memory_space<vmem>>, %arg8: memref<80xi32, #tpu.memory_space<vmem>>, %arg9: memref<80xi32, #tpu.memory_space<vmem>>, %arg10: memref<80xi32, #tpu.memory_space<vmem>>, %arg11: memref<80x128xf32, #tpu.memory_space<vmem>>, %arg12: memref<80x128xf32, #tpu.memory_space<vmem>>, %arg13: memref<80x128xf32, #tpu.memory_space<vmem>>, %arg14: memref<80x128xf32, #tpu.memory_space<vmem>>, %arg15: memref<!tpu.dma_semaphore, #tpu.memory_space<semaphore_mem>>, %arg16: memref<!tpu.dma_semaphore, #tpu.memory_space<semaphore_mem>>, %arg17: memref<!tpu.dma_semaphore, #tpu.memory_space<semaphore_mem>>, %arg18: memref<!tpu.dma_semaphore, #tpu.memory_space<semaphore_mem>>, %arg19: memref<!tpu.dma_semaphore, #tpu.memory_space<semaphore_mem>>, %arg20: memref<!tpu.dma_semaphore, #tpu.memory_space<semaphore_mem>>, %arg21: memref<!tpu.dma_semaphore, #tpu.memory_space<semaphore_mem>>, %arg22: memref<!tpu.dma_semaphore, #tpu.memory_space<semaphore_mem>>) attributes {dimension_semantics = [#tpu.dimension_semantics<core_parallel>, #tpu.dimension_semantics<subcore_parallel>], iteration_bounds = array<i64: 2, 16>, scalar_prefetch = 0 : i64, scratch_operands = 16 : i64, tpu.core_type = #tpu.core_type<sc_vector_subcore>, window_params = [{transform_indices = #map}, {transform_indices = #map1}, {transform_indices = #map1}, {transform_indices = #map}, {transform_indices = #map}]} {
    %mul3A = arith.constant 16 : i32
    %mul3A_0 = arith.muli %arg0, %mul3A : i32
    %add3A = arith.addi %mul3A_0, %arg1 : i32
    %add3A_1 = arith.constant 0 : i32
    %add3A_2 = arith.addi %add3A, %add3A_1 : i32
    %min3A = arith.constant 624 : i32
    %min3A_3 = arith.minsi %add3A_2, %min3A : i32
    %mul3A_4 = arith.constant 80 : i32
    %mul3A_5 = arith.muli %min3A_3, %mul3A_4 : i32
    %dma_start3A = tpu.memref_slice %arg3[%mul3A_5] : memref<50000xi32, #tpu.memory_space<hbm>> -> memref<80xi32, #tpu.memory_space<hbm>>
    %dma_start3A_6 = tpu.memref_slice %arg3[%mul3A_5] : memref<50000xi32, #tpu.memory_space<hbm>> -> memref<80xi32, #tpu.memory_space<hbm>>
    tpu.enqueue_dma source(%dma_start3A_6 : memref<80xi32, #tpu.memory_space<hbm>>) target(%arg7 : memref<80xi32, #tpu.memory_space<vmem>>) target_semaphore(%arg15 : memref<!tpu.dma_semaphore, #tpu.memory_space<semaphore_mem>>)
    %dma_start3A_7 = tpu.memref_slice %arg4[%mul3A_5] : memref<50000xi32, #tpu.memory_space<hbm>> -> memref<80xi32, #tpu.memory_space<hbm>>
    %dma_start3A_8 = tpu.memref_slice %arg4[%mul3A_5] : memref<50000xi32, #tpu.memory_space<hbm>> -> memref<80xi32, #tpu.memory_space<hbm>>
    tpu.enqueue_dma source(%dma_start3A_8 : memref<80xi32, #tpu.memory_space<hbm>>) target(%arg9 : memref<80xi32, #tpu.memory_space<vmem>>) target_semaphore(%arg17 : memref<!tpu.dma_semaphore, #tpu.memory_space<semaphore_mem>>)
    %dma_wait3A = arith.constant 0 : i32
    %dma_wait3A_9 = tpu.memref_slice %arg3[%dma_wait3A] : memref<50000xi32, #tpu.memory_space<hbm>> -> memref<80xi32, #tpu.memory_space<hbm>>
    %dma_wait3A_10 = arith.constant 0 : i32
    %dma_wait3A_11 = tpu.memref_slice %arg3[%dma_wait3A_10] : memref<50000xi32, #tpu.memory_space<hbm>> -> memref<80xi32, #tpu.memory_space<hbm>>
    tpu.wait_dma2 semaphore(%arg15 : memref<!tpu.dma_semaphore, #tpu.memory_space<semaphore_mem>>) src(%dma_wait3A_11 : memref<80xi32, #tpu.memory_space<hbm>>) dst(%arg7 : memref<80xi32, #tpu.memory_space<vmem>>)
    %dma_wait3A_12 = arith.constant 0 : i32
    %dma_wait3A_13 = tpu.memref_slice %arg4[%dma_wait3A_12] : memref<50000xi32, #tpu.memory_space<hbm>> -> memref<80xi32, #tpu.memory_space<hbm>>
    %dma_wait3A_14 = arith.constant 0 : i32
    %dma_wait3A_15 = tpu.memref_slice %arg4[%dma_wait3A_14] : memref<50000xi32, #tpu.memory_space<hbm>> -> memref<80xi32, #tpu.memory_space<hbm>>
    tpu.wait_dma2 semaphore(%arg17 : memref<!tpu.dma_semaphore, #tpu.memory_space<semaphore_mem>>) src(%dma_wait3A_15 : memref<80xi32, #tpu.memory_space<hbm>>) dst(%arg9 : memref<80xi32, #tpu.memory_space<vmem>>)
    %dma_start3A_16 = arith.constant 0 : i32
    %dma_start3A_17 = arith.constant 0 : i32
    %dma_start3A_18 = tpu.memref_slice %arg2[%dma_start3A_16, %dma_start3A_17] : memref<10000x128xf32, #tpu.memory_space<hbm>> -> memref<10000x128xf32, #tpu.memory_space<hbm>>
    tpu.enqueue_indirect_dma source(%dma_start3A_18 : memref<10000x128xf32, #tpu.memory_space<hbm>>) target(%arg11 : memref<80x128xf32, #tpu.memory_space<vmem>>) offsets(%arg7 : memref<80xi32, #tpu.memory_space<vmem>>) semaphore(%arg19 : memref<!tpu.dma_semaphore, #tpu.memory_space<semaphore_mem>>)
    %dma_start3A_19 = arith.constant 0 : i32
    %dma_start3A_20 = arith.constant 0 : i32
    %dma_start3A_21 = tpu.memref_slice %arg2[%dma_start3A_19, %dma_start3A_20] : memref<10000x128xf32, #tpu.memory_space<hbm>> -> memref<10000x128xf32, #tpu.memory_space<hbm>>
    tpu.enqueue_indirect_dma source(%dma_start3A_21 : memref<10000x128xf32, #tpu.memory_space<hbm>>) target(%arg13 : memref<80x128xf32, #tpu.memory_space<vmem>>) offsets(%arg9 : memref<80xi32, #tpu.memory_space<vmem>>) semaphore(%arg21 : memref<!tpu.dma_semaphore, #tpu.memory_space<semaphore_mem>>)
    %add3A_22 = arith.constant 32 : i32
    %add3A_23 = arith.addi %add3A, %add3A_22 : i32
    %min3A_24 = arith.constant 624 : i32
    %min3A_25 = arith.minsi %add3A_23, %min3A_24 : i32
    %mul3A_26 = arith.constant 80 : i32
    %mul3A_27 = arith.muli %min3A_25, %mul3A_26 : i32
    %dma_start3A_28 = tpu.memref_slice %arg3[%mul3A_27] : memref<50000xi32, #tpu.memory_space<hbm>> -> memref<80xi32, #tpu.memory_space<hbm>>
    %dma_start3A_29 = tpu.memref_slice %arg3[%mul3A_27] : memref<50000xi32, #tpu.memory_space<hbm>> -> memref<80xi32, #tpu.memory_space<hbm>>
    tpu.enqueue_dma source(%dma_start3A_29 : memref<80xi32, #tpu.memory_space<hbm>>) target(%arg8 : memref<80xi32, #tpu.memory_space<vmem>>) target_semaphore(%arg16 : memref<!tpu.dma_semaphore, #tpu.memory_space<semaphore_mem>>)
    %dma_start3A_30 = tpu.memref_slice %arg4[%mul3A_27] : memref<50000xi32, #tpu.memory_space<hbm>> -> memref<80xi32, #tpu.memory_space<hbm>>
    %dma_start3A_31 = tpu.memref_slice %arg4[%mul3A_27] : memref<50000xi32, #tpu.memory_space<hbm>> -> memref<80xi32, #tpu.memory_space<hbm>>
    tpu.enqueue_dma source(%dma_start3A_31 : memref<80xi32, #tpu.memory_space<hbm>>) target(%arg10 : memref<80xi32, #tpu.memory_space<vmem>>) target_semaphore(%arg18 : memref<!tpu.dma_semaphore, #tpu.memory_space<semaphore_mem>>)
    %scan3A = arith.constant 0 : i32
    %scan3A_32 = arith.constant 10 : i32
    %scan3A_33 = arith.addi %scan3A, %scan3A_32 : i32
    %scan3A_34 = arith.constant 1 : i32
    scf.for %scan3A_36 = %scan3A to %scan3A_33 step %scan3A_34  : i32 {
      %mul3A_37 = arith.constant 1 : i32
      %mul3A_38 = arith.muli %scan3A_36, %mul3A_37 : i32
      %add3A_39 = arith.constant 0 : i32
      %add3A_40 = arith.addi %add3A_39, %mul3A_38 : i32
      %mul3A_41 = arith.constant 2 : i32
      %mul3A_42 = arith.muli %add3A_40, %mul3A_41 : i32
      %add3A_43 = arith.constant 0 : i32
      %add3A_44 = arith.addi %mul3A_42, %add3A_43 : i32
      %add3A_45 = arith.constant 1 : i32
      %add3A_46 = arith.addi %add3A_44, %add3A_45 : i32
      %lt3A = arith.constant 20 : i32
      %lt3A_47 = arith.cmpi slt, %add3A_46, %lt3A : i32
      %convert_element_type3A = arith.extui %lt3A_47 : i1 to i32
      %cond3A = arith.constant 0 : i32
      %cond3A_48 = arith.cmpi ne, %convert_element_type3A, %cond3A : i32
      scf.if %cond3A_48 {
        %dma_wait3A_100 = arith.constant 0 : i32
        %dma_wait3A_101 = tpu.memref_slice %arg3[%dma_wait3A_100] : memref<50000xi32, #tpu.memory_space<hbm>> -> memref<80xi32, #tpu.memory_space<hbm>>
        %dma_wait3A_102 = arith.constant 0 : i32
        %dma_wait3A_103 = tpu.memref_slice %arg3[%dma_wait3A_102] : memref<50000xi32, #tpu.memory_space<hbm>> -> memref<80xi32, #tpu.memory_space<hbm>>
        tpu.wait_dma2 semaphore(%arg16 : memref<!tpu.dma_semaphore, #tpu.memory_space<semaphore_mem>>) src(%dma_wait3A_103 : memref<80xi32, #tpu.memory_space<hbm>>) dst(%arg8 : memref<80xi32, #tpu.memory_space<vmem>>)
        %dma_wait3A_104 = arith.constant 0 : i32
        %dma_wait3A_105 = tpu.memref_slice %arg4[%dma_wait3A_104] : memref<50000xi32, #tpu.memory_space<hbm>> -> memref<80xi32, #tpu.memory_space<hbm>>
        %dma_wait3A_106 = arith.constant 0 : i32
        %dma_wait3A_107 = tpu.memref_slice %arg4[%dma_wait3A_106] : memref<50000xi32, #tpu.memory_space<hbm>> -> memref<80xi32, #tpu.memory_space<hbm>>
        tpu.wait_dma2 semaphore(%arg18 : memref<!tpu.dma_semaphore, #tpu.memory_space<semaphore_mem>>) src(%dma_wait3A_107 : memref<80xi32, #tpu.memory_space<hbm>>) dst(%arg10 : memref<80xi32, #tpu.memory_space<vmem>>)
        %dma_start3A_108 = arith.constant 0 : i32
        %dma_start3A_109 = arith.constant 0 : i32
        %dma_start3A_110 = tpu.memref_slice %arg2[%dma_start3A_108, %dma_start3A_109] : memref<10000x128xf32, #tpu.memory_space<hbm>> -> memref<10000x128xf32, #tpu.memory_space<hbm>>
        tpu.enqueue_indirect_dma source(%dma_start3A_110 : memref<10000x128xf32, #tpu.memory_space<hbm>>) target(%arg12 : memref<80x128xf32, #tpu.memory_space<vmem>>) offsets(%arg8 : memref<80xi32, #tpu.memory_space<vmem>>) semaphore(%arg20 : memref<!tpu.dma_semaphore, #tpu.memory_space<semaphore_mem>>)
        %dma_start3A_111 = arith.constant 0 : i32
        %dma_start3A_112 = arith.constant 0 : i32
        %dma_start3A_113 = tpu.memref_slice %arg2[%dma_start3A_111, %dma_start3A_112] : memref<10000x128xf32, #tpu.memory_space<hbm>> -> memref<10000x128xf32, #tpu.memory_space<hbm>>
        tpu.enqueue_indirect_dma source(%dma_start3A_113 : memref<10000x128xf32, #tpu.memory_space<hbm>>) target(%arg14 : memref<80x128xf32, #tpu.memory_space<vmem>>) offsets(%arg10 : memref<80xi32, #tpu.memory_space<vmem>>) semaphore(%arg22 : memref<!tpu.dma_semaphore, #tpu.memory_space<semaphore_mem>>)
      } else {
      }
      %dma_wait3A_49 = arith.constant 0 : i32
      %dma_wait3A_50 = arith.constant 0 : i32
      %dma_wait3A_51 = tpu.memref_slice %arg2[%dma_wait3A_49, %dma_wait3A_50] : memref<10000x128xf32, #tpu.memory_space<hbm>> -> memref<10000x128xf32, #tpu.memory_space<hbm>>
      tpu.wait_indirect_dma semaphore(%arg19 : memref<!tpu.dma_semaphore, #tpu.memory_space<semaphore_mem>>) src(%dma_wait3A_51 : memref<10000x128xf32, #tpu.memory_space<hbm>>) dst(%arg11 : memref<80x128xf32, #tpu.memory_space<vmem>>)
      %dma_wait3A_52 = arith.constant 0 : i32
      %dma_wait3A_53 = arith.constant 0 : i32
      %dma_wait3A_54 = tpu.memref_slice %arg2[%dma_wait3A_52, %dma_wait3A_53] : memref<10000x128xf32, #tpu.memory_space<hbm>> -> memref<10000x128xf32, #tpu.memory_space<hbm>>
      tpu.wait_indirect_dma semaphore(%arg21 : memref<!tpu.dma_semaphore, #tpu.memory_space<semaphore_mem>>) src(%dma_wait3A_54 : memref<10000x128xf32, #tpu.memory_space<hbm>>) dst(%arg13 : memref<80x128xf32, #tpu.memory_space<vmem>>)
      %mul3A_55 = arith.constant 32 : i32
      %mul3A_56 = arith.muli %add3A_44, %mul3A_55 : i32
      %add3A_57 = arith.addi %add3A, %mul3A_56 : i32
      %min3A_58 = arith.constant 624 : i32
      %min3A_59 = arith.minsi %add3A_57, %min3A_58 : i32
      %mul3A_60 = arith.constant 80 : i32
      %mul3A_61 = arith.muli %min3A_59, %mul3A_60 : i32
      "tpu.region"() ({
        %run_scoped3A = tpu.sem_alloc : memref<!tpu.dma_semaphore, #tpu.memory_space<semaphore_mem>>
        %dma_start3A_100 = arith.constant 0 : i32
        %dma_start3A_101 = tpu.memref_slice %arg5[%mul3A_61, %dma_start3A_100] : memref<50000x128xf32, #tpu.memory_space<hbm>> -> memref<80x128xf32, #tpu.memory_space<hbm>>
        %dma_start3A_102 = arith.constant 0 : i32
        %dma_start3A_103 = tpu.memref_slice %arg5[%mul3A_61, %dma_start3A_102] : memref<50000x128xf32, #tpu.memory_space<hbm>> -> memref<80x128xf32, #tpu.memory_space<hbm>>
        tpu.enqueue_dma source(%arg11 : memref<80x128xf32, #tpu.memory_space<vmem>>) target(%dma_start3A_103 : memref<80x128xf32, #tpu.memory_space<hbm>>) target_semaphore(%run_scoped3A : memref<!tpu.dma_semaphore, #tpu.memory_space<semaphore_mem>>)
        %dma_wait3A_104 = arith.constant 0 : i32
        %dma_wait3A_105 = tpu.memref_slice %arg5[%mul3A_61, %dma_wait3A_104] : memref<50000x128xf32, #tpu.memory_space<hbm>> -> memref<80x128xf32, #tpu.memory_space<hbm>>
        %dma_wait3A_106 = arith.constant 0 : i32
        %dma_wait3A_107 = tpu.memref_slice %arg5[%mul3A_61, %dma_wait3A_106] : memref<50000x128xf32, #tpu.memory_space<hbm>> -> memref<80x128xf32, #tpu.memory_space<hbm>>
        tpu.wait_dma2 semaphore(%run_scoped3A : memref<!tpu.dma_semaphore, #tpu.memory_space<semaphore_mem>>) src(%arg11 : memref<80x128xf32, #tpu.memory_space<vmem>>) dst(%dma_wait3A_107 : memref<80x128xf32, #tpu.memory_space<hbm>>)
        tpu.yield
      }) : () -> ()
      "tpu.region"() ({
        %run_scoped3A = tpu.sem_alloc : memref<!tpu.dma_semaphore, #tpu.memory_space<semaphore_mem>>
        %dma_start3A_100 = arith.constant 0 : i32
        %dma_start3A_101 = tpu.memref_slice %arg6[%mul3A_61, %dma_start3A_100] : memref<50000x128xf32, #tpu.memory_space<hbm>> -> memref<80x128xf32, #tpu.memory_space<hbm>>
        %dma_start3A_102 = arith.constant 0 : i32
        %dma_start3A_103 = tpu.memref_slice %arg6[%mul3A_61, %dma_start3A_102] : memref<50000x128xf32, #tpu.memory_space<hbm>> -> memref<80x128xf32, #tpu.memory_space<hbm>>
        tpu.enqueue_dma source(%arg13 : memref<80x128xf32, #tpu.memory_space<vmem>>) target(%dma_start3A_103 : memref<80x128xf32, #tpu.memory_space<hbm>>) target_semaphore(%run_scoped3A : memref<!tpu.dma_semaphore, #tpu.memory_space<semaphore_mem>>)
        %dma_wait3A_104 = arith.constant 0 : i32
        %dma_wait3A_105 = tpu.memref_slice %arg6[%mul3A_61, %dma_wait3A_104] : memref<50000x128xf32, #tpu.memory_space<hbm>> -> memref<80x128xf32, #tpu.memory_space<hbm>>
        %dma_wait3A_106 = arith.constant 0 : i32
        %dma_wait3A_107 = tpu.memref_slice %arg6[%mul3A_61, %dma_wait3A_106] : memref<50000x128xf32, #tpu.memory_space<hbm>> -> memref<80x128xf32, #tpu.memory_space<hbm>>
        tpu.wait_dma2 semaphore(%run_scoped3A : memref<!tpu.dma_semaphore, #tpu.memory_space<semaphore_mem>>) src(%arg13 : memref<80x128xf32, #tpu.memory_space<vmem>>) dst(%dma_wait3A_107 : memref<80x128xf32, #tpu.memory_space<hbm>>)
        tpu.yield
      }) : () -> ()
      %add3A_62 = arith.constant 2 : i32
      %add3A_63 = arith.addi %add3A_44, %add3A_62 : i32
      %lt3A_64 = arith.constant 20 : i32
      %lt3A_65 = arith.cmpi slt, %add3A_63, %lt3A_64 : i32
      %convert_element_type3A_66 = arith.extui %lt3A_65 : i1 to i32
      %cond3A_67 = arith.constant 0 : i32
      %cond3A_68 = arith.cmpi ne, %convert_element_type3A_66, %cond3A_67 : i32
      scf.if %cond3A_68 {
        %add3A_100 = arith.constant 2 : i32
        %add3A_101 = arith.addi %add3A_44, %add3A_100 : i32
        %mul3A_102 = arith.constant 32 : i32
        %mul3A_103 = arith.muli %add3A_101, %mul3A_102 : i32
        %add3A_104 = arith.addi %add3A, %mul3A_103 : i32
        %min3A_105 = arith.constant 624 : i32
        %min3A_106 = arith.minsi %add3A_104, %min3A_105 : i32
        %mul3A_107 = arith.constant 80 : i32
        %mul3A_108 = arith.muli %min3A_106, %mul3A_107 : i32
        %dma_start3A_109 = tpu.memref_slice %arg3[%mul3A_108] : memref<50000xi32, #tpu.memory_space<hbm>> -> memref<80xi32, #tpu.memory_space<hbm>>
        %dma_start3A_110 = tpu.memref_slice %arg3[%mul3A_108] : memref<50000xi32, #tpu.memory_space<hbm>> -> memref<80xi32, #tpu.memory_space<hbm>>
        tpu.enqueue_dma source(%dma_start3A_110 : memref<80xi32, #tpu.memory_space<hbm>>) target(%arg7 : memref<80xi32, #tpu.memory_space<vmem>>) target_semaphore(%arg15 : memref<!tpu.dma_semaphore, #tpu.memory_space<semaphore_mem>>)
        %dma_start3A_111 = tpu.memref_slice %arg4[%mul3A_108] : memref<50000xi32, #tpu.memory_space<hbm>> -> memref<80xi32, #tpu.memory_space<hbm>>
        %dma_start3A_112 = tpu.memref_slice %arg4[%mul3A_108] : memref<50000xi32, #tpu.memory_space<hbm>> -> memref<80xi32, #tpu.memory_space<hbm>>
        tpu.enqueue_dma source(%dma_start3A_112 : memref<80xi32, #tpu.memory_space<hbm>>) target(%arg9 : memref<80xi32, #tpu.memory_space<vmem>>) target_semaphore(%arg17 : memref<!tpu.dma_semaphore, #tpu.memory_space<semaphore_mem>>)
      } else {
      }
      %mul3A_69 = arith.constant 2 : i32
      %mul3A_70 = arith.muli %add3A_40, %mul3A_69 : i32
      %add3A_71 = arith.constant 1 : i32
      %add3A_72 = arith.addi %mul3A_70, %add3A_71 : i32
      %add3A_73 = arith.constant 1 : i32
      %add3A_74 = arith.addi %add3A_72, %add3A_73 : i32
      %lt3A_75 = arith.constant 20 : i32
      %lt3A_76 = arith.cmpi slt, %add3A_74, %lt3A_75 : i32
      %convert_element_type3A_77 = arith.extui %lt3A_76 : i1 to i32
      %cond3A_78 = arith.constant 0 : i32
      %cond3A_79 = arith.cmpi ne, %convert_element_type3A_77, %cond3A_78 : i32
      scf.if %cond3A_79 {
        %dma_wait3A_100 = arith.constant 0 : i32
        %dma_wait3A_101 = tpu.memref_slice %arg3[%dma_wait3A_100] : memref<50000xi32, #tpu.memory_space<hbm>> -> memref<80xi32, #tpu.memory_space<hbm>>
        %dma_wait3A_102 = arith.constant 0 : i32
        %dma_wait3A_103 = tpu.memref_slice %arg3[%dma_wait3A_102] : memref<50000xi32, #tpu.memory_space<hbm>> -> memref<80xi32, #tpu.memory_space<hbm>>
        tpu.wait_dma2 semaphore(%arg15 : memref<!tpu.dma_semaphore, #tpu.memory_space<semaphore_mem>>) src(%dma_wait3A_103 : memref<80xi32, #tpu.memory_space<hbm>>) dst(%arg7 : memref<80xi32, #tpu.memory_space<vmem>>)
        %dma_wait3A_104 = arith.constant 0 : i32
        %dma_wait3A_105 = tpu.memref_slice %arg4[%dma_wait3A_104] : memref<50000xi32, #tpu.memory_space<hbm>> -> memref<80xi32, #tpu.memory_space<hbm>>
        %dma_wait3A_106 = arith.constant 0 : i32
        %dma_wait3A_107 = tpu.memref_slice %arg4[%dma_wait3A_106] : memref<50000xi32, #tpu.memory_space<hbm>> -> memref<80xi32, #tpu.memory_space<hbm>>
        tpu.wait_dma2 semaphore(%arg17 : memref<!tpu.dma_semaphore, #tpu.memory_space<semaphore_mem>>) src(%dma_wait3A_107 : memref<80xi32, #tpu.memory_space<hbm>>) dst(%arg9 : memref<80xi32, #tpu.memory_space<vmem>>)
        %dma_start3A_108 = arith.constant 0 : i32
        %dma_start3A_109 = arith.constant 0 : i32
        %dma_start3A_110 = tpu.memref_slice %arg2[%dma_start3A_108, %dma_start3A_109] : memref<10000x128xf32, #tpu.memory_space<hbm>> -> memref<10000x128xf32, #tpu.memory_space<hbm>>
        tpu.enqueue_indirect_dma source(%dma_start3A_110 : memref<10000x128xf32, #tpu.memory_space<hbm>>) target(%arg11 : memref<80x128xf32, #tpu.memory_space<vmem>>) offsets(%arg7 : memref<80xi32, #tpu.memory_space<vmem>>) semaphore(%arg19 : memref<!tpu.dma_semaphore, #tpu.memory_space<semaphore_mem>>)
        %dma_start3A_111 = arith.constant 0 : i32
        %dma_start3A_112 = arith.constant 0 : i32
        %dma_start3A_113 = tpu.memref_slice %arg2[%dma_start3A_111, %dma_start3A_112] : memref<10000x128xf32, #tpu.memory_space<hbm>> -> memref<10000x128xf32, #tpu.memory_space<hbm>>
        tpu.enqueue_indirect_dma source(%dma_start3A_113 : memref<10000x128xf32, #tpu.memory_space<hbm>>) target(%arg13 : memref<80x128xf32, #tpu.memory_space<vmem>>) offsets(%arg9 : memref<80xi32, #tpu.memory_space<vmem>>) semaphore(%arg21 : memref<!tpu.dma_semaphore, #tpu.memory_space<semaphore_mem>>)
      } else {
      }
      %dma_wait3A_80 = arith.constant 0 : i32
      %dma_wait3A_81 = arith.constant 0 : i32
      %dma_wait3A_82 = tpu.memref_slice %arg2[%dma_wait3A_80, %dma_wait3A_81] : memref<10000x128xf32, #tpu.memory_space<hbm>> -> memref<10000x128xf32, #tpu.memory_space<hbm>>
      tpu.wait_indirect_dma semaphore(%arg20 : memref<!tpu.dma_semaphore, #tpu.memory_space<semaphore_mem>>) src(%dma_wait3A_82 : memref<10000x128xf32, #tpu.memory_space<hbm>>) dst(%arg12 : memref<80x128xf32, #tpu.memory_space<vmem>>)
      %dma_wait3A_83 = arith.constant 0 : i32
      %dma_wait3A_84 = arith.constant 0 : i32
      %dma_wait3A_85 = tpu.memref_slice %arg2[%dma_wait3A_83, %dma_wait3A_84] : memref<10000x128xf32, #tpu.memory_space<hbm>> -> memref<10000x128xf32, #tpu.memory_space<hbm>>
      tpu.wait_indirect_dma semaphore(%arg22 : memref<!tpu.dma_semaphore, #tpu.memory_space<semaphore_mem>>) src(%dma_wait3A_85 : memref<10000x128xf32, #tpu.memory_space<hbm>>) dst(%arg14 : memref<80x128xf32, #tpu.memory_space<vmem>>)
      %mul3A_86 = arith.constant 32 : i32
      %mul3A_87 = arith.muli %add3A_72, %mul3A_86 : i32
      %add3A_88 = arith.addi %add3A, %mul3A_87 : i32
      %min3A_89 = arith.constant 624 : i32
      %min3A_90 = arith.minsi %add3A_88, %min3A_89 : i32
      %mul3A_91 = arith.constant 80 : i32
      %mul3A_92 = arith.muli %min3A_90, %mul3A_91 : i32
      "tpu.region"() ({
        %run_scoped3A = tpu.sem_alloc : memref<!tpu.dma_semaphore, #tpu.memory_space<semaphore_mem>>
        %dma_start3A_100 = arith.constant 0 : i32
        %dma_start3A_101 = tpu.memref_slice %arg5[%mul3A_92, %dma_start3A_100] : memref<50000x128xf32, #tpu.memory_space<hbm>> -> memref<80x128xf32, #tpu.memory_space<hbm>>
        %dma_start3A_102 = arith.constant 0 : i32
        %dma_start3A_103 = tpu.memref_slice %arg5[%mul3A_92, %dma_start3A_102] : memref<50000x128xf32, #tpu.memory_space<hbm>> -> memref<80x128xf32, #tpu.memory_space<hbm>>
        tpu.enqueue_dma source(%arg12 : memref<80x128xf32, #tpu.memory_space<vmem>>) target(%dma_start3A_103 : memref<80x128xf32, #tpu.memory_space<hbm>>) target_semaphore(%run_scoped3A : memref<!tpu.dma_semaphore, #tpu.memory_space<semaphore_mem>>)
        %dma_wait3A_104 = arith.constant 0 : i32
        %dma_wait3A_105 = tpu.memref_slice %arg5[%mul3A_92, %dma_wait3A_104] : memref<50000x128xf32, #tpu.memory_space<hbm>> -> memref<80x128xf32, #tpu.memory_space<hbm>>
        %dma_wait3A_106 = arith.constant 0 : i32
        %dma_wait3A_107 = tpu.memref_slice %arg5[%mul3A_92, %dma_wait3A_106] : memref<50000x128xf32, #tpu.memory_space<hbm>> -> memref<80x128xf32, #tpu.memory_space<hbm>>
        tpu.wait_dma2 semaphore(%run_scoped3A : memref<!tpu.dma_semaphore, #tpu.memory_space<semaphore_mem>>) src(%arg12 : memref<80x128xf32, #tpu.memory_space<vmem>>) dst(%dma_wait3A_107 : memref<80x128xf32, #tpu.memory_space<hbm>>)
        tpu.yield
      }) : () -> ()
      "tpu.region"() ({
        %run_scoped3A = tpu.sem_alloc : memref<!tpu.dma_semaphore, #tpu.memory_space<semaphore_mem>>
        %dma_start3A_100 = arith.constant 0 : i32
        %dma_start3A_101 = tpu.memref_slice %arg6[%mul3A_92, %dma_start3A_100] : memref<50000x128xf32, #tpu.memory_space<hbm>> -> memref<80x128xf32, #tpu.memory_space<hbm>>
        %dma_start3A_102 = arith.constant 0 : i32
        %dma_start3A_103 = tpu.memref_slice %arg6[%mul3A_92, %dma_start3A_102] : memref<50000x128xf32, #tpu.memory_space<hbm>> -> memref<80x128xf32, #tpu.memory_space<hbm>>
        tpu.enqueue_dma source(%arg14 : memref<80x128xf32, #tpu.memory_space<vmem>>) target(%dma_start3A_103 : memref<80x128xf32, #tpu.memory_space<hbm>>) target_semaphore(%run_scoped3A : memref<!tpu.dma_semaphore, #tpu.memory_space<semaphore_mem>>)
        %dma_wait3A_104 = arith.constant 0 : i32
        %dma_wait3A_105 = tpu.memref_slice %arg6[%mul3A_92, %dma_wait3A_104] : memref<50000x128xf32, #tpu.memory_space<hbm>> -> memref<80x128xf32, #tpu.memory_space<hbm>>
        %dma_wait3A_106 = arith.constant 0 : i32
        %dma_wait3A_107 = tpu.memref_slice %arg6[%mul3A_92, %dma_wait3A_106] : memref<50000x128xf32, #tpu.memory_space<hbm>> -> memref<80x128xf32, #tpu.memory_space<hbm>>
        tpu.wait_dma2 semaphore(%run_scoped3A : memref<!tpu.dma_semaphore, #tpu.memory_space<semaphore_mem>>) src(%arg14 : memref<80x128xf32, #tpu.memory_space<vmem>>) dst(%dma_wait3A_107 : memref<80x128xf32, #tpu.memory_space<hbm>>)
        tpu.yield
      }) : () -> ()
      %add3A_93 = arith.constant 2 : i32
      %add3A_94 = arith.addi %add3A_72, %add3A_93 : i32
      %lt3A_95 = arith.constant 20 : i32
      %lt3A_96 = arith.cmpi slt, %add3A_94, %lt3A_95 : i32
      %convert_element_type3A_97 = arith.extui %lt3A_96 : i1 to i32
      %cond3A_98 = arith.constant 0 : i32
      %cond3A_99 = arith.cmpi ne, %convert_element_type3A_97, %cond3A_98 : i32
      scf.if %cond3A_99 {
        %add3A_100 = arith.constant 2 : i32
        %add3A_101 = arith.addi %add3A_72, %add3A_100 : i32
        %mul3A_102 = arith.constant 32 : i32
        %mul3A_103 = arith.muli %add3A_101, %mul3A_102 : i32
        %add3A_104 = arith.addi %add3A, %mul3A_103 : i32
        %min3A_105 = arith.constant 624 : i32
        %min3A_106 = arith.minsi %add3A_104, %min3A_105 : i32
        %mul3A_107 = arith.constant 80 : i32
        %mul3A_108 = arith.muli %min3A_106, %mul3A_107 : i32
        %dma_start3A_109 = tpu.memref_slice %arg3[%mul3A_108] : memref<50000xi32, #tpu.memory_space<hbm>> -> memref<80xi32, #tpu.memory_space<hbm>>
        %dma_start3A_110 = tpu.memref_slice %arg3[%mul3A_108] : memref<50000xi32, #tpu.memory_space<hbm>> -> memref<80xi32, #tpu.memory_space<hbm>>
        tpu.enqueue_dma source(%dma_start3A_110 : memref<80xi32, #tpu.memory_space<hbm>>) target(%arg8 : memref<80xi32, #tpu.memory_space<vmem>>) target_semaphore(%arg16 : memref<!tpu.dma_semaphore, #tpu.memory_space<semaphore_mem>>)
        %dma_start3A_111 = tpu.memref_slice %arg4[%mul3A_108] : memref<50000xi32, #tpu.memory_space<hbm>> -> memref<80xi32, #tpu.memory_space<hbm>>
        %dma_start3A_112 = tpu.memref_slice %arg4[%mul3A_108] : memref<50000xi32, #tpu.memory_space<hbm>> -> memref<80xi32, #tpu.memory_space<hbm>>
        tpu.enqueue_dma source(%dma_start3A_112 : memref<80xi32, #tpu.memory_space<hbm>>) target(%arg10 : memref<80xi32, #tpu.memory_space<vmem>>) target_semaphore(%arg18 : memref<!tpu.dma_semaphore, #tpu.memory_space<semaphore_mem>>)
      } else {
      }
    }
    %scan3A_35 = arith.constant 10 : i32
    return
  }
}

#map = affine_map<(d0, d1) -> (0, 0)>
#map1 = affine_map<(d0, d1) -> (0)>
#map2 = affine_map<(d0, d1) -> (0, 0, 0)>
module attributes {stable_mosaic.version = 14 : i64} {
  func.func @body(%arg0: i32, %arg1: i32, %arg2: memref<10000x128xf32, #tpu.memory_space<hbm>>, %arg3: memref<320000xi32, #tpu.memory_space<hbm>>, %arg4: memref<320000xi32, #tpu.memory_space<hbm>>, %arg5: memref<2x10000x128xf32, #tpu.memory_space<hbm>>, %arg6: memref<10000x128xf32, #tpu.memory_space<vmem_shared>>, %arg7: memref<10000xi32, #tpu.memory_space<vmem>>, %arg8: memref<80xi32, #tpu.memory_space<vmem>>, %arg9: memref<80xi32, #tpu.memory_space<vmem>>, %arg10: memref<80xi32, #tpu.memory_space<vmem>>, %arg11: memref<80x128xf32, #tpu.memory_space<vmem>>, %arg12: memref<80x128xf32, #tpu.memory_space<vmem>>, %arg13: memref<80x128xf32, #tpu.memory_space<vmem>>, %arg14: memref<!tpu.dma_semaphore, #tpu.memory_space<semaphore_mem>>, %arg15: memref<!tpu.dma_semaphore, #tpu.memory_space<semaphore_mem>>, %arg16: memref<!tpu.dma_semaphore, #tpu.memory_space<semaphore_mem>>, %arg17: memref<!tpu.dma_semaphore, #tpu.memory_space<semaphore_mem>>, %arg18: memref<!tpu.dma_semaphore, #tpu.memory_space<semaphore_mem>>, %arg19: memref<!tpu.dma_semaphore, #tpu.memory_space<semaphore_mem>>) attributes {dimension_semantics = [#tpu.dimension_semantics<core_parallel>, #tpu.dimension_semantics<subcore_parallel>], iteration_bounds = array<i64: 2, 16>, scalar_prefetch = 0 : i64, scratch_operands = 14 : i64, tpu.core_type = #tpu.core_type<sc_vector_subcore>, window_params = [{transform_indices = #map}, {transform_indices = #map1}, {transform_indices = #map1}, {transform_indices = #map2}]} {
    %mul3A = arith.constant 16 : i32
    %mul3A_0 = arith.muli %arg0, %mul3A : i32
    %add3A = arith.addi %mul3A_0, %arg1 : i32
    %mul3A_1 = arith.constant 10000 : i32
    %mul3A_2 = arith.muli %add3A, %mul3A_1 : i32
    %scan3A = arith.constant 0 : i32
    %scan3A_3 = arith.constant 80 : i32
    %scan3A_4 = arith.addi %scan3A, %scan3A_3 : i32
    %scan3A_5 = arith.constant 1 : i32
    scf.for %scan3A_90 = %scan3A to %scan3A_4 step %scan3A_5  : i32 {
      %mul3A_91 = arith.constant 1 : i32
      %mul3A_92 = arith.muli %scan3A_90, %mul3A_91 : i32
      %add3A_93 = arith.constant 0 : i32
      %add3A_94 = arith.addi %add3A_93, %mul3A_92 : i32
      %broadcast_in_dim3A_95 = arith.constant 0.000000e+00 : f32
      %broadcast_in_dim3A_96 = vector.broadcast %broadcast_in_dim3A_95 : f32 to vector<16xf32>
      %swap3A = arith.index_cast %add3A_94 : i32 to index
      %swap3A_97 = arith.constant 0 : index
      %swap3A_98 = tpu.vector_load %arg11[%swap3A, %swap3A_97] {strides = array<i32>} : memref<80x128xf32, #tpu.memory_space<vmem>>, vector<16xf32>,
      tpu.vector_store %arg11[%swap3A, %swap3A_97], %broadcast_in_dim3A_96 {strides = array<i32>} : memref<80x128xf32, #tpu.memory_space<vmem>>, vector<16xf32>,
      %broadcast_in_dim3A_99 = arith.constant 0.000000e+00 : f32
      %broadcast_in_dim3A_100 = vector.broadcast %broadcast_in_dim3A_99 : f32 to vector<16xf32>
      %swap3A_101 = arith.index_cast %add3A_94 : i32 to index
      %swap3A_102 = arith.constant 16 : index
      %swap3A_103 = tpu.vector_load %arg11[%swap3A_101, %swap3A_102] {strides = array<i32>} : memref<80x128xf32, #tpu.memory_space<vmem>>, vector<16xf32>,
      tpu.vector_store %arg11[%swap3A_101, %swap3A_102], %broadcast_in_dim3A_100 {strides = array<i32>} : memref<80x128xf32, #tpu.memory_space<vmem>>, vector<16xf32>,
      %broadcast_in_dim3A_104 = arith.constant 0.000000e+00 : f32
      %broadcast_in_dim3A_105 = vector.broadcast %broadcast_in_dim3A_104 : f32 to vector<16xf32>
      %swap3A_106 = arith.index_cast %add3A_94 : i32 to index
      %swap3A_107 = arith.constant 32 : index
      %swap3A_108 = tpu.vector_load %arg11[%swap3A_106, %swap3A_107] {strides = array<i32>} : memref<80x128xf32, #tpu.memory_space<vmem>>, vector<16xf32>,
      tpu.vector_store %arg11[%swap3A_106, %swap3A_107], %broadcast_in_dim3A_105 {strides = array<i32>} : memref<80x128xf32, #tpu.memory_space<vmem>>, vector<16xf32>,
      %broadcast_in_dim3A_109 = arith.constant 0.000000e+00 : f32
      %broadcast_in_dim3A_110 = vector.broadcast %broadcast_in_dim3A_109 : f32 to vector<16xf32>
      %swap3A_111 = arith.index_cast %add3A_94 : i32 to index
      %swap3A_112 = arith.constant 48 : index
      %swap3A_113 = tpu.vector_load %arg11[%swap3A_111, %swap3A_112] {strides = array<i32>} : memref<80x128xf32, #tpu.memory_space<vmem>>, vector<16xf32>,
      tpu.vector_store %arg11[%swap3A_111, %swap3A_112], %broadcast_in_dim3A_110 {strides = array<i32>} : memref<80x128xf32, #tpu.memory_space<vmem>>, vector<16xf32>,
      %broadcast_in_dim3A_114 = arith.constant 0.000000e+00 : f32
      %broadcast_in_dim3A_115 = vector.broadcast %broadcast_in_dim3A_114 : f32 to vector<16xf32>
      %swap3A_116 = arith.index_cast %add3A_94 : i32 to index
      %swap3A_117 = arith.constant 64 : index
      %swap3A_118 = tpu.vector_load %arg11[%swap3A_116, %swap3A_117] {strides = array<i32>} : memref<80x128xf32, #tpu.memory_space<vmem>>, vector<16xf32>,
      tpu.vector_store %arg11[%swap3A_116, %swap3A_117], %broadcast_in_dim3A_115 {strides = array<i32>} : memref<80x128xf32, #tpu.memory_space<vmem>>, vector<16xf32>,
      %broadcast_in_dim3A_119 = arith.constant 0.000000e+00 : f32
      %broadcast_in_dim3A_120 = vector.broadcast %broadcast_in_dim3A_119 : f32 to vector<16xf32>
      %swap3A_121 = arith.index_cast %add3A_94 : i32 to index
      %swap3A_122 = arith.constant 80 : index
      %swap3A_123 = tpu.vector_load %arg11[%swap3A_121, %swap3A_122] {strides = array<i32>} : memref<80x128xf32, #tpu.memory_space<vmem>>, vector<16xf32>,
      tpu.vector_store %arg11[%swap3A_121, %swap3A_122], %broadcast_in_dim3A_120 {strides = array<i32>} : memref<80x128xf32, #tpu.memory_space<vmem>>, vector<16xf32>,
      %broadcast_in_dim3A_124 = arith.constant 0.000000e+00 : f32
      %broadcast_in_dim3A_125 = vector.broadcast %broadcast_in_dim3A_124 : f32 to vector<16xf32>
      %swap3A_126 = arith.index_cast %add3A_94 : i32 to index
      %swap3A_127 = arith.constant 96 : index
      %swap3A_128 = tpu.vector_load %arg11[%swap3A_126, %swap3A_127] {strides = array<i32>} : memref<80x128xf32, #tpu.memory_space<vmem>>, vector<16xf32>,
      tpu.vector_store %arg11[%swap3A_126, %swap3A_127], %broadcast_in_dim3A_125 {strides = array<i32>} : memref<80x128xf32, #tpu.memory_space<vmem>>, vector<16xf32>,
      %broadcast_in_dim3A_129 = arith.constant 0.000000e+00 : f32
      %broadcast_in_dim3A_130 = vector.broadcast %broadcast_in_dim3A_129 : f32 to vector<16xf32>
      %swap3A_131 = arith.index_cast %add3A_94 : i32 to index
      %swap3A_132 = arith.constant 112 : index
      %swap3A_133 = tpu.vector_load %arg11[%swap3A_131, %swap3A_132] {strides = array<i32>} : memref<80x128xf32, #tpu.memory_space<vmem>>, vector<16xf32>,
      tpu.vector_store %arg11[%swap3A_131, %swap3A_132], %broadcast_in_dim3A_130 {strides = array<i32>} : memref<80x128xf32, #tpu.memory_space<vmem>>, vector<16xf32>,
    }
    %scan3A_6 = arith.constant 80 : i32
    "tpu.region"() ({
      %run_scoped3A = tpu.sem_alloc : memref<!tpu.dma_semaphore, #tpu.memory_space<semaphore_mem>>
      %dma_start3A_90 = tpu.memref_slice %arg3[%mul3A_2] : memref<320000xi32, #tpu.memory_space<hbm>> -> memref<10000xi32, #tpu.memory_space<hbm>>
      %dma_start3A_91 = tpu.memref_slice %arg3[%mul3A_2] : memref<320000xi32, #tpu.memory_space<hbm>> -> memref<10000xi32, #tpu.memory_space<hbm>>
      tpu.enqueue_dma source(%dma_start3A_91 : memref<10000xi32, #tpu.memory_space<hbm>>) target(%arg7 : memref<10000xi32, #tpu.memory_space<vmem>>) target_semaphore(%run_scoped3A : memref<!tpu.dma_semaphore, #tpu.memory_space<semaphore_mem>>)
      %dma_wait3A_92 = tpu.memref_slice %arg3[%mul3A_2] : memref<320000xi32, #tpu.memory_space<hbm>> -> memref<10000xi32, #tpu.memory_space<hbm>>
      %dma_wait3A_93 = tpu.memref_slice %arg3[%mul3A_2] : memref<320000xi32, #tpu.memory_space<hbm>> -> memref<10000xi32, #tpu.memory_space<hbm>>
      tpu.wait_dma2 semaphore(%run_scoped3A : memref<!tpu.dma_semaphore, #tpu.memory_space<semaphore_mem>>) src(%dma_wait3A_93 : memref<10000xi32, #tpu.memory_space<hbm>>) dst(%arg7 : memref<10000xi32, #tpu.memory_space<vmem>>)
      tpu.yield
    }) : () -> ()
    %sub3A = arith.constant 125 : i32
    %sub3A_7 = arith.subi %sub3A, %arg1 : i32
    %sub3A_8 = arith.constant 16 : i32
    %sub3A_9 = arith.constant 1 : i32
    %sub3A_10 = arith.subi %sub3A_8, %sub3A_9 : i32
    %add3A_11 = arith.addi %sub3A_7, %sub3A_10 : i32
    %div3A = arith.constant 16 : i32
    %div3A_12 = arith.divsi %add3A_11, %div3A : i32
    %while3A = arith.constant 16 : i32
    %while3A_13 = arith.constant 0 : i32
    %while3A_14 = arith.subi %div3A_12, %while3A_13 : i32
    %while3A_15 = arith.addi %while3A_13, %while3A_14 : i32
    %while3A_16 = arith.constant 1 : i32
    %while3A_17 = arith.divsi %while3A_14, %while3A_16 : i32
    %while3A_18 = arith.muli %while3A_17, %while3A_16 : i32
    %while3A_19 = arith.addi %while3A_13, %while3A_18 : i32
    %while3A_20 = arith.constant 1 : i32
    scf.for %while3A_90 = %while3A_13 to %while3A_19 step %while3A_20  : i32 {
      %mul3A_91 = arith.muli %while3A_90, %while3A : i32
      %add3A_92 = arith.addi %arg1, %mul3A_91 : i32
      %mul3A_93 = arith.constant 80 : i32
      %mul3A_94 = arith.muli %add3A_92, %mul3A_93 : i32
      "tpu.region"() ({
        %run_scoped3A = tpu.sem_alloc : memref<!tpu.dma_semaphore, #tpu.memory_space<semaphore_mem>>
        %dma_start3A_95 = arith.constant 0 : i32
        %dma_start3A_96 = tpu.memref_slice %arg6[%mul3A_94, %dma_start3A_95] : memref<10000x128xf32, #tpu.memory_space<vmem_shared>> -> memref<80x128xf32, #tpu.memory_space<vmem_shared>>
        %dma_start3A_97 = arith.constant 0 : i32
        %dma_start3A_98 = tpu.memref_slice %arg6[%mul3A_94, %dma_start3A_97] : memref<10000x128xf32, #tpu.memory_space<vmem_shared>> -> memref<80x128xf32, #tpu.memory_space<vmem_shared>>
        tpu.enqueue_dma source(%arg11 : memref<80x128xf32, #tpu.memory_space<vmem>>) target(%dma_start3A_98 : memref<80x128xf32, #tpu.memory_space<vmem_shared>>) target_semaphore(%run_scoped3A : memref<!tpu.dma_semaphore, #tpu.memory_space<semaphore_mem>>)
        %dma_wait3A_99 = arith.constant 0 : i32
        %dma_wait3A_100 = tpu.memref_slice %arg6[%mul3A_94, %dma_wait3A_99] : memref<10000x128xf32, #tpu.memory_space<vmem_shared>> -> memref<80x128xf32, #tpu.memory_space<vmem_shared>>
        %dma_wait3A_101 = arith.constant 0 : i32
        %dma_wait3A_102 = tpu.memref_slice %arg6[%mul3A_94, %dma_wait3A_101] : memref<10000x128xf32, #tpu.memory_space<vmem_shared>> -> memref<80x128xf32, #tpu.memory_space<vmem_shared>>
        tpu.wait_dma2 semaphore(%run_scoped3A : memref<!tpu.dma_semaphore, #tpu.memory_space<semaphore_mem>>) src(%arg11 : memref<80x128xf32, #tpu.memory_space<vmem>>) dst(%dma_wait3A_102 : memref<80x128xf32, #tpu.memory_space<vmem_shared>>)
        tpu.yield
      }) : () -> ()
    }
    %while3A_21 = arith.constant 1 : i32
    scf.for %while3A_90 = %while3A_19 to %while3A_15 step %while3A_21  : i32 {
      %mul3A_91 = arith.muli %while3A_90, %while3A : i32
      %add3A_92 = arith.addi %arg1, %mul3A_91 : i32
      %mul3A_93 = arith.constant 80 : i32
      %mul3A_94 = arith.muli %add3A_92, %mul3A_93 : i32
      "tpu.region"() ({
        %run_scoped3A = tpu.sem_alloc : memref<!tpu.dma_semaphore, #tpu.memory_space<semaphore_mem>>
        %dma_start3A_95 = arith.constant 0 : i32
        %dma_start3A_96 = tpu.memref_slice %arg6[%mul3A_94, %dma_start3A_95] : memref<10000x128xf32, #tpu.memory_space<vmem_shared>> -> memref<80x128xf32, #tpu.memory_space<vmem_shared>>
        %dma_start3A_97 = arith.constant 0 : i32
        %dma_start3A_98 = tpu.memref_slice %arg6[%mul3A_94, %dma_start3A_97] : memref<10000x128xf32, #tpu.memory_space<vmem_shared>> -> memref<80x128xf32, #tpu.memory_space<vmem_shared>>
        tpu.enqueue_dma source(%arg11 : memref<80x128xf32, #tpu.memory_space<vmem>>) target(%dma_start3A_98 : memref<80x128xf32, #tpu.memory_space<vmem_shared>>) target_semaphore(%run_scoped3A : memref<!tpu.dma_semaphore, #tpu.memory_space<semaphore_mem>>)
        %dma_wait3A_99 = arith.constant 0 : i32
        %dma_wait3A_100 = tpu.memref_slice %arg6[%mul3A_94, %dma_wait3A_99] : memref<10000x128xf32, #tpu.memory_space<vmem_shared>> -> memref<80x128xf32, #tpu.memory_space<vmem_shared>>
        %dma_wait3A_101 = arith.constant 0 : i32
        %dma_wait3A_102 = tpu.memref_slice %arg6[%mul3A_94, %dma_wait3A_101] : memref<10000x128xf32, #tpu.memory_space<vmem_shared>> -> memref<80x128xf32, #tpu.memory_space<vmem_shared>>
        tpu.wait_dma2 semaphore(%run_scoped3A : memref<!tpu.dma_semaphore, #tpu.memory_space<semaphore_mem>>) src(%arg11 : memref<80x128xf32, #tpu.memory_space<vmem>>) dst(%dma_wait3A_102 : memref<80x128xf32, #tpu.memory_space<vmem_shared>>)
        tpu.yield
      }) : () -> ()
    }
    %barrier3A = arith.constant 0 : index
    tpu.barrier barrier_id(%barrier3A)
    %broadcast_in_dim3A = arith.constant 1.000000e+00 : f32
    %broadcast_in_dim3A_22 = vector.broadcast %broadcast_in_dim3A : f32 to vector<16xf32>
    %add3A_23 = arith.constant 0 : i32
    %add3A_24 = arith.addi %mul3A_2, %add3A_23 : i32
    %dma_start3A = tpu.memref_slice %arg4[%add3A_24] : memref<320000xi32, #tpu.memory_space<hbm>> -> memref<80xi32, #tpu.memory_space<hbm>>
    %dma_start3A_25 = tpu.memref_slice %arg4[%add3A_24] : memref<320000xi32, #tpu.memory_space<hbm>> -> memref<80xi32, #tpu.memory_space<hbm>>
    tpu.enqueue_dma source(%dma_start3A_25 : memref<80xi32, #tpu.memory_space<hbm>>) target(%arg8 : memref<80xi32, #tpu.memory_space<vmem>>) target_semaphore(%arg14 : memref<!tpu.dma_semaphore, #tpu.memory_space<semaphore_mem>>)
    %dma_start3A_26 = arith.constant 0 : i32
    %dma_start3A_27 = tpu.memref_slice %arg7[%dma_start3A_26] : memref<10000xi32, #tpu.memory_space<vmem>> -> memref<80xi32, #tpu.memory_space<vmem>>
    %dma_start3A_28 = arith.constant 0 : i32
    %dma_start3A_29 = arith.constant 0 : i32
    %dma_start3A_30 = tpu.memref_slice %arg2[%dma_start3A_28, %dma_start3A_29] : memref<10000x128xf32, #tpu.memory_space<hbm>> -> memref<10000x128xf32, #tpu.memory_space<hbm>>
    tpu.enqueue_indirect_dma source(%dma_start3A_30 : memref<10000x128xf32, #tpu.memory_space<hbm>>) target(%arg11 : memref<80x128xf32, #tpu.memory_space<vmem>>) offsets(%dma_start3A_27 : memref<80xi32, #tpu.memory_space<vmem>>) semaphore(%arg17 : memref<!tpu.dma_semaphore, #tpu.memory_space<semaphore_mem>>)
    %add3A_31 = arith.constant 80 : i32
    %add3A_32 = arith.addi %mul3A_2, %add3A_31 : i32
    %dma_start3A_33 = tpu.memref_slice %arg4[%add3A_32] : memref<320000xi32, #tpu.memory_space<hbm>> -> memref<80xi32, #tpu.memory_space<hbm>>
    %dma_start3A_34 = tpu.memref_slice %arg4[%add3A_32] : memref<320000xi32, #tpu.memory_space<hbm>> -> memref<80xi32, #tpu.memory_space<hbm>>
    tpu.enqueue_dma source(%dma_start3A_34 : memref<80xi32, #tpu.memory_space<hbm>>) target(%arg9 : memref<80xi32, #tpu.memory_space<vmem>>) target_semaphore(%arg15 : memref<!tpu.dma_semaphore, #tpu.memory_space<semaphore_mem>>)
    %dma_start3A_35 = arith.constant 80 : i32
    %dma_start3A_36 = tpu.memref_slice %arg7[%dma_start3A_35] : memref<10000xi32, #tpu.memory_space<vmem>> -> memref<80xi32, #tpu.memory_space<vmem>>
    %dma_start3A_37 = arith.constant 0 : i32
    %dma_start3A_38 = arith.constant 0 : i32
    %dma_start3A_39 = tpu.memref_slice %arg2[%dma_start3A_37, %dma_start3A_38] : memref<10000x128xf32, #tpu.memory_space<hbm>> -> memref<10000x128xf32, #tpu.memory_space<hbm>>
    tpu.enqueue_indirect_dma source(%dma_start3A_39 : memref<10000x128xf32, #tpu.memory_space<hbm>>) target(%arg12 : memref<80x128xf32, #tpu.memory_space<vmem>>) offsets(%dma_start3A_36 : memref<80xi32, #tpu.memory_space<vmem>>) semaphore(%arg18 : memref<!tpu.dma_semaphore, #tpu.memory_space<semaphore_mem>>)
    %add3A_40 = arith.constant 160 : i32
    %add3A_41 = arith.addi %mul3A_2, %add3A_40 : i32
    %dma_start3A_42 = tpu.memref_slice %arg4[%add3A_41] : memref<320000xi32, #tpu.memory_space<hbm>> -> memref<80xi32, #tpu.memory_space<hbm>>
    %dma_start3A_43 = tpu.memref_slice %arg4[%add3A_41] : memref<320000xi32, #tpu.memory_space<hbm>> -> memref<80xi32, #tpu.memory_space<hbm>>
    tpu.enqueue_dma source(%dma_start3A_43 : memref<80xi32, #tpu.memory_space<hbm>>) target(%arg10 : memref<80xi32, #tpu.memory_space<vmem>>) target_semaphore(%arg16 : memref<!tpu.dma_semaphore, #tpu.memory_space<semaphore_mem>>)
    %dma_start3A_44 = arith.constant 160 : i32
    %dma_start3A_45 = tpu.memref_slice %arg7[%dma_start3A_44] : memref<10000xi32, #tpu.memory_space<vmem>> -> memref<80xi32, #tpu.memory_space<vmem>>
    %dma_start3A_46 = arith.constant 0 : i32
    %dma_start3A_47 = arith.constant 0 : i32
    %dma_start3A_48 = tpu.memref_slice %arg2[%dma_start3A_46, %dma_start3A_47] : memref<10000x128xf32, #tpu.memory_space<hbm>> -> memref<10000x128xf32, #tpu.memory_space<hbm>>
    tpu.enqueue_indirect_dma source(%dma_start3A_48 : memref<10000x128xf32, #tpu.memory_space<hbm>>) target(%arg13 : memref<80x128xf32, #tpu.memory_space<vmem>>) offsets(%dma_start3A_45 : memref<80xi32, #tpu.memory_space<vmem>>) semaphore(%arg19 : memref<!tpu.dma_semaphore, #tpu.memory_space<semaphore_mem>>)
    %scan3A_49 = arith.constant 0 : i32
    %scan3A_50 = arith.constant 41 : i32
    %scan3A_51 = arith.addi %scan3A_49, %scan3A_50 : i32
    %scan3A_52 = arith.constant 1 : i32
    scf.for %scan3A_90 = %scan3A_49 to %scan3A_51 step %scan3A_52  : i32 {
      %mul3A_91 = arith.constant 1 : i32
      %mul3A_92 = arith.muli %scan3A_90, %mul3A_91 : i32
      %add3A_93 = arith.constant 0 : i32
      %add3A_94 = arith.addi %add3A_93, %mul3A_92 : i32
      %mul3A_95 = arith.constant 3 : i32
      %mul3A_96 = arith.muli %add3A_94, %mul3A_95 : i32
      %add3A_97 = arith.constant 0 : i32
      %add3A_98 = arith.addi %mul3A_96, %add3A_97 : i32
      %dma_wait3A_99 = arith.constant 0 : i32
      %dma_wait3A_100 = tpu.memref_slice %arg4[%dma_wait3A_99] : memref<320000xi32, #tpu.memory_space<hbm>> -> memref<80xi32, #tpu.memory_space<hbm>>
      %dma_wait3A_101 = arith.constant 0 : i32
      %dma_wait3A_102 = tpu.memref_slice %arg4[%dma_wait3A_101] : memref<320000xi32, #tpu.memory_space<hbm>> -> memref<80xi32, #tpu.memory_space<hbm>>
      tpu.wait_dma2 semaphore(%arg14 : memref<!tpu.dma_semaphore, #tpu.memory_space<semaphore_mem>>) src(%dma_wait3A_102 : memref<80xi32, #tpu.memory_space<hbm>>) dst(%arg8 : memref<80xi32, #tpu.memory_space<vmem>>)
      %dma_wait3A_103 = arith.constant 0 : i32
      %dma_wait3A_104 = tpu.memref_slice %arg7[%dma_wait3A_103] : memref<10000xi32, #tpu.memory_space<vmem>> -> memref<80xi32, #tpu.memory_space<vmem>>
      %dma_wait3A_105 = arith.constant 0 : i32
      %dma_wait3A_106 = arith.constant 0 : i32
      %dma_wait3A_107 = tpu.memref_slice %arg2[%dma_wait3A_105, %dma_wait3A_106] : memref<10000x128xf32, #tpu.memory_space<hbm>> -> memref<10000x128xf32, #tpu.memory_space<hbm>>
      tpu.wait_indirect_dma semaphore(%arg17 : memref<!tpu.dma_semaphore, #tpu.memory_space<semaphore_mem>>) src(%dma_wait3A_107 : memref<10000x128xf32, #tpu.memory_space<hbm>>) dst(%arg11 : memref<80x128xf32, #tpu.memory_space<vmem>>)
      "tpu.region"() ({
        %run_scoped3A = tpu.sem_alloc : memref<!tpu.dma_semaphore, #tpu.memory_space<semaphore_mem>>
        %dma_start3A_152 = arith.constant 0 : i32
        %dma_start3A_153 = arith.constant 0 : i32
        %dma_start3A_154 = tpu.memref_slice %arg6[%dma_start3A_152, %dma_start3A_153] : memref<10000x128xf32, #tpu.memory_space<vmem_shared>> -> memref<10000x128xf32, #tpu.memory_space<vmem_shared>>
        tpu.enqueue_indirect_dma source(%arg11 : memref<80x128xf32, #tpu.memory_space<vmem>>) target(%dma_start3A_154 : memref<10000x128xf32, #tpu.memory_space<vmem_shared>>) offsets(%arg8 : memref<80xi32, #tpu.memory_space<vmem>>) semaphore(%run_scoped3A : memref<!tpu.dma_semaphore, #tpu.memory_space<semaphore_mem>>) {add = true}
        %dma_wait3A_155 = arith.constant 0 : i32
        %dma_wait3A_156 = arith.constant 0 : i32
        %dma_wait3A_157 = tpu.memref_slice %arg6[%dma_wait3A_155, %dma_wait3A_156] : memref<10000x128xf32, #tpu.memory_space<vmem_shared>> -> memref<10000x128xf32, #tpu.memory_space<vmem_shared>>
        tpu.wait_indirect_dma semaphore(%run_scoped3A : memref<!tpu.dma_semaphore, #tpu.memory_space<semaphore_mem>>) src(%arg11 : memref<80x128xf32, #tpu.memory_space<vmem>>) dst(%dma_wait3A_157 : memref<10000x128xf32, #tpu.memory_space<vmem_shared>>)
        tpu.yield
      }) : () -> ()
      %add3A_108 = arith.constant 3 : i32
      %add3A_109 = arith.addi %add3A_98, %add3A_108 : i32
      %lt3A = arith.constant 125 : i32
      %lt3A_110 = arith.cmpi slt, %add3A_109, %lt3A : i32
      %convert_element_type3A = arith.extui %lt3A_110 : i1 to i32
      %cond3A = arith.constant 0 : i32
      %cond3A_111 = arith.cmpi ne, %convert_element_type3A, %cond3A : i32
      scf.if %cond3A_111 {
        %mul3A_152 = arith.constant 80 : i32
        %mul3A_153 = arith.muli %add3A_109, %mul3A_152 : i32
        %add3A_154 = arith.addi %mul3A_2, %mul3A_153 : i32
        %dma_start3A_155 = tpu.memref_slice %arg4[%add3A_154] : memref<320000xi32, #tpu.memory_space<hbm>> -> memref<80xi32, #tpu.memory_space<hbm>>
        %dma_start3A_156 = tpu.memref_slice %arg4[%add3A_154] : memref<320000xi32, #tpu.memory_space<hbm>> -> memref<80xi32, #tpu.memory_space<hbm>>
        tpu.enqueue_dma source(%dma_start3A_156 : memref<80xi32, #tpu.memory_space<hbm>>) target(%arg8 : memref<80xi32, #tpu.memory_space<vmem>>) target_semaphore(%arg14 : memref<!tpu.dma_semaphore, #tpu.memory_space<semaphore_mem>>)
        %mul3A_157 = arith.constant 80 : i32
        %mul3A_158 = arith.muli %add3A_109, %mul3A_157 : i32
        %dma_start3A_159 = tpu.memref_slice %arg7[%mul3A_158] : memref<10000xi32, #tpu.memory_space<vmem>> -> memref<80xi32, #tpu.memory_space<vmem>>
        %dma_start3A_160 = arith.constant 0 : i32
        %dma_start3A_161 = arith.constant 0 : i32
        %dma_start3A_162 = tpu.memref_slice %arg2[%dma_start3A_160, %dma_start3A_161] : memref<10000x128xf32, #tpu.memory_space<hbm>> -> memref<10000x128xf32, #tpu.memory_space<hbm>>
        tpu.enqueue_indirect_dma source(%dma_start3A_162 : memref<10000x128xf32, #tpu.memory_space<hbm>>) target(%arg11 : memref<80x128xf32, #tpu.memory_space<vmem>>) offsets(%dma_start3A_159 : memref<80xi32, #tpu.memory_space<vmem>>) semaphore(%arg17 : memref<!tpu.dma_semaphore, #tpu.memory_space<semaphore_mem>>)
      } else {
      }
      %mul3A_112 = arith.constant 3 : i32
      %mul3A_113 = arith.muli %add3A_94, %mul3A_112 : i32
      %add3A_114 = arith.constant 1 : i32
      %add3A_115 = arith.addi %mul3A_113, %add3A_114 : i32
      %dma_wait3A_116 = arith.constant 0 : i32
      %dma_wait3A_117 = tpu.memref_slice %arg4[%dma_wait3A_116] : memref<320000xi32, #tpu.memory_space<hbm>> -> memref<80xi32, #tpu.memory_space<hbm>>
      %dma_wait3A_118 = arith.constant 0 : i32
      %dma_wait3A_119 = tpu.memref_slice %arg4[%dma_wait3A_118] : memref<320000xi32, #tpu.memory_space<hbm>> -> memref<80xi32, #tpu.memory_space<hbm>>
      tpu.wait_dma2 semaphore(%arg15 : memref<!tpu.dma_semaphore, #tpu.memory_space<semaphore_mem>>) src(%dma_wait3A_119 : memref<80xi32, #tpu.memory_space<hbm>>) dst(%arg9 : memref<80xi32, #tpu.memory_space<vmem>>)
      %dma_wait3A_120 = arith.constant 0 : i32
      %dma_wait3A_121 = tpu.memref_slice %arg7[%dma_wait3A_120] : memref<10000xi32, #tpu.memory_space<vmem>> -> memref<80xi32, #tpu.memory_space<vmem>>
      %dma_wait3A_122 = arith.constant 0 : i32
      %dma_wait3A_123 = arith.constant 0 : i32
      %dma_wait3A_124 = tpu.memref_slice %arg2[%dma_wait3A_122, %dma_wait3A_123] : memref<10000x128xf32, #tpu.memory_space<hbm>> -> memref<10000x128xf32, #tpu.memory_space<hbm>>
      tpu.wait_indirect_dma semaphore(%arg18 : memref<!tpu.dma_semaphore, #tpu.memory_space<semaphore_mem>>) src(%dma_wait3A_124 : memref<10000x128xf32, #tpu.memory_space<hbm>>) dst(%arg12 : memref<80x128xf32, #tpu.memory_space<vmem>>)
      "tpu.region"() ({
        %run_scoped3A = tpu.sem_alloc : memref<!tpu.dma_semaphore, #tpu.memory_space<semaphore_mem>>
        %dma_start3A_152 = arith.constant 0 : i32
        %dma_start3A_153 = arith.constant 0 : i32
        %dma_start3A_154 = tpu.memref_slice %arg6[%dma_start3A_152, %dma_start3A_153] : memref<10000x128xf32, #tpu.memory_space<vmem_shared>> -> memref<10000x128xf32, #tpu.memory_space<vmem_shared>>
        tpu.enqueue_indirect_dma source(%arg12 : memref<80x128xf32, #tpu.memory_space<vmem>>) target(%dma_start3A_154 : memref<10000x128xf32, #tpu.memory_space<vmem_shared>>) offsets(%arg9 : memref<80xi32, #tpu.memory_space<vmem>>) semaphore(%run_scoped3A : memref<!tpu.dma_semaphore, #tpu.memory_space<semaphore_mem>>) {add = true}
        %dma_wait3A_155 = arith.constant 0 : i32
        %dma_wait3A_156 = arith.constant 0 : i32
        %dma_wait3A_157 = tpu.memref_slice %arg6[%dma_wait3A_155, %dma_wait3A_156] : memref<10000x128xf32, #tpu.memory_space<vmem_shared>> -> memref<10000x128xf32, #tpu.memory_space<vmem_shared>>
        tpu.wait_indirect_dma semaphore(%run_scoped3A : memref<!tpu.dma_semaphore, #tpu.memory_space<semaphore_mem>>) src(%arg12 : memref<80x128xf32, #tpu.memory_space<vmem>>) dst(%dma_wait3A_157 : memref<10000x128xf32, #tpu.memory_space<vmem_shared>>)
        tpu.yield
      }) : () -> ()
      %add3A_125 = arith.constant 3 : i32
      %add3A_126 = arith.addi %add3A_115, %add3A_125 : i32
      %lt3A_127 = arith.constant 125 : i32
      %lt3A_128 = arith.cmpi slt, %add3A_126, %lt3A_127 : i32
      %convert_element_type3A_129 = arith.extui %lt3A_128 : i1 to i32
      %cond3A_130 = arith.constant 0 : i32
      %cond3A_131 = arith.cmpi ne, %convert_element_type3A_129, %cond3A_130 : i32
      scf.if %cond3A_131 {
        %mul3A_152 = arith.constant 80 : i32
        %mul3A_153 = arith.muli %add3A_126, %mul3A_152 : i32
        %add3A_154 = arith.addi %mul3A_2, %mul3A_153 : i32
        %dma_start3A_155 = tpu.memref_slice %arg4[%add3A_154] : memref<320000xi32, #tpu.memory_space<hbm>> -> memref<80xi32, #tpu.memory_space<hbm>>
        %dma_start3A_156 = tpu.memref_slice %arg4[%add3A_154] : memref<320000xi32, #tpu.memory_space<hbm>> -> memref<80xi32, #tpu.memory_space<hbm>>
        tpu.enqueue_dma source(%dma_start3A_156 : memref<80xi32, #tpu.memory_space<hbm>>) target(%arg9 : memref<80xi32, #tpu.memory_space<vmem>>) target_semaphore(%arg15 : memref<!tpu.dma_semaphore, #tpu.memory_space<semaphore_mem>>)
        %mul3A_157 = arith.constant 80 : i32
        %mul3A_158 = arith.muli %add3A_126, %mul3A_157 : i32
        %dma_start3A_159 = tpu.memref_slice %arg7[%mul3A_158] : memref<10000xi32, #tpu.memory_space<vmem>> -> memref<80xi32, #tpu.memory_space<vmem>>
        %dma_start3A_160 = arith.constant 0 : i32
        %dma_start3A_161 = arith.constant 0 : i32
        %dma_start3A_162 = tpu.memref_slice %arg2[%dma_start3A_160, %dma_start3A_161] : memref<10000x128xf32, #tpu.memory_space<hbm>> -> memref<10000x128xf32, #tpu.memory_space<hbm>>
        tpu.enqueue_indirect_dma source(%dma_start3A_162 : memref<10000x128xf32, #tpu.memory_space<hbm>>) target(%arg12 : memref<80x128xf32, #tpu.memory_space<vmem>>) offsets(%dma_start3A_159 : memref<80xi32, #tpu.memory_space<vmem>>) semaphore(%arg18 : memref<!tpu.dma_semaphore, #tpu.memory_space<semaphore_mem>>)
      } else {
      }
      %mul3A_132 = arith.constant 3 : i32
      %mul3A_133 = arith.muli %add3A_94, %mul3A_132 : i32
      %add3A_134 = arith.constant 2 : i32
      %add3A_135 = arith.addi %mul3A_133, %add3A_134 : i32
      %dma_wait3A_136 = arith.constant 0 : i32
      %dma_wait3A_137 = tpu.memref_slice %arg4[%dma_wait3A_136] : memref<320000xi32, #tpu.memory_space<hbm>> -> memref<80xi32, #tpu.memory_space<hbm>>
      %dma_wait3A_138 = arith.constant 0 : i32
      %dma_wait3A_139 = tpu.memref_slice %arg4[%dma_wait3A_138] : memref<320000xi32, #tpu.memory_space<hbm>> -> memref<80xi32, #tpu.memory_space<hbm>>
      tpu.wait_dma2 semaphore(%arg16 : memref<!tpu.dma_semaphore, #tpu.memory_space<semaphore_mem>>) src(%dma_wait3A_139 : memref<80xi32, #tpu.memory_space<hbm>>) dst(%arg10 : memref<80xi32, #tpu.memory_space<vmem>>)
      %dma_wait3A_140 = arith.constant 0 : i32
      %dma_wait3A_141 = tpu.memref_slice %arg7[%dma_wait3A_140] : memref<10000xi32, #tpu.memory_space<vmem>> -> memref<80xi32, #tpu.memory_space<vmem>>
      %dma_wait3A_142 = arith.constant 0 : i32
      %dma_wait3A_143 = arith.constant 0 : i32
      %dma_wait3A_144 = tpu.memref_slice %arg2[%dma_wait3A_142, %dma_wait3A_143] : memref<10000x128xf32, #tpu.memory_space<hbm>> -> memref<10000x128xf32, #tpu.memory_space<hbm>>
      tpu.wait_indirect_dma semaphore(%arg19 : memref<!tpu.dma_semaphore, #tpu.memory_space<semaphore_mem>>) src(%dma_wait3A_144 : memref<10000x128xf32, #tpu.memory_space<hbm>>) dst(%arg13 : memref<80x128xf32, #tpu.memory_space<vmem>>)
      "tpu.region"() ({
        %run_scoped3A = tpu.sem_alloc : memref<!tpu.dma_semaphore, #tpu.memory_space<semaphore_mem>>
        %dma_start3A_152 = arith.constant 0 : i32
        %dma_start3A_153 = arith.constant 0 : i32
        %dma_start3A_154 = tpu.memref_slice %arg6[%dma_start3A_152, %dma_start3A_153] : memref<10000x128xf32, #tpu.memory_space<vmem_shared>> -> memref<10000x128xf32, #tpu.memory_space<vmem_shared>>
        tpu.enqueue_indirect_dma source(%arg13 : memref<80x128xf32, #tpu.memory_space<vmem>>) target(%dma_start3A_154 : memref<10000x128xf32, #tpu.memory_space<vmem_shared>>) offsets(%arg10 : memref<80xi32, #tpu.memory_space<vmem>>) semaphore(%run_scoped3A : memref<!tpu.dma_semaphore, #tpu.memory_space<semaphore_mem>>) {add = true}
        %dma_wait3A_155 = arith.constant 0 : i32
        %dma_wait3A_156 = arith.constant 0 : i32
        %dma_wait3A_157 = tpu.memref_slice %arg6[%dma_wait3A_155, %dma_wait3A_156] : memref<10000x128xf32, #tpu.memory_space<vmem_shared>> -> memref<10000x128xf32, #tpu.memory_space<vmem_shared>>
        tpu.wait_indirect_dma semaphore(%run_scoped3A : memref<!tpu.dma_semaphore, #tpu.memory_space<semaphore_mem>>) src(%arg13 : memref<80x128xf32, #tpu.memory_space<vmem>>) dst(%dma_wait3A_157 : memref<10000x128xf32, #tpu.memory_space<vmem_shared>>)
        tpu.yield
      }) : () -> ()
      %add3A_145 = arith.constant 3 : i32
      %add3A_146 = arith.addi %add3A_135, %add3A_145 : i32
      %lt3A_147 = arith.constant 125 : i32
      %lt3A_148 = arith.cmpi slt, %add3A_146, %lt3A_147 : i32
      %convert_element_type3A_149 = arith.extui %lt3A_148 : i1 to i32
      %cond3A_150 = arith.constant 0 : i32
      %cond3A_151 = arith.cmpi ne, %convert_element_type3A_149, %cond3A_150 : i32
      scf.if %cond3A_151 {
        %mul3A_152 = arith.constant 80 : i32
        %mul3A_153 = arith.muli %add3A_146, %mul3A_152 : i32
        %add3A_154 = arith.addi %mul3A_2, %mul3A_153 : i32
        %dma_start3A_155 = tpu.memref_slice %arg4[%add3A_154] : memref<320000xi32, #tpu.memory_space<hbm>> -> memref<80xi32, #tpu.memory_space<hbm>>
        %dma_start3A_156 = tpu.memref_slice %arg4[%add3A_154] : memref<320000xi32, #tpu.memory_space<hbm>> -> memref<80xi32, #tpu.memory_space<hbm>>
        tpu.enqueue_dma source(%dma_start3A_156 : memref<80xi32, #tpu.memory_space<hbm>>) target(%arg10 : memref<80xi32, #tpu.memory_space<vmem>>) target_semaphore(%arg16 : memref<!tpu.dma_semaphore, #tpu.memory_space<semaphore_mem>>)
        %mul3A_157 = arith.constant 80 : i32
        %mul3A_158 = arith.muli %add3A_146, %mul3A_157 : i32
        %dma_start3A_159 = tpu.memref_slice %arg7[%mul3A_158] : memref<10000xi32, #tpu.memory_space<vmem>> -> memref<80xi32, #tpu.memory_space<vmem>>
        %dma_start3A_160 = arith.constant 0 : i32
        %dma_start3A_161 = arith.constant 0 : i32
        %dma_start3A_162 = tpu.memref_slice %arg2[%dma_start3A_160, %dma_start3A_161] : memref<10000x128xf32, #tpu.memory_space<hbm>> -> memref<10000x128xf32, #tpu.memory_space<hbm>>
        tpu.enqueue_indirect_dma source(%dma_start3A_162 : memref<10000x128xf32, #tpu.memory_space<hbm>>) target(%arg13 : memref<80x128xf32, #tpu.memory_space<vmem>>) offsets(%dma_start3A_159 : memref<80xi32, #tpu.memory_space<vmem>>) semaphore(%arg19 : memref<!tpu.dma_semaphore, #tpu.memory_space<semaphore_mem>>)
      } else {
      }
    }
    %scan3A_53 = arith.constant 41 : i32
    %dma_wait3A = arith.constant 0 : i32
    %dma_wait3A_54 = tpu.memref_slice %arg4[%dma_wait3A] : memref<320000xi32, #tpu.memory_space<hbm>> -> memref<80xi32, #tpu.memory_space<hbm>>
    %dma_wait3A_55 = arith.constant 0 : i32
    %dma_wait3A_56 = tpu.memref_slice %arg4[%dma_wait3A_55] : memref<320000xi32, #tpu.memory_space<hbm>> -> memref<80xi32, #tpu.memory_space<hbm>>
    tpu.wait_dma2 semaphore(%arg14 : memref<!tpu.dma_semaphore, #tpu.memory_space<semaphore_mem>>) src(%dma_wait3A_56 : memref<80xi32, #tpu.memory_space<hbm>>) dst(%arg8 : memref<80xi32, #tpu.memory_space<vmem>>)
    %dma_wait3A_57 = arith.constant 0 : i32
    %dma_wait3A_58 = tpu.memref_slice %arg7[%dma_wait3A_57] : memref<10000xi32, #tpu.memory_space<vmem>> -> memref<80xi32, #tpu.memory_space<vmem>>
    %dma_wait3A_59 = arith.constant 0 : i32
    %dma_wait3A_60 = arith.constant 0 : i32
    %dma_wait3A_61 = tpu.memref_slice %arg2[%dma_wait3A_59, %dma_wait3A_60] : memref<10000x128xf32, #tpu.memory_space<hbm>> -> memref<10000x128xf32, #tpu.memory_space<hbm>>
    tpu.wait_indirect_dma semaphore(%arg17 : memref<!tpu.dma_semaphore, #tpu.memory_space<semaphore_mem>>) src(%dma_wait3A_61 : memref<10000x128xf32, #tpu.memory_space<hbm>>) dst(%arg11 : memref<80x128xf32, #tpu.memory_space<vmem>>)
    "tpu.region"() ({
      %run_scoped3A = tpu.sem_alloc : memref<!tpu.dma_semaphore, #tpu.memory_space<semaphore_mem>>
      %dma_start3A_90 = arith.constant 0 : i32
      %dma_start3A_91 = arith.constant 0 : i32
      %dma_start3A_92 = tpu.memref_slice %arg6[%dma_start3A_90, %dma_start3A_91] : memref<10000x128xf32, #tpu.memory_space<vmem_shared>> -> memref<10000x128xf32, #tpu.memory_space<vmem_shared>>
      tpu.enqueue_indirect_dma source(%arg11 : memref<80x128xf32, #tpu.memory_space<vmem>>) target(%dma_start3A_92 : memref<10000x128xf32, #tpu.memory_space<vmem_shared>>) offsets(%arg8 : memref<80xi32, #tpu.memory_space<vmem>>) semaphore(%run_scoped3A : memref<!tpu.dma_semaphore, #tpu.memory_space<semaphore_mem>>) {add = true}
      %dma_wait3A_93 = arith.constant 0 : i32
      %dma_wait3A_94 = arith.constant 0 : i32
      %dma_wait3A_95 = tpu.memref_slice %arg6[%dma_wait3A_93, %dma_wait3A_94] : memref<10000x128xf32, #tpu.memory_space<vmem_shared>> -> memref<10000x128xf32, #tpu.memory_space<vmem_shared>>
      tpu.wait_indirect_dma semaphore(%run_scoped3A : memref<!tpu.dma_semaphore, #tpu.memory_space<semaphore_mem>>) src(%arg11 : memref<80x128xf32, #tpu.memory_space<vmem>>) dst(%dma_wait3A_95 : memref<10000x128xf32, #tpu.memory_space<vmem_shared>>)
      tpu.yield
    }) : () -> ()
    %dma_wait3A_62 = arith.constant 0 : i32
    %dma_wait3A_63 = tpu.memref_slice %arg4[%dma_wait3A_62] : memref<320000xi32, #tpu.memory_space<hbm>> -> memref<80xi32, #tpu.memory_space<hbm>>
    %dma_wait3A_64 = arith.constant 0 : i32
    %dma_wait3A_65 = tpu.memref_slice %arg4[%dma_wait3A_64] : memref<320000xi32, #tpu.memory_space<hbm>> -> memref<80xi32, #tpu.memory_space<hbm>>
    tpu.wait_dma2 semaphore(%arg15 : memref<!tpu.dma_semaphore, #tpu.memory_space<semaphore_mem>>) src(%dma_wait3A_65 : memref<80xi32, #tpu.memory_space<hbm>>) dst(%arg9 : memref<80xi32, #tpu.memory_space<vmem>>)
    %dma_wait3A_66 = arith.constant 0 : i32
    %dma_wait3A_67 = tpu.memref_slice %arg7[%dma_wait3A_66] : memref<10000xi32, #tpu.memory_space<vmem>> -> memref<80xi32, #tpu.memory_space<vmem>>
    %dma_wait3A_68 = arith.constant 0 : i32
    %dma_wait3A_69 = arith.constant 0 : i32
    %dma_wait3A_70 = tpu.memref_slice %arg2[%dma_wait3A_68, %dma_wait3A_69] : memref<10000x128xf32, #tpu.memory_space<hbm>> -> memref<10000x128xf32, #tpu.memory_space<hbm>>
    tpu.wait_indirect_dma semaphore(%arg18 : memref<!tpu.dma_semaphore, #tpu.memory_space<semaphore_mem>>) src(%dma_wait3A_70 : memref<10000x128xf32, #tpu.memory_space<hbm>>) dst(%arg12 : memref<80x128xf32, #tpu.memory_space<vmem>>)
    "tpu.region"() ({
      %run_scoped3A = tpu.sem_alloc : memref<!tpu.dma_semaphore, #tpu.memory_space<semaphore_mem>>
      %dma_start3A_90 = arith.constant 0 : i32
      %dma_start3A_91 = arith.constant 0 : i32
      %dma_start3A_92 = tpu.memref_slice %arg6[%dma_start3A_90, %dma_start3A_91] : memref<10000x128xf32, #tpu.memory_space<vmem_shared>> -> memref<10000x128xf32, #tpu.memory_space<vmem_shared>>
      tpu.enqueue_indirect_dma source(%arg12 : memref<80x128xf32, #tpu.memory_space<vmem>>) target(%dma_start3A_92 : memref<10000x128xf32, #tpu.memory_space<vmem_shared>>) offsets(%arg9 : memref<80xi32, #tpu.memory_space<vmem>>) semaphore(%run_scoped3A : memref<!tpu.dma_semaphore, #tpu.memory_space<semaphore_mem>>) {add = true}
      %dma_wait3A_93 = arith.constant 0 : i32
      %dma_wait3A_94 = arith.constant 0 : i32
      %dma_wait3A_95 = tpu.memref_slice %arg6[%dma_wait3A_93, %dma_wait3A_94] : memref<10000x128xf32, #tpu.memory_space<vmem_shared>> -> memref<10000x128xf32, #tpu.memory_space<vmem_shared>>
      tpu.wait_indirect_dma semaphore(%run_scoped3A : memref<!tpu.dma_semaphore, #tpu.memory_space<semaphore_mem>>) src(%arg12 : memref<80x128xf32, #tpu.memory_space<vmem>>) dst(%dma_wait3A_95 : memref<10000x128xf32, #tpu.memory_space<vmem_shared>>)
      tpu.yield
    }) : () -> ()
    %barrier3A_71 = arith.constant 0 : index
    tpu.barrier barrier_id(%barrier3A_71)
    %sub3A_72 = arith.constant 125 : i32
    %sub3A_73 = arith.subi %sub3A_72, %arg1 : i32
    %sub3A_74 = arith.constant 16 : i32
    %sub3A_75 = arith.constant 1 : i32
    %sub3A_76 = arith.subi %sub3A_74, %sub3A_75 : i32
    %add3A_77 = arith.addi %sub3A_73, %sub3A_76 : i32
    %div3A_78 = arith.constant 16 : i32
    %div3A_79 = arith.divsi %add3A_77, %div3A_78 : i32
    %while3A_80 = arith.constant 16 : i32
    %while3A_81 = arith.constant 0 : i32
    %while3A_82 = arith.subi %div3A_79, %while3A_81 : i32
    %while3A_83 = arith.addi %while3A_81, %while3A_82 : i32
    %while3A_84 = arith.constant 1 : i32
    %while3A_85 = arith.divsi %while3A_82, %while3A_84 : i32
    %while3A_86 = arith.muli %while3A_85, %while3A_84 : i32
    %while3A_87 = arith.addi %while3A_81, %while3A_86 : i32
    %while3A_88 = arith.constant 1 : i32
    scf.for %while3A_90 = %while3A_81 to %while3A_87 step %while3A_88  : i32 {
      %mul3A_91 = arith.muli %while3A_90, %while3A_80 : i32
      %add3A_92 = arith.addi %arg1, %mul3A_91 : i32
      %mul3A_93 = arith.constant 80 : i32
      %mul3A_94 = arith.muli %add3A_92, %mul3A_93 : i32
      "tpu.region"() ({
        %run_scoped3A = tpu.sem_alloc : memref<!tpu.dma_semaphore, #tpu.memory_space<semaphore_mem>>
        %dma_start3A_97 = arith.constant 0 : i32
        %dma_start3A_98 = tpu.memref_slice %arg6[%mul3A_94, %dma_start3A_97] : memref<10000x128xf32, #tpu.memory_space<vmem_shared>> -> memref<80x128xf32, #tpu.memory_space<vmem_shared>>
        %dma_start3A_99 = arith.constant 0 : i32
        %dma_start3A_100 = tpu.memref_slice %arg6[%mul3A_94, %dma_start3A_99] : memref<10000x128xf32, #tpu.memory_space<vmem_shared>> -> memref<80x128xf32, #tpu.memory_space<vmem_shared>>
        tpu.enqueue_dma source(%dma_start3A_100 : memref<80x128xf32, #tpu.memory_space<vmem_shared>>) target(%arg11 : memref<80x128xf32, #tpu.memory_space<vmem>>) target_semaphore(%run_scoped3A : memref<!tpu.dma_semaphore, #tpu.memory_space<semaphore_mem>>)
        %dma_wait3A_101 = arith.constant 0 : i32
        %dma_wait3A_102 = tpu.memref_slice %arg6[%mul3A_94, %dma_wait3A_101] : memref<10000x128xf32, #tpu.memory_space<vmem_shared>> -> memref<80x128xf32, #tpu.memory_space<vmem_shared>>
        %dma_wait3A_103 = arith.constant 0 : i32
        %dma_wait3A_104 = tpu.memref_slice %arg6[%mul3A_94, %dma_wait3A_103] : memref<10000x128xf32, #tpu.memory_space<vmem_shared>> -> memref<80x128xf32, #tpu.memory_space<vmem_shared>>
        tpu.wait_dma2 semaphore(%run_scoped3A : memref<!tpu.dma_semaphore, #tpu.memory_space<semaphore_mem>>) src(%dma_wait3A_104 : memref<80x128xf32, #tpu.memory_space<vmem_shared>>) dst(%arg11 : memref<80x128xf32, #tpu.memory_space<vmem>>)
        tpu.yield
      }) : () -> ()
      %mul3A_95 = arith.constant 80 : i32
      %mul3A_96 = arith.muli %add3A_92, %mul3A_95 : i32
      "tpu.region"() ({
        %run_scoped3A = tpu.sem_alloc : memref<!tpu.dma_semaphore, #tpu.memory_space<semaphore_mem>>
        %dma_start3A_97 = arith.constant 0 : i32
        %dma_start3A_98 = tpu.memref_slice %arg5[%arg0, %mul3A_96, %dma_start3A_97] : memref<2x10000x128xf32, #tpu.memory_space<hbm>> -> memref<1x80x128xf32, #tpu.memory_space<hbm>>
        %dma_start3A_99 = tpu.memref_squeeze %dma_start3A_98 : memref<1x80x128xf32, #tpu.memory_space<hbm>> -> memref<80x128xf32, #tpu.memory_space<hbm>>
        %dma_start3A_100 = arith.constant 0 : i32
        %dma_start3A_101 = tpu.memref_slice %arg5[%arg0, %mul3A_96, %dma_start3A_100] : memref<2x10000x128xf32, #tpu.memory_space<hbm>> -> memref<1x80x128xf32, #tpu.memory_space<hbm>>
        %dma_start3A_102 = tpu.memref_squeeze %dma_start3A_101 : memref<1x80x128xf32, #tpu.memory_space<hbm>> -> memref<80x128xf32, #tpu.memory_space<hbm>>
        tpu.enqueue_dma source(%arg11 : memref<80x128xf32, #tpu.memory_space<vmem>>) target(%dma_start3A_102 : memref<80x128xf32, #tpu.memory_space<hbm>>) target_semaphore(%run_scoped3A : memref<!tpu.dma_semaphore, #tpu.memory_space<semaphore_mem>>)
        %dma_wait3A_103 = arith.constant 0 : i32
        %dma_wait3A_104 = tpu.memref_slice %arg5[%arg0, %mul3A_96, %dma_wait3A_103] : memref<2x10000x128xf32, #tpu.memory_space<hbm>> -> memref<1x80x128xf32, #tpu.memory_space<hbm>>
        %dma_wait3A_105 = tpu.memref_squeeze %dma_wait3A_104 : memref<1x80x128xf32, #tpu.memory_space<hbm>> -> memref<80x128xf32, #tpu.memory_space<hbm>>
        %dma_wait3A_106 = arith.constant 0 : i32
        %dma_wait3A_107 = tpu.memref_slice %arg5[%arg0, %mul3A_96, %dma_wait3A_106] : memref<2x10000x128xf32, #tpu.memory_space<hbm>> -> memref<1x80x128xf32, #tpu.memory_space<hbm>>
        %dma_wait3A_108 = tpu.memref_squeeze %dma_wait3A_107 : memref<1x80x128xf32, #tpu.memory_space<hbm>> -> memref<80x128xf32, #tpu.memory_space<hbm>>
        tpu.wait_dma2 semaphore(%run_scoped3A : memref<!tpu.dma_semaphore, #tpu.memory_space<semaphore_mem>>) src(%arg11 : memref<80x128xf32, #tpu.memory_space<vmem>>) dst(%dma_wait3A_108 : memref<80x128xf32, #tpu.memory_space<hbm>>)
        tpu.yield
      }) : () -> ()
    }
    %while3A_89 = arith.constant 1 : i32
    scf.for %while3A_90 = %while3A_87 to %while3A_83 step %while3A_89  : i32 {
      %mul3A_91 = arith.muli %while3A_90, %while3A_80 : i32
      %add3A_92 = arith.addi %arg1, %mul3A_91 : i32
      %mul3A_93 = arith.constant 80 : i32
      %mul3A_94 = arith.muli %add3A_92, %mul3A_93 : i32
      "tpu.region"() ({
        %run_scoped3A = tpu.sem_alloc : memref<!tpu.dma_semaphore, #tpu.memory_space<semaphore_mem>>
        %dma_start3A_97 = arith.constant 0 : i32
        %dma_start3A_98 = tpu.memref_slice %arg6[%mul3A_94, %dma_start3A_97] : memref<10000x128xf32, #tpu.memory_space<vmem_shared>> -> memref<80x128xf32, #tpu.memory_space<vmem_shared>>
        %dma_start3A_99 = arith.constant 0 : i32
        %dma_start3A_100 = tpu.memref_slice %arg6[%mul3A_94, %dma_start3A_99] : memref<10000x128xf32, #tpu.memory_space<vmem_shared>> -> memref<80x128xf32, #tpu.memory_space<vmem_shared>>
        tpu.enqueue_dma source(%dma_start3A_100 : memref<80x128xf32, #tpu.memory_space<vmem_shared>>) target(%arg11 : memref<80x128xf32, #tpu.memory_space<vmem>>) target_semaphore(%run_scoped3A : memref<!tpu.dma_semaphore, #tpu.memory_space<semaphore_mem>>)
        %dma_wait3A_101 = arith.constant 0 : i32
        %dma_wait3A_102 = tpu.memref_slice %arg6[%mul3A_94, %dma_wait3A_101] : memref<10000x128xf32, #tpu.memory_space<vmem_shared>> -> memref<80x128xf32, #tpu.memory_space<vmem_shared>>
        %dma_wait3A_103 = arith.constant 0 : i32
        %dma_wait3A_104 = tpu.memref_slice %arg6[%mul3A_94, %dma_wait3A_103] : memref<10000x128xf32, #tpu.memory_space<vmem_shared>> -> memref<80x128xf32, #tpu.memory_space<vmem_shared>>
        tpu.wait_dma2 semaphore(%run_scoped3A : memref<!tpu.dma_semaphore, #tpu.memory_space<semaphore_mem>>) src(%dma_wait3A_104 : memref<80x128xf32, #tpu.memory_space<vmem_shared>>) dst(%arg11 : memref<80x128xf32, #tpu.memory_space<vmem>>)
        tpu.yield
      }) : () -> ()
      %mul3A_95 = arith.constant 80 : i32
      %mul3A_96 = arith.muli %add3A_92, %mul3A_95 : i32
      "tpu.region"() ({
        %run_scoped3A = tpu.sem_alloc : memref<!tpu.dma_semaphore, #tpu.memory_space<semaphore_mem>>
        %dma_start3A_97 = arith.constant 0 : i32
        %dma_start3A_98 = tpu.memref_slice %arg5[%arg0, %mul3A_96, %dma_start3A_97] : memref<2x10000x128xf32, #tpu.memory_space<hbm>> -> memref<1x80x128xf32, #tpu.memory_space<hbm>>
        %dma_start3A_99 = tpu.memref_squeeze %dma_start3A_98 : memref<1x80x128xf32, #tpu.memory_space<hbm>> -> memref<80x128xf32, #tpu.memory_space<hbm>>
        %dma_start3A_100 = arith.constant 0 : i32
        %dma_start3A_101 = tpu.memref_slice %arg5[%arg0, %mul3A_96, %dma_start3A_100] : memref<2x10000x128xf32, #tpu.memory_space<hbm>> -> memref<1x80x128xf32, #tpu.memory_space<hbm>>
        %dma_start3A_102 = tpu.memref_squeeze %dma_start3A_101 : memref<1x80x128xf32, #tpu.memory_space<hbm>> -> memref<80x128xf32, #tpu.memory_space<hbm>>
        tpu.enqueue_dma source(%arg11 : memref<80x128xf32, #tpu.memory_space<vmem>>) target(%dma_start3A_102 : memref<80x128xf32, #tpu.memory_space<hbm>>) target_semaphore(%run_scoped3A : memref<!tpu.dma_semaphore, #tpu.memory_space<semaphore_mem>>)
        %dma_wait3A_103 = arith.constant 0 : i32
        %dma_wait3A_104 = tpu.memref_slice %arg5[%arg0, %mul3A_96, %dma_wait3A_103] : memref<2x10000x128xf32, #tpu.memory_space<hbm>> -> memref<1x80x128xf32, #tpu.memory_space<hbm>>
        %dma_wait3A_105 = tpu.memref_squeeze %dma_wait3A_104 : memref<1x80x128xf32, #tpu.memory_space<hbm>> -> memref<80x128xf32, #tpu.memory_space<hbm>>
        %dma_wait3A_106 = arith.constant 0 : i32
        %dma_wait3A_107 = tpu.memref_slice %arg5[%arg0, %mul3A_96, %dma_wait3A_106] : memref<2x10000x128xf32, #tpu.memory_space<hbm>> -> memref<1x80x128xf32, #tpu.memory_space<hbm>>
        %dma_wait3A_108 = tpu.memref_squeeze %dma_wait3A_107 : memref<1x80x128xf32, #tpu.memory_space<hbm>> -> memref<80x128xf32, #tpu.memory_space<hbm>>
        tpu.wait_dma2 semaphore(%run_scoped3A : memref<!tpu.dma_semaphore, #tpu.memory_space<semaphore_mem>>) src(%arg11 : memref<80x128xf32, #tpu.memory_space<vmem>>) dst(%dma_wait3A_108 : memref<80x128xf32, #tpu.memory_space<hbm>>)
        tpu.yield
      }) : () -> ()
    }
    return
  }
}

module attributes {stable_mosaic.version = 14 : i64} {
  func.func @body(%arg0: i32, %arg1: memref<2x2000x128xf32, #tpu.memory_space<vmem>>, %arg2: memref<2000x32xf32, #tpu.memory_space<vmem>>, %arg3: memref<2000x128xf32, #tpu.memory_space<vmem>>, %arg4: memref<128x128xf32, #tpu.memory_space<vmem>>, %arg5: memref<1x128xf32, #tpu.memory_space<vmem>>, %arg6: memref<128x128xf32, #tpu.memory_space<vmem>>, %arg7: memref<2000x128xf32, #tpu.memory_space<vmem>>) attributes {dimension_semantics = [#tpu.dimension_semantics<arbitrary>], iteration_bounds = array<i64: 5>, scalar_prefetch = 0 : i64, scratch_operands = 0 : i64, tpu.core_type = #tpu.core_type<tc>, window_params = [{transform_indices = @transform_0, window_bounds = array<i64: 2, 2000, 128>}, {transform_indices = @transform_1, window_bounds = array<i64: 2000, 32>}, {transform_indices = @transform_2, window_bounds = array<i64: 2000, 128>}, {pipeline_mode = #tpu.pipeline_mode<synchronous>, transform_indices = @transform_3, window_bounds = array<i64: 128, 128>}, {pipeline_mode = #tpu.pipeline_mode<synchronous>, transform_indices = @transform_4, window_bounds = array<i64: 1, 128>}, {pipeline_mode = #tpu.pipeline_mode<synchronous>, transform_indices = @transform_5, window_bounds = array<i64: 128, 128>}, {transform_indices = @transform_6, window_bounds = array<i64: 2000, 128>}]} {
    %get3A = arith.constant 0 : index
    %get3A_0 = arith.constant 0 : index
    %get3A_1 = arith.constant 0 : index
    %get3A_2 = vector.load %arg1[%get3A, %get3A_0, %get3A_1] : memref<2x2000x128xf32, #tpu.memory_space<vmem>>, vector<1x2000x128xf32>
    %get3A_3 = vector.shape_cast %get3A_2 : vector<1x2000x128xf32> to vector<2000x128xf32>
    %get3A_4 = arith.constant 1 : index
    %get3A_5 = arith.constant 0 : index
    %get3A_6 = arith.constant 0 : index
    %get3A_7 = vector.load %arg1[%get3A_4, %get3A_5, %get3A_6] : memref<2x2000x128xf32, #tpu.memory_space<vmem>>, vector<1x2000x128xf32>
    %get3A_8 = vector.shape_cast %get3A_7 : vector<1x2000x128xf32> to vector<2000x128xf32>
    %add3A = arith.addf %get3A_3, %get3A_8 : vector<2000x128xf32>
    %get3A_9 = arith.constant 0 : index
    %get3A_10 = arith.constant 0 : index
    %get3A_11 = vector.load %arg2[%get3A_9, %get3A_10] : memref<2000x32xf32, #tpu.memory_space<vmem>>, vector<2000x32xf32>
    %reduce_sum3A = arith.constant dense<0.000000e+00> : vector<2000xf32>
    %reduce_sum3A_12 = vector.multi_reduction <add>, %get3A_11, %reduce_sum3A [1] : vector<2000x32xf32> to vector<2000xf32>
    %broadcast_in_dim3A = vector.shape_cast %reduce_sum3A_12 : vector<2000xf32> to vector<2000x1xf32>
    %max3A = arith.constant 1.000000e+00 : f32
    %max3A_13 = vector.broadcast %max3A : f32 to vector<2000x1xf32>
    %max3A_14 = arith.maximumf %broadcast_in_dim3A, %max3A_13 : vector<2000x1xf32>
    %div3A = vector.broadcast %max3A_14 : vector<2000x1xf32> to vector<2000x128xf32>
    %div3A_15 = arith.divf %add3A, %div3A : vector<2000x128xf32>
    %get3A_16 = arith.constant 0 : index
    %get3A_17 = arith.constant 0 : index
    %get3A_18 = vector.load %arg4[%get3A_16, %get3A_17] : memref<128x128xf32, #tpu.memory_space<vmem>>, vector<128x128xf32>
    %dot_general3A = arith.constant dense<0.000000e+00> : vector<2000x128xf32>
    %dot_general3A_19 = tpu.matmul %div3A_15, %get3A_18, %dot_general3A {dimension_numbers = #tpu.dot_dimension_numbers<[1], [0], [0], [1], [0, 0, 1, 1], [], []>, transpose_lhs_hint = false} : vector<2000x128xf32>, vector<128x128xf32>, vector<2000x128xf32> -> vector<2000x128xf32>
    %get3A_20 = arith.constant 0 : index
    %get3A_21 = arith.constant 0 : index
    %get3A_22 = vector.load %arg3[%get3A_20, %get3A_21] : memref<2000x128xf32, #tpu.memory_space<vmem>>, vector<2000x128xf32>
    %get3A_23 = arith.constant 0 : index
    %get3A_24 = arith.constant 0 : index
    %get3A_25 = vector.load %arg6[%get3A_23, %get3A_24] : memref<128x128xf32, #tpu.memory_space<vmem>>, vector<128x128xf32>
    %dot_general3A_26 = arith.constant dense<0.000000e+00> : vector<2000x128xf32>
    %dot_general3A_27 = tpu.matmul %get3A_22, %get3A_25, %dot_general3A_26 {dimension_numbers = #tpu.dot_dimension_numbers<[1], [0], [0], [1], [0, 0, 1, 1], [], []>, transpose_lhs_hint = false} : vector<2000x128xf32>, vector<128x128xf32>, vector<2000x128xf32> -> vector<2000x128xf32>
    %add3A_28 = arith.addf %dot_general3A_19, %dot_general3A_27 : vector<2000x128xf32>
    %get3A_29 = arith.constant 0 : index
    %get3A_30 = arith.constant 0 : index
    %get3A_31 = vector.load %arg5[%get3A_29, %get3A_30] : memref<1x128xf32, #tpu.memory_space<vmem>>, vector<1x128xf32>
    %add3A_32 = vector.broadcast %get3A_31 : vector<1x128xf32> to vector<2000x128xf32>
    %add3A_33 = arith.addf %add3A_28, %add3A_32 : vector<2000x128xf32>
    %max3A_34 = arith.constant 0.000000e+00 : f32
    %max3A_35 = vector.broadcast %max3A_34 : f32 to vector<2000x128xf32>
    %max3A_36 = arith.maximumf %add3A_33, %max3A_35 : vector<2000x128xf32>
    %swap3A = arith.constant 0 : index
    %swap3A_37 = arith.constant 0 : index
    %swap3A_38 = vector.load %arg7[%swap3A, %swap3A_37] : memref<2000x128xf32, #tpu.memory_space<vmem>>, vector<2000x128xf32>
    tpu.vector_store %arg7[%swap3A, %swap3A_37], %max3A_36 {strides = array<i32>} : memref<2000x128xf32, #tpu.memory_space<vmem>>, vector<2000x128xf32>,
    return
  }
  func.func @transform_0(%arg0: i32) -> (i32, i32, i32) {
    %c0_i32 = arith.constant 0 : i32
    %c0_i32_0 = arith.constant 0 : i32
    %c0_i32_1 = arith.constant 0 : i32
    return %c0_i32, %arg0, %c0_i32_0 : i32, i32, i32
  }
  func.func @transform_1(%arg0: i32) -> (i32, i32) {
    %c0_i32 = arith.constant 0 : i32
    %c0_i32_0 = arith.constant 0 : i32
    return %arg0, %c0_i32 : i32, i32
  }
  func.func @transform_2(%arg0: i32) -> (i32, i32) {
    %c0_i32 = arith.constant 0 : i32
    %c0_i32_0 = arith.constant 0 : i32
    return %arg0, %c0_i32 : i32, i32
  }
  func.func @transform_3(%arg0: i32) -> (i32, i32) {
    %c0_i32 = arith.constant 0 : i32
    %c0_i32_0 = arith.constant 0 : i32
    %c0_i32_1 = arith.constant 0 : i32
    return %c0_i32, %c0_i32_0 : i32, i32
  }
  func.func @transform_4(%arg0: i32) -> (i32, i32) {
    %c0_i32 = arith.constant 0 : i32
    %c0_i32_0 = arith.constant 0 : i32
    %c0_i32_1 = arith.constant 0 : i32
    return %c0_i32, %c0_i32_0 : i32, i32
  }
  func.func @transform_5(%arg0: i32) -> (i32, i32) {
    %c0_i32 = arith.constant 0 : i32
    %c0_i32_0 = arith.constant 0 : i32
    %c0_i32_1 = arith.constant 0 : i32
    return %c0_i32, %c0_i32_0 : i32, i32
  }
  func.func @transform_6(%arg0: i32) -> (i32, i32) {
    %c0_i32 = arith.constant 0 : i32
    %c0_i32_0 = arith.constant 0 : i32
    return %arg0, %c0_i32 : i32, i32
  }
}

module attributes {stable_mosaic.version = 14 : i64} {
  func.func @body(%arg0: i32, %arg1: memref<2000x128xf32, #tpu.memory_space<vmem>>, %arg2: memref<2000x128xf32, #tpu.memory_space<vmem>>, %arg3: memref<128x64xf32, #tpu.memory_space<vmem>>, %arg4: memref<128x64xf32, #tpu.memory_space<vmem>>, %arg5: memref<1x64xf32, #tpu.memory_space<vmem>>, %arg6: memref<64x1xf32, #tpu.memory_space<vmem>>, %arg7: memref<1x1xf32, #tpu.memory_space<vmem>>, %arg8: memref<2000x1xf32, #tpu.memory_space<vmem>>) attributes {dimension_semantics = [#tpu.dimension_semantics<arbitrary>], iteration_bounds = array<i64: 25>, scalar_prefetch = 0 : i64, scratch_operands = 0 : i64, tpu.core_type = #tpu.core_type<tc>, window_params = [{transform_indices = @transform_0, window_bounds = array<i64: 2000, 128>}, {transform_indices = @transform_1, window_bounds = array<i64: 2000, 128>}, {pipeline_mode = #tpu.pipeline_mode<synchronous>, transform_indices = @transform_2, window_bounds = array<i64: 128, 64>}, {pipeline_mode = #tpu.pipeline_mode<synchronous>, transform_indices = @transform_3, window_bounds = array<i64: 128, 64>}, {pipeline_mode = #tpu.pipeline_mode<synchronous>, transform_indices = @transform_4, window_bounds = array<i64: 1, 64>}, {pipeline_mode = #tpu.pipeline_mode<synchronous>, transform_indices = @transform_5, window_bounds = array<i64: 64, 1>}, {pipeline_mode = #tpu.pipeline_mode<synchronous>, transform_indices = @transform_6, window_bounds = array<i64: 1, 1>}, {transform_indices = @transform_7, window_bounds = array<i64: 2000, 1>}]} {
    %get3A = arith.constant 0 : index
    %get3A_0 = arith.constant 0 : index
    %get3A_1 = vector.load %arg1[%get3A, %get3A_0] : memref<2000x128xf32, #tpu.memory_space<vmem>>, vector<2000x128xf32>
    %get3A_2 = arith.constant 0 : index
    %get3A_3 = arith.constant 0 : index
    %get3A_4 = vector.load %arg3[%get3A_2, %get3A_3] : memref<128x64xf32, #tpu.memory_space<vmem>>, vector<128x64xf32>
    %dot_general3A = arith.constant dense<0.000000e+00> : vector<2000x64xf32>
    %dot_general3A_5 = tpu.matmul %get3A_1, %get3A_4, %dot_general3A {dimension_numbers = #tpu.dot_dimension_numbers<[1], [0], [0], [1], [0, 0, 1, 1], [], []>, transpose_lhs_hint = false} : vector<2000x128xf32>, vector<128x64xf32>, vector<2000x64xf32> -> vector<2000x64xf32>
    %get3A_6 = arith.constant 0 : index
    %get3A_7 = arith.constant 0 : index
    %get3A_8 = vector.load %arg2[%get3A_6, %get3A_7] : memref<2000x128xf32, #tpu.memory_space<vmem>>, vector<2000x128xf32>
    %get3A_9 = arith.constant 0 : index
    %get3A_10 = arith.constant 0 : index
    %get3A_11 = vector.load %arg4[%get3A_9, %get3A_10] : memref<128x64xf32, #tpu.memory_space<vmem>>, vector<128x64xf32>
    %dot_general3A_12 = arith.constant dense<0.000000e+00> : vector<2000x64xf32>
    %dot_general3A_13 = tpu.matmul %get3A_8, %get3A_11, %dot_general3A_12 {dimension_numbers = #tpu.dot_dimension_numbers<[1], [0], [0], [1], [0, 0, 1, 1], [], []>, transpose_lhs_hint = false} : vector<2000x128xf32>, vector<128x64xf32>, vector<2000x64xf32> -> vector<2000x64xf32>
    %add3A = arith.addf %dot_general3A_5, %dot_general3A_13 : vector<2000x64xf32>
    %get3A_14 = arith.constant 0 : index
    %get3A_15 = arith.constant 0 : index
    %get3A_16 = vector.load %arg5[%get3A_14, %get3A_15] : memref<1x64xf32, #tpu.memory_space<vmem>>, vector<1x64xf32>
    %add3A_17 = vector.broadcast %get3A_16 : vector<1x64xf32> to vector<2000x64xf32>
    %add3A_18 = arith.addf %add3A, %add3A_17 : vector<2000x64xf32>
    %max3A = arith.constant 0.000000e+00 : f32
    %max3A_19 = vector.broadcast %max3A : f32 to vector<2000x64xf32>
    %max3A_20 = arith.maximumf %add3A_18, %max3A_19 : vector<2000x64xf32>
    %get3A_21 = arith.constant 0 : index
    %get3A_22 = arith.constant 0 : index
    %get3A_23 = vector.load %arg6[%get3A_21, %get3A_22] : memref<64x1xf32, #tpu.memory_space<vmem>>, vector<64x1xf32>
    %dot_general3A_24 = arith.constant dense<0.000000e+00> : vector<2000x1xf32>
    %dot_general3A_25 = tpu.matmul %max3A_20, %get3A_23, %dot_general3A_24 {dimension_numbers = #tpu.dot_dimension_numbers<[1], [0], [0], [1], [0, 0, 1, 1], [], []>, transpose_lhs_hint = false} : vector<2000x64xf32>, vector<64x1xf32>, vector<2000x1xf32> -> vector<2000x1xf32>
    %get3A_26 = arith.constant 0 : index
    %get3A_27 = arith.constant 0 : index
    %get3A_28 = vector.load %arg7[%get3A_26, %get3A_27] : memref<1x1xf32, #tpu.memory_space<vmem>>, vector<1x1xf32>
    %add3A_29 = vector.broadcast %get3A_28 : vector<1x1xf32> to vector<2000x1xf32>
    %add3A_30 = arith.addf %dot_general3A_25, %add3A_29 : vector<2000x1xf32>
    %swap3A = arith.constant 0 : index
    %swap3A_31 = arith.constant 0 : index
    %swap3A_32 = vector.load %arg8[%swap3A, %swap3A_31] : memref<2000x1xf32, #tpu.memory_space<vmem>>, vector<2000x1xf32>
    tpu.vector_store %arg8[%swap3A, %swap3A_31], %add3A_30 {strides = array<i32>} : memref<2000x1xf32, #tpu.memory_space<vmem>>, vector<2000x1xf32>,
    return
  }
  func.func @transform_0(%arg0: i32) -> (i32, i32) {
    %c0_i32 = arith.constant 0 : i32
    %c0_i32_0 = arith.constant 0 : i32
    return %arg0, %c0_i32 : i32, i32
  }
  func.func @transform_1(%arg0: i32) -> (i32, i32) {
    %c0_i32 = arith.constant 0 : i32
    %c0_i32_0 = arith.constant 0 : i32
    return %arg0, %c0_i32 : i32, i32
  }
  func.func @transform_2(%arg0: i32) -> (i32, i32) {
    %c0_i32 = arith.constant 0 : i32
    %c0_i32_0 = arith.constant 0 : i32
    %c0_i32_1 = arith.constant 0 : i32
    return %c0_i32, %c0_i32_0 : i32, i32
  }
  func.func @transform_3(%arg0: i32) -> (i32, i32) {
    %c0_i32 = arith.constant 0 : i32
    %c0_i32_0 = arith.constant 0 : i32
    %c0_i32_1 = arith.constant 0 : i32
    return %c0_i32, %c0_i32_0 : i32, i32
  }
  func.func @transform_4(%arg0: i32) -> (i32, i32) {
    %c0_i32 = arith.constant 0 : i32
    %c0_i32_0 = arith.constant 0 : i32
    %c0_i32_1 = arith.constant 0 : i32
    return %c0_i32, %c0_i32_0 : i32, i32
  }
  func.func @transform_5(%arg0: i32) -> (i32, i32) {
    %c0_i32 = arith.constant 0 : i32
    %c0_i32_0 = arith.constant 0 : i32
    %c0_i32_1 = arith.constant 0 : i32
    return %c0_i32, %c0_i32_0 : i32, i32
  }
  func.func @transform_6(%arg0: i32) -> (i32, i32) {
    %c0_i32 = arith.constant 0 : i32
    %c0_i32_0 = arith.constant 0 : i32
    %c0_i32_1 = arith.constant 0 : i32
    return %c0_i32, %c0_i32_0 : i32, i32
  }
  func.func @transform_7(%arg0: i32) -> (i32, i32) {
    %c0_i32 = arith.constant 0 : i32
    %c0_i32_0 = arith.constant 0 : i32
    return %arg0, %c0_i32 : i32, i32
  }
}

</mosaic_0001>

<sc_bundles>
// kernel: kernel.10.cloned.1.call-start
scs
__scs_entry_jumppad:
0x0: {  	(pc) =	sbr.rel $0x88, $3  }
0x1: {  	(tag) =	ssettag $0x0;
	lr =	simm.s32 $0x1  }
0x2: {  	[smem:$0x3F94] =	sst lr;
	_ =	strace $0xD0000000  }
0x3: {  	_ = 	snop  }
0x4: {  	_ = 	snop  }
0x5: {  	_ = 	snop  }
0x6: {  	_ = 	snop  }
0x7: {  	_ = 	snop  }
__scs_overlays_trampoline_lowered:
0x8: {  	[smem:$0x3FA3] =	sst s0  }
0x9: {  	[smem:$0x3FA4] =	sst s1  }
0xa: {  	[smem:$0x3FA5] =	sst s2  }
0xb: {  	[smem:$0x3FA6] =	sst s3  }
0xc: {  	[smem:$0x3FA7] =	sst s4  }
0xd: {  	[smem:$0x3FA8] =	sst s5  }
0xe: {  	[smem:$0x3FA9] =	sst s6  }
0xf: {  	[smem:$0x3FAA] =	sst s7  }
0x10: {  	[smem:$0x3FAB] =	sst s8  }
0x11: {  	[smem:$0x3FAC] =	sst s9;
	s0 =	simm.s32 @!p0 $0x0  }
0x12: {  	s1 =	sld [smem:$0x3F92];
	s0 =	simm.s32 @p0 $0x1  }
0x13: {  	[smem:$0x3FAD] =	sst s0;
	s0 =	simm.s32 @!p1 $0x0  }
0x14: {  	s2 =	sld [smem:$0x3F91];
	s0 =	simm.s32 @p1 $0x1  }
0x15: {  	[smem:$0x3FAE] =	sst s0;
	s0 =	simm.s32 @!p2 $0x0  }
0x16: {  	s3 =	sld [smem:$0x3FDB];
	s0 =	simm.s32 @p2 $0x1  }
0x17: {  	s4 =	simm.s32 $0x1BF5;
	[smem:$0x3FB0] =	sst s0  }
0x18: {  	s0 =	sld [smem:$0x3F93];
	_ =	swait.ge [sflag:s4], $0x0  }
0x19: {  	s7 =	sld [smem:$0x3F94]  }
0x1a: {  	s8 =	sadd.s32 $0xFFFFE003, lr  }
0x1b: {  	s9 =	sadd.s32 $0xFFFFFEF7, lr;
	s5 =	simm.s32 $0xFFFFFFFF;
	p2 =	slt.u32 s8, $0xFFFFF086  }
0x1c: {  	p1 =	slt.u32 s9, $0xF7A;
	s5 =	simm.s32 @!p2 $0x0  }
0x1d: {  	s5 =	simm.s32 @p1 $0x1;
	p0 =	seq.s32 s7, s2  }
0x1e: {  	s7 =	smul.u32 @!p0 $0xF7A, s2;
	p2 =	seq.s32 @!p0 s5, $0x0  }
0x1f: {  	s9 =	smul.u32 $0xF7A, s1;
	s8 =	simm.s32 @!p0 $0x1BF5;
	p2 =	por !p2, p0  }
0x20: {  	[sflag:s8] =	ssyncset.s32 @!p0 $0xFFFFF086;
	s6 =	sadd.s32 @!p0 s3, s7;
	s7 =	simm.s32 @!p0 $0x108  }
0x21: {  	s3 =	sadd.s32 s3, s9;
	s6 =	sadd.s32 @!p0 $0x88, s6;
	s7 =	simm.s32 @p2 $0x1082  }
0x22: {  	[simem:s7], [sflag:s8] =	dma.local @!p0 [hbm:s6], $0xF7A  }
0x23: {  	s9 =	sor.u32 $0xD0000000, s2;
	s6 =	simm.s32 $0x108;
	_ =	swait.ge @!p0 [sflag:s8], $0x0  }
0x24: {  	s3 =	sadd.s32 $0x88, s3;
	s6 =	simm.s32 @!p1 $0x1082;
	[sflag:s4] =	ssyncset.s32 $0xFFFFF086  }
0x25: {  	[simem:s6], [sflag:s4] =	dma.local [hbm:s3], $0xF7A  }
0x26: {  	[smem:$0x3F94] =	sst s1;
	(tag) =	ssettag s2;
	_ =	strace s9  }
0x27: {  	s1 =	sld [smem:$0x3FA4]  }
0x28: {  	s2 =	sld [smem:$0x3FA5]  }
0x29: {  	s4 =	sld [smem:$0x3FA7]  }
0x2a: {  	p0 =	seq.s32 s5, $0x0;
	s5 =	sld [smem:$0x3FA8]  }
0x2b: {  	s6 =	sld [smem:$0x3FA9]  }
0x2c: {  	s7 =	sld [smem:$0x3FAA]  }
0x2d: {  	s3 =	simm.s32 $0x108;
	s8 =	sld [smem:$0x3FAB]  }
0x2e: {  	s3 =	simm.s32 @!p0 $0x1082;
	s9 =	sld [smem:$0x3FAC]  }
0x2f: {  	lr =	sadd.s32 s0, s3;
	s0 =	sld [smem:$0x3FA3]  }
0x30: {  	s3 =	sld [smem:$0x3FA6]  }
0x31: {  	[smem:$0x3FAF] =	sst s10  }
0x32: {  	s10 =	sld [smem:$0x3FAD];
	_ =	sdelay $0x3  }
0x33: {  	p0 =	seq.s32 s10, $0x1;
	s10 =	sld [smem:$0x3FAF];
	_ =	sdelay $0x3  }
0x34: {  	[smem:$0x3FAF] =	sst s10  }
0x35: {  	s10 =	sld [smem:$0x3FAE];
	_ =	sdelay $0x3  }
0x36: {  	p1 =	seq.s32 s10, $0x1;
	s10 =	sld [smem:$0x3FAF];
	_ =	sdelay $0x3  }
0x37: {  	[smem:$0x3FAF] =	sst s10  }
0x38: {  	s10 =	sld [smem:$0x3FB0]  }
0x39: {  	_ = 	snop;
	(pc) =	sbr.ind lr, $3  }
0x3a: {  	_ = 	snop  }
0x3b: {  	_ = 	snop  }
0x3c: {  	p2 =	seq.s32 s10, $0x1;
	s10 =	sld [smem:$0x3FAF]  }
0x3d: {  	_ =	shalt  }
0x3e: {  	_ =	shalt  }
0x3f: {  	_ =	shalt  }
0x40: {  	_ =	shalt  }
0x41: {  	_ =	shalt  }
0x42: {  	_ =	shalt  }
0x43: {  	_ =	shalt  }
0x44: {  	_ =	shalt  }
0x45: {  	_ =	shalt  }
0x46: {  	_ =	shalt  }
0x47: {  	_ =	shalt  }
0x48: {  	_ =	shalt  }
0x49: {  	_ =	shalt  }
0x4a: {  	_ =	shalt  }
0x4b: {  	_ =	shalt  }
0x4c: {  	_ =	shalt  }
0x4d: {  	_ =	shalt  }
0x4e: {  	_ =	shalt  }
0x4f: {  	_ =	shalt  }
0x50: {  	_ =	shalt  }
0x51: {  	_ =	shalt  }
0x52: {  	_ =	shalt  }
0x53: {  	_ =	shalt  }
0x54: {  	_ =	shalt  }
0x55: {  	_ =	shalt  }
0x56: {  	_ =	shalt  }
0x57: {  	_ =	shalt  }
0x58: {  	_ =	shalt  }
0x59: {  	_ =	shalt  }
0x5a: {  	_ =	shalt  }
0x5b: {  	_ =	shalt  }
0x5c: {  	_ =	shalt  }
0x5d: {  	_ =	shalt  }
0x5e: {  	_ =	shalt  }
0x5f: {  	_ =	shalt  }
0x60: {  	_ =	shalt  }
0x61: {  	_ =	shalt  }
0x62: {  	_ =	shalt  }
0x63: {  	_ =	shalt  }
0x64: {  	_ =	shalt  }
0x65: {  	_ =	shalt  }
0x66: {  	_ =	shalt  }
0x67: {  	_ =	shalt  }
0x68: {  	_ =	shalt  }
0x69: {  	_ =	shalt  }
0x6a: {  	_ =	shalt  }
0x6b: {  	_ =	shalt  }
0x6c: {  	_ =	shalt  }
0x6d: {  	_ =	shalt  }
0x6e: {  	_ =	shalt  }
0x6f: {  	_ =	shalt  }
0x70: {  	_ =	shalt  }
0x71: {  	_ =	shalt  }
0x72: {  	_ =	shalt  }
0x73: {  	_ =	shalt  }
0x74: {  	_ =	shalt  }
0x75: {  	_ =	shalt  }
0x76: {  	_ =	shalt  }
0x77: {  	_ =	shalt  }
0x78: {  	_ =	shalt  }
0x79: {  	_ =	shalt  }
0x7a: {  	_ =	shalt  }
0x7b: {  	_ =	shalt  }
0x7c: {  	_ =	shalt  }
0x7d: {  	_ =	shalt  }
0x7e: {  	_ =	shalt  }
0x7f: {  	_ =	shalt  }
0x80: {  	_ =	shalt  }
0x81: {  	_ =	shalt  }
0x82: {  	_ =	shalt  }
0x83: {  	_ =	shalt  }
0x84: {  	_ =	shalt  }
0x85: {  	_ =	shalt  }
0x86: {  	_ =	shalt  }
0x87: {  	_ =	shalt  }
.Lfunc_end0:
.L_simem_size_0:
called_computation_lowered:
.L_overlay_start_0:
0x88: {  	s2 =	sld [smem:$0x3FD9]  }
0x89: {  	s3 =	sld [smem:$0x3FFE];
	_ =	sdelay $0x1  }
0x8a: {  	s1 =	srdreg.scid  }
0x8b: {  	s0 =	sand.u32 $0x1, s1  }
0x8c: {  	s17 =	sshll.u32 s0, $0xA;
	s2 =	sadd.s32 s3, s2  }
0x8d: {  	s2 =	sadd.s32 s2, s17  }
0x8e: {  	[smem:$0x3FBB] =	sst s2  }
0x8f: {  	_ = 	snop  }
0x90: {  	s2 =	sld [smem:$0x3FC9];
	(tm) =	ssettm $0x1  }
0x91: {  	s18 =	sld [smem:$0x3FFB];
	_ =	sdelay $0x3  }
0x92: {  	_ =	strace s18  }
0x93: {  	s3 =	sld [smem:$0x3FFC];
	_ =	sdelay $0x3  }
0x94: {  	_ =	strace s3  }
0x95: {  	s3 =	sld [smem:$0x3FFD];
	_ =	sdelay $0x3  }
0x96: {  	_ =	strace s3  }
0x97: {  	_ =	strace $0x8FFFFFFF  }
0x98: {  	s19 =	sld [smem:$0x3FDB];
	_ =	sdelay $0x1  }
0x99: {  	s4 =	simm.s32 $_scs_section_size  }
0x9a: {  	s5 =	simm.s32 $_size__tile_overlayer_lowered;
	s6 =	simm.s32 $_tile_overlayer_lowered  }
0x9b: {  	s22 =	simm.s32 $0x1BFF;
	s21 =	sshll.u32 s6, $0x1;
	s3 =	sadd.s32 s4, s19  }
0x9c: {  	s7 =	simm.s32 $0x0;
	s20 =	sshll.u32 s5, $0x1;
	s5 =	sadd.s32 s21, s3  }
0x9d: {  	[timem:s7], [sflag:s22] =	dma.local [hbm:s5], s20  }
0x9e: {  	_ =	swait.ge [sflag:s22], s20  }
0x9f: {  	s4 =	ssub.s32 $0x0, s20;
	[sflag:s22] =	ssyncset.done $0x0  }
0xa0: {  	[sflag:s22] =	ssyncadd.s32 s4;
	_ =	sdelay $0x1  }
0xa1: {  	s23 =	simm.s32 $0x1B8B  }
0xa2: {  	_ =	swait.ge [sflag:s23], $0x1  }
0xa3: {  	[sflag:s23] =	ssyncset.done $0x0  }
0xa4: {  	s25 =	simm.s32 $0x1B8E;
	s24 =	sld [smem:$0x3FFE];
	[sflag:s23] =	ssyncadd.s32 $0xFFFFFFFF  }
0xa5: {  	s26 =	simm.s32 $execute0_lowered;
	[smem:$0x3FD2] =	sst s25  }
0xa6: {  	s5 =	sshll.u32 s26, $0x1;
	_ =	strace $0x80000046;
	[dreg:$0x1] =	wrdreg $0xFFFFFFFF  }
0xa7: {  	s28 =	simm.s32 $_size_execute0_lowered;
	s3 =	sadd.s32 s3, s5;
	[dreg:$0x0] =	wrdreg $0x0  }
0xa8: {  	s5 =	sshll.u32 s28, $0x1;
	[dreg:$0x2] =	wrdreg s3  }
0xa9: {  	[dreg:$0x3] =	wrdreg s5  }
0xaa: {  	[dreg:$0x4] =	wrdreg $0xC0  }
0xab: {  	_ =	task [dreg:s7], $0x5FFFF  }
0xac: {  	[dreg:$0x1] =	wrdreg $0xFFFFFFFF  }
0xad: {  	[dreg:$0x0] =	wrdreg $0x60  }
0xae: {  	[dreg:$0x2] =	wrdreg s2  }
0xaf: {  	[dreg:$0x3] =	wrdreg s24  }
0xb0: {  	[dreg:$0x4] =	wrdreg $0x0  }
0xb1: {  	[dreg:$0x5] =	wrdreg $0x9  }
0xb2: {  	_ =	task.clear_ibuf [dreg:s7], $0x6FFFF;
	_ =	strace $0x90000046  }
0xb3: {  	s29 =	simm.s32 $0x9;
	_ =	strace $0x80000048  }
0xb4: {  	_ =	swait.ge [sflag:s29], $0x1  }
0xb5: {  	[sflag:s29] =	ssyncadd.s32 $0xFFFFFFFF  }
0xb6: {  	_ =	strace $0x90000048  }
0xb7: {  	_ =	sfence  }
0xb8: {  	s30 =	sld [smem:$0x0];
	_ =	sdelay $0x2  }
0xb9: {  	s31 =	sshll.u32 s1, $0xD;
	s1 =	sshrl.u32 s1, $0x2  }
0xba: {  	s3 =	sand.u32 $0x4000, s31;
	s1 =	sadd.s32 s1, s30  }
0xbb: {  	s0 =	sor.u32 s3, s0;
	s1 =	sshll.u32 s1, $0x11  }
0xbc: {  	s0 =	sor.u32 s1, s0  }
0xbd: {  	s0 =	sadd.s32 $0x8F2B, s0  }
0xbe: {  	[sflag:s0] =	ssyncadd.remote.s32 $0x1  }
0xbf: {  	_ =	sfence.sel $0xFFFF  }
0xc0: {  	[dreg:$0x0] =	wrdreg $0xFFFFFFFF;
	(pc) =	sbr.abs _section_cstart, $3  }
0xc1: {  	[dreg:$0x1] =	wrdreg $0xFFFFFFFF  }
0xc2: {  	_ =	task.clear_ibuf [dreg:s7], $0x2FFFF;
	_ =	strace $0x9FFFFFFF  }
0xc3: {  	(tm) =	ssettm $0x7FFFFFFF  }
tec
execute0_lowered:
.L_overlay_start_1:
0x0: {  	(tag) =	ssettag $0x1  }
0x1: {  	s1 =	rddreg [dreg:$0x0]  }
0x2: {  	s0 =	srdreg.scid;
	s2 =	rddreg [dreg:$0x1]  }
0x3: {  	s13 =	stileid.u32;
	s3 =	rddreg [dreg:$0x2];
	s17 =	simm.s32 $0x13880  }
0x4: {  	s18 =	simm.s32 $0x5;
	s19 =	simm.s32 $0x16100;
	s28 =	simm.s32 $0x1B100  }
0x5: {  	s29 =	simm.s32 $0x2;
	s30 =	simm.s32 $0x4;
	s8 =	smul.u32 $0x2800, s13  }
0x6: {  	s0 =	sand.u32 $0x1, s0;
	s21 =	sshll.u32 s13, $0x7;
	s12 =	smul.u32 $0x2710, s13  }
0x7: {  	s25 =	ssub.s32 $0x8C, s13;
	s4 =	sshll.u32 s0, $0x4;
	s7 =	smul.u32 $0x138800, s0  }
0x8: {  	s22 =	sand.u32 $0x380, s21;
	s23 =	ssub.s32 $0x2, s0;
	s0 =	smul.u32 $0x27100, s0  }
0x9: {  	s21 =	simm.s32 $0x50;
	s5 =	sor.u32 s13, s4;
	s13 =	smul.u32 $0xA000, s13  }
0xa: {  	s4 =	simm.s32 $0x0;
	s24 =	sshrl.u32 s23, $0x1;
	s6 =	smul.u32 $0x2710, s5  }
0xb: {  	[smem:$0x7FF] =	sst s4;
	s5 =	sshrl.u32 s5, $0x3;
	s7 =	sadd.s32 s8, s7  }
0xc: {  	s11 =	ssub.s32 s23, s24;
	s0 =	sadd.s32 s12, s0;
	s24 =	simm.s32 $0x18900  }
0xd: {  	s23 =	simm.s32 $0x0;
	_ =	strace $0x80000047;
	s20 =	smul.u32 $0x13C00, s5  }
0xe: {  	s5 =	sadd.s32 $0x2400, s2;
	s7 =	sshrl.u32 s7, $0x3;
	s11 =	smax.u32 s11, $0x1  }
0xf: {  	s31 =	sadd.s32 $0xF0, s0;
	s13 =	sshrl.u32 s13, $0x2;
	s0 =	sadd.s32 $0xA0, s0  }
0x10: {  	s9 =	sshrl.u32 s6, $0x3;
	s15 =	sadd.s32 s7, s2;
	s7 =	sshrl.u32 s25, $0x4  }
0x11: {  	s13 =	sadd.s32 s13, s3;
	s25 =	simm.s32 $0x1;
	s10 =	sadd.s32 s9, s2  }
0x12: {  	s6 =	sor.u32 s22, s20;
	s8 =	sadd.s32 s5, s9;
	s16 =	sadd.s32 $0x1FE00, s15  }
0x13: {  	s20 =	simm.s32 $0x16000;
	s22 =	simm.s32 $0x16080;
	s6 =	sshrl.u32 s6, $0x3  }
0x14: {  	s26 =	sadd.s32 $0xC200, s10;
	s9 =	sadd.s32 $0xA, s8;
	s2 =	sadd.s32 s6, s2  }
0x15: {  	s12 =	sadd.s32 $0x4D8, s8;
	s10 =	sadd.s32 $0x16000, s2;
	s2 =	sshrl.u32 s31, $0x3  }
0x16: {  	v0 =	vimm.f32 $0.0e+00;
	v1 =	vimm.f32 $1.000000000e+00;
	[dreg:$0x4] =	wrdreg s26;
	s26 =	simm.s32 $0x3;
	s14 =	sadd.s32 s2, s5  }
.LBB2_1:
0x17: {  	s2 =	simm.s32 $0x0;
	s15 =	simm.s32 $0x200  }
.LBB2_2:
0x18: {  	p0 =	sne.s32 s15, $0x9E00;
	[tilespmem:s2+$0x16170] =	vst v0  }
0x19: {  	[tilespmem:s2+$0x16100] =	vst v0  }
0x1a: {  	[tilespmem:s2+$0x16110] =	vst v0  }
.Ltmp0:
0x1b: {  	[tilespmem:s2+$0x16120] =	vst v0;
	(pc) =	sbr.rel @p0 .LBB2_2-.Ltmp0, $4  }
0x1c: {  	[tilespmem:s2+$0x16130] =	vst v0  }
0x1d: {  	[tilespmem:s2+$0x16140] =	vst v0  }
0x1e: {  	[tilespmem:s2+$0x16150] =	vst v0  }
0x1f: {  	[tilespmem:s2+$0x16160] =	vst v0;
	s2 =	sshra.s32 s15, $0x2;
	s15 =	sadd.s32 $0x200, s15  }
0x20: {  	[tilespmem:s2+$0x16170] =	vst v0  }
0x21: {  	[tilespmem:s2+$0x16100] =	vst v0  }
0x22: {  	[tilespmem:s2+$0x16110] =	vst v0  }
0x23: {  	[tilespmem:s2+$0x16120] =	vst v0  }
0x24: {  	[tilespmem:s2+$0x16130] =	vst v0  }
0x25: {  	[tilespmem:s2+$0x16140] =	vst v0  }
0x26: {  	[tilespmem:s2+$0x16150] =	vst v0  }
0x27: {  	[tilespmem:s2+$0x16160] =	vst v0;
	s2 =	simm.s32 $0x40;
	s15 =	simm.s32 $0x0  }
.LBB2_4:
0x28: {  	p0 =	sne.s32 s2, $0x9C00;
	[tilespmem:s15+$0x1B100] =	vst v0;
	s15 =	smov.u32 s2;
	s2 =	sadd.s32 $0x40, s2  }
.Ltmp1:
0x29: {  	(pc) =	sbr.rel @p0 .LBB2_4-.Ltmp1, $2  }
0x2a: {  	_ =	sdelay $0x2  }
0x2b: {  	s15 =	sshra.s32 s15, $0x2  }
0x2c: {  	[tilespmem:s15+$0x1B100] =	vst v0;
	s2 =	rddreg [dreg:$0x4]  }
0x2d: {  	[tilespmem:s17], [sflag:$0x5] =	stream.linear.gather [hbm4b:s2+s4], $0x2710, $0x38;
	[tilespmem:$0x1D880] =	vst v63  }
0x2e: {  	p0 =	sne.s32 s7, $0x1;
	_ =	swait.ge [sflag:s18], $0x2710  }
.Ltmp2:
0x2f: {  	[sflag:s18] =	ssyncset.done $0x0;
	(pc) =	sbr.rel @!p0 .LBB2_7-.Ltmp2, $4  }
0x30: {  	[sflag:s18] =	ssyncadd.s32 $0xFFFFD8F0  }
0x31: {  	[spmem:s13] =	stream.linear.scatter [tilespmem:s19], [sflag:$0x5], $0x2800, $0x38;
	[tilespmem:$0x1D880] =	vst v63  }
0x32: {  	_ =	swait.ge [sflag:s18], $0x2800  }
0x33: {  	s15 =	smov.u32 s13;
	s2 =	sadd.s32 $0xFFFFFFFF, s7;
	[sflag:s18] =	ssyncset.done $0x0  }
.LBB2_6:
0x34: {  	p1 =	sne.s32 s2, $0x1;
	[sflag:s18] =	ssyncadd.s32 $0xFFFFD800;
	s15 =	sadd.s32 $0x28000, s15  }
.Ltmp3:
0x35: {  	s2 =	sadd.s32 $0xFFFFFFFF, s2;
	(pc) =	sbr.rel @p1 .LBB2_6-.Ltmp3, $4  }
0x36: {  	_ = 	snop  }
0x37: {  	[spmem:s15] =	stream.linear.scatter [tilespmem:s19], [sflag:$0x5], $0x2800, $0x38;
	[tilespmem:$0x1D880] =	vst v63  }
0x38: {  	_ =	swait.ge [sflag:s18], $0x2800  }
0x39: {  	[sflag:s18] =	ssyncset.done $0x0  }
.LBB2_7:
0x3a: {  	[sflag:s18] =	ssyncadd.s32 $0xFFFFD800  }
0x3b: {  	s31 =	simm.s32 $0x0;
	[bflag:$0x0] =	sbarrier.arrive $0xFFFF  }
0x3c: {  	[tilespmem:s20], [sflag:$0x1] =	stream.linear.gather [hbm4b:s8+s31], $0x50, $0x38;
	[tilespmem:$0x1D880] =	vst v63  }
0x3d: {  	_ = 	snop  }
0x3e: {  	[tilespmem:s19], [sflag:$0x3] =	stream.indirect.gather [hbm4b:s1+s21], $0x80, s17, s21, $0xb8;
	[tilespmem:$0x1D880] =	vst v63  }
0x3f: {  	_ = 	snop  }
0x40: {  	[tilespmem:s22], [sflag:$0x2] =	stream.linear.gather [hbm4b:s9+s31], $0x50, $0x38;
	[tilespmem:$0x1D880] =	vst v63  }
0x41: {  	s2 =	simm.s32 $0x138D0  }
0x42: {  	[tilespmem:s24], [sflag:$0x4] =	stream.indirect.gather [hbm4b:s1+s21], $0x80, s2, s21, $0xb8;
	[tilespmem:$0x1D880] =	vst v63  }
0x43: {  	s15 =	smov.u32 s0;
	s2 =	simm.s32 $0x13970  }
.LBB2_8:
0x44: {  	_ =	swait.ge [sflag:s25], $0x50  }
0x45: {  	[sflag:s25] =	ssyncset.done $0x0  }
0x46: {  	[sflag:s25] =	ssyncadd.s32 $0xFFFFFFB0  }
0x47: {  	_ =	swait.ge [sflag:s26], $0x2800  }
0x48: {  	[sflag:s26] =	ssyncset.done $0x0  }
0x49: {  	[sflag:s26] =	ssyncadd.s32 $0xFFFFD800  }
0x4a: {  	[spmem:s3] =	stream.indirect.scatter.add.f32 [tilespmem:s19], [sflag:$0x5], $0x80, s20, s21, $0xb8;
	[tilespmem:$0x1D880] =	vst v63  }
0x4b: {  	_ =	swait.ge [sflag:s18], $0x2800  }
0x4c: {  	[sflag:s18] =	ssyncset.done $0x0  }
0x4d: {  	[sflag:s18] =	ssyncadd.s32 $0xFFFFD800  }
0x4e: {  	v2 =	vld [tilespmem:$0x16000];
	_ =	sdelay $0x7  }
0x4f: {  	[tilespmem:v2+s28+$0x0] =	vst.idx.add.f32.msk $0xffff, v1  }
0x50: {  	v2 =	vld [tilespmem:$0x16010];
	_ =	sdelay $0x7  }
0x51: {  	[tilespmem:v2+s28+$0x0] =	vst.idx.add.f32.msk $0xffff, v1  }
0x52: {  	v2 =	vld [tilespmem:$0x16020];
	_ =	sdelay $0x7  }
0x53: {  	[tilespmem:v2+s28+$0x0] =	vst.idx.add.f32.msk $0xffff, v1  }
0x54: {  	v2 =	vld [tilespmem:$0x16030];
	_ =	sdelay $0x7  }
0x55: {  	[tilespmem:v2+s28+$0x0] =	vst.idx.add.f32.msk $0xffff, v1  }
0x56: {  	v2 =	vld [tilespmem:$0x16040];
	_ =	sdelay $0x6  }
0x57: {  	s6 =	sshrl.u32 s15, $0x3  }
0x58: {  	s6 =	sadd.s32 s5, s6;
	[tilespmem:v2+s28+$0x0] =	vst.idx.add.f32.msk $0xffff, v1  }
0x59: {  	[tilespmem:s20], [sflag:$0x1] =	stream.linear.gather [hbm4b:s6+s4], $0x50, $0x38;
	[tilespmem:$0x1D880] =	vst v63  }
0x5a: {  	s6 =	sadd.s32 $0xFFFFFFB0, s2  }
0x5b: {  	[tilespmem:s19], [sflag:$0x3] =	stream.indirect.gather [hbm4b:s1+s21], $0x80, s6, s21, $0xb8;
	[tilespmem:$0x1D880] =	vst v63  }
0x5c: {  	_ =	swait.ge [sflag:s29], $0x50  }
0x5d: {  	[sflag:s29] =	ssyncset.done $0x0  }
0x5e: {  	[sflag:s29] =	ssyncadd.s32 $0xFFFFFFB0  }
0x5f: {  	_ =	swait.ge [sflag:s30], $0x2800  }
0x60: {  	[sflag:s30] =	ssyncset.done $0x0  }
0x61: {  	[sflag:s30] =	ssyncadd.s32 $0xFFFFD800  }
0x62: {  	[spmem:s3] =	stream.indirect.scatter.add.f32 [tilespmem:s24], [sflag:$0x5], $0x80, s22, s21, $0xb8;
	[tilespmem:$0x1D880] =	vst v63  }
0x63: {  	_ =	swait.ge [sflag:s18], $0x2800  }
0x64: {  	[sflag:s18] =	ssyncset.done $0x0  }
0x65: {  	[sflag:s18] =	ssyncadd.s32 $0xFFFFD800  }
0x66: {  	v2 =	vld [tilespmem:$0x16080];
	_ =	sdelay $0x7  }
0x67: {  	[tilespmem:v2+s28+$0x0] =	vst.idx.add.f32.msk $0xffff, v1  }
0x68: {  	v2 =	vld [tilespmem:$0x16090];
	_ =	sdelay $0x7  }
0x69: {  	[tilespmem:v2+s28+$0x0] =	vst.idx.add.f32.msk $0xffff, v1  }
0x6a: {  	v2 =	vld [tilespmem:$0x160A0];
	_ =	sdelay $0x7  }
0x6b: {  	[tilespmem:v2+s28+$0x0] =	vst.idx.add.f32.msk $0xffff, v1  }
0x6c: {  	v2 =	vld [tilespmem:$0x160B0];
	_ =	sdelay $0x7  }
0x6d: {  	[tilespmem:v2+s28+$0x0] =	vst.idx.add.f32.msk $0xffff, v1  }
0x6e: {  	v2 =	vld [tilespmem:$0x160C0];
	_ =	sdelay $0x6  }
0x6f: {  	p1 =	sne.s32 s31, $0x4B0  }
.Ltmp4:
0x70: {  	s6 =	sadd.s32 s31, s14;
	[tilespmem:v2+s28+$0x0] =	vst.idx.add.f32.msk $0xffff, v1;
	(pc) =	sbr.rel @p1 .LBB2_8-.Ltmp4, $4  }
0x71: {  	[tilespmem:s22], [sflag:$0x2] =	stream.linear.gather [hbm4b:s6+s4], $0x50, $0x38;
	[tilespmem:$0x1D880] =	vst v63  }
0x72: {  	_ = 	snop  }
0x73: {  	[tilespmem:s24], [sflag:$0x4] =	stream.indirect.gather [hbm4b:s1+s21], $0x80, s2, s21, $0xb8;
	[tilespmem:$0x1D880] =	vst v63  }
0x74: {  	s15 =	sadd.s32 $0xA0, s15;
	s31 =	sadd.s32 $0x14, s31;
	s2 =	sadd.s32 $0xA0, s2  }
0x75: {  	_ =	swait.ge [sflag:s25], $0x50  }
0x76: {  	[sflag:s25] =	ssyncset.done $0x0  }
0x77: {  	[sflag:s25] =	ssyncadd.s32 $0xFFFFFFB0  }
0x78: {  	_ =	swait.ge [sflag:s26], $0x2800  }
0x79: {  	[sflag:s26] =	ssyncset.done $0x0  }
0x7a: {  	[sflag:s26] =	ssyncadd.s32 $0xFFFFD800  }
0x7b: {  	[spmem:s3] =	stream.indirect.scatter.add.f32 [tilespmem:s19], [sflag:$0x5], $0x80, s20, s21, $0xb8;
	[tilespmem:$0x1D880] =	vst v63  }
0x7c: {  	_ =	swait.ge [sflag:s18], $0x2800  }
0x7d: {  	[sflag:s18] =	ssyncset.done $0x0  }
0x7e: {  	[sflag:s18] =	ssyncadd.s32 $0xFFFFD800  }
0x7f: {  	v2 =	vld [tilespmem:$0x16000];
	_ =	sdelay $0x7  }
0x80: {  	[tilespmem:v2+s28+$0x0] =	vst.idx.add.f32.msk $0xffff, v1  }
0x81: {  	v2 =	vld [tilespmem:$0x16010];
	_ =	sdelay $0x7  }
0x82: {  	[tilespmem:v2+s28+$0x0] =	vst.idx.add.f32.msk $0xffff, v1  }
0x83: {  	v2 =	vld [tilespmem:$0x16020];
	_ =	sdelay $0x7  }
0x84: {  	[tilespmem:v2+s28+$0x0] =	vst.idx.add.f32.msk $0xffff, v1  }
0x85: {  	v2 =	vld [tilespmem:$0x16030];
	_ =	sdelay $0x7  }
0x86: {  	[tilespmem:v2+s28+$0x0] =	vst.idx.add.f32.msk $0xffff, v1  }
0x87: {  	v2 =	vld [tilespmem:$0x16040];
	_ =	sdelay $0x7  }
0x88: {  	[tilespmem:v2+s28+$0x0] =	vst.idx.add.f32.msk $0xffff, v1  }
0x89: {  	[tilespmem:s20], [sflag:$0x1] =	stream.linear.gather [hbm4b:s12+s4], $0x50, $0x38;
	[tilespmem:$0x1D880] =	vst v63  }
0x8a: {  	s2 =	simm.s32 $0x15F40  }
0x8b: {  	[tilespmem:s19], [sflag:$0x3] =	stream.indirect.gather [hbm4b:s1+s21], $0x80, s2, s21, $0xb8;
	[tilespmem:$0x1D880] =	vst v63  }
0x8c: {  	_ =	swait.ge [sflag:s29], $0x50  }
0x8d: {  	[sflag:s29] =	ssyncset.done $0x0  }
0x8e: {  	[sflag:s29] =	ssyncadd.s32 $0xFFFFFFB0  }
0x8f: {  	_ =	swait.ge [sflag:s30], $0x2800  }
0x90: {  	[sflag:s30] =	ssyncset.done $0x0  }
0x91: {  	[sflag:s30] =	ssyncadd.s32 $0xFFFFD800  }
0x92: {  	[spmem:s3] =	stream.indirect.scatter.add.f32 [tilespmem:s24], [sflag:$0x5], $0x80, s22, s21, $0xb8;
	[tilespmem:$0x1D880] =	vst v63  }
0x93: {  	_ =	swait.ge [sflag:s18], $0x2800  }
0x94: {  	[sflag:s18] =	ssyncset.done $0x0  }
0x95: {  	[sflag:s18] =	ssyncadd.s32 $0xFFFFD800  }
0x96: {  	v2 =	vld [tilespmem:$0x16080];
	_ =	sdelay $0x7  }
0x97: {  	[tilespmem:v2+s28+$0x0] =	vst.idx.add.f32.msk $0xffff, v1  }
0x98: {  	v2 =	vld [tilespmem:$0x16090];
	_ =	sdelay $0x7  }
0x99: {  	[tilespmem:v2+s28+$0x0] =	vst.idx.add.f32.msk $0xffff, v1  }
0x9a: {  	v2 =	vld [tilespmem:$0x160A0];
	_ =	sdelay $0x7  }
0x9b: {  	[tilespmem:v2+s28+$0x0] =	vst.idx.add.f32.msk $0xffff, v1  }
0x9c: {  	v2 =	vld [tilespmem:$0x160B0];
	_ =	sdelay $0x7  }
0x9d: {  	[tilespmem:v2+s28+$0x0] =	vst.idx.add.f32.msk $0xffff, v1  }
0x9e: {  	v2 =	vld [tilespmem:$0x160C0];
	_ =	sdelay $0x7  }
0x9f: {  	[tilespmem:v2+s28+$0x0] =	vst.idx.add.f32.msk $0xffff, v1  }
0xa0: {  	_ =	swait.ge [sflag:s25], $0x50  }
0xa1: {  	[sflag:s25] =	ssyncset.done $0x0  }
0xa2: {  	[sflag:s25] =	ssyncadd.s32 $0xFFFFFFB0  }
0xa3: {  	_ =	swait.ge [sflag:s26], $0x2800  }
0xa4: {  	[sflag:s26] =	ssyncset.done $0x0  }
0xa5: {  	[sflag:s26] =	ssyncadd.s32 $0xFFFFD800  }
0xa6: {  	[spmem:s3] =	stream.indirect.scatter.add.f32 [tilespmem:s19], [sflag:$0x5], $0x80, s20, s21, $0xb8;
	[tilespmem:$0x1D880] =	vst v63  }
0xa7: {  	_ =	swait.ge [sflag:s18], $0x2800  }
0xa8: {  	[sflag:s18] =	ssyncset.done $0x0  }
0xa9: {  	[sflag:s18] =	ssyncadd.s32 $0xFFFFD800  }
0xaa: {  	v2 =	vld [tilespmem:$0x16000];
	_ =	sdelay $0x7  }
0xab: {  	[tilespmem:v2+s28+$0x0] =	vst.idx.add.f32.msk $0xffff, v1  }
0xac: {  	v2 =	vld [tilespmem:$0x16010];
	_ =	sdelay $0x7  }
0xad: {  	[tilespmem:v2+s28+$0x0] =	vst.idx.add.f32.msk $0xffff, v1  }
0xae: {  	v2 =	vld [tilespmem:$0x16020];
	_ =	sdelay $0x7  }
0xaf: {  	[tilespmem:v2+s28+$0x0] =	vst.idx.add.f32.msk $0xffff, v1  }
0xb0: {  	v2 =	vld [tilespmem:$0x16030];
	_ =	sdelay $0x7  }
0xb1: {  	[tilespmem:v2+s28+$0x0] =	vst.idx.add.f32.msk $0xffff, v1  }
0xb2: {  	v2 =	vld [tilespmem:$0x16040];
	_ =	sdelay $0x7  }
0xb3: {  	[tilespmem:v2+s28+$0x0] =	vst.idx.add.f32.msk $0xffff, v1  }
0xb4: {  	[bflag:$0x0] =	sbarrier.arrive $0xFFFF  }
0xb5: {  	[tilespmem:s19], [sflag:$0x5] =	stream.linear.gather [spmem:s13], $0x2800, $0x38;
	[tilespmem:$0x1D880] =	vst v63  }
0xb6: {  	_ =	swait.ge [sflag:s18], $0x2800  }
.Ltmp5:
0xb7: {  	[sflag:s18] =	ssyncset.done $0x0;
	(pc) =	sbr.rel @!p0 .LBB2_11-.Ltmp5, $4  }
0xb8: {  	[sflag:s18] =	ssyncadd.s32 $0xFFFFD800  }
0xb9: {  	[hbm4b:s16+s4] =	stream.linear.scatter [tilespmem:s19], [sflag:$0x5], $0x2800, $0x38;
	[tilespmem:$0x1D880] =	vst v63  }
0xba: {  	s15 =	smov.u32 s13;
	_ =	swait.ge [sflag:s18], $0x2800  }
0xbb: {  	s31 =	smov.u32 s16;
	s2 =	sadd.s32 $0xFFFFFFFF, s7;
	[sflag:s18] =	ssyncset.done $0x0  }
.LBB2_10:
0xbc: {  	[sflag:s18] =	ssyncadd.s32 $0xFFFFD800;
	s15 =	sadd.s32 $0x28000, s15;
	s31 =	sadd.s32 $0x5000, s31  }
0xbd: {  	[tilespmem:s19], [sflag:$0x5] =	stream.linear.gather [spmem:s15], $0x2800, $0x38;
	[tilespmem:$0x1D880] =	vst v63  }
0xbe: {  	p0 =	sne.s32 s2, $0x1;
	s2 =	sadd.s32 $0xFFFFFFFF, s2;
	_ =	swait.ge [sflag:s18], $0x2800  }
.Ltmp6:
0xbf: {  	[sflag:s18] =	ssyncset.done $0x0;
	(pc) =	sbr.rel @p0 .LBB2_10-.Ltmp6, $4  }
0xc0: {  	[sflag:s18] =	ssyncadd.s32 $0xFFFFD800  }
0xc1: {  	[hbm4b:s31+s4] =	stream.linear.scatter [tilespmem:s19], [sflag:$0x5], $0x2800, $0x38;
	[tilespmem:$0x1D880] =	vst v63  }
0xc2: {  	_ =	swait.ge [sflag:s18], $0x2800  }
0xc3: {  	[sflag:s18] =	ssyncset.done $0x0  }
.LBB2_11:
0xc4: {  	s23 =	sadd.s32 $0x1, s23  }
0xc5: {  	[sflag:s18] =	ssyncadd.s32 $0xFFFFD800;
	p0 =	sne.s32 s23, s11  }
.Ltmp7:
0xc6: {  	s2 =	simm.s32 $0x80;
	s6 =	simm.s32 $0x400;
	(pc) =	sbr.rel @p0 .LBB2_1-.Ltmp7, $4  }
0xc7: {  	[hbm4b:s10+s2] =	stream.strided.scatter [tilespmem:s28], [sflag:$0x5], $0x2780, s6, s2, $0x38;
	[tilespmem:$0x1D880] =	vst v63  }
0xc8: {  	_ =	swait.ge [sflag:s18], $0x2780  }
0xc9: {  	[sflag:s18] =	ssyncset.done $0x0  }
0xca: {  	[sflag:s18] =	ssyncadd.s32 $0xFFFFD880  }
0xcb: {  	_ =	sfence.sel $0x180000  }
0xcc: {  	[bflag:$0x0] =	sbarrier.arrive $0xFFFF  }
0xcd: {  	_ =	strace $0x90000047  }
0xce: {  	s0 =	stileid.u32;
	[bflag:$0x2] =	sbarrier.arrive $0xFFFF  }
0xcf: {  	p0 =	sne.s32 s0, $0x0;
	s0 =	rddreg [dreg:$0x3]  }
0xd0: {  	s0 =	sadd.s32 @!p0 $0x100000, s0  }
0xd1: {  	[sflag:s0] =	ssyncadd.tile.s32 @!p0 $0x1;
	_ =	shalt  }
.Lfunc_end2:
_tile_overlayer_lowered:
.L_overlay_start_2:
0xd2: {  	(tag) =	ssettag $0x2  }
0xd3: {  	s0 =	rddreg [dreg:$0x0];
	s2 =	stileid.u32  }
0xd4: {  	s1 =	rddreg [dreg:$0x1];
	p0 =	sne.s32 s2, $0x0  }
0xd5: {  	s3 =	rddreg [dreg:$0x2];
	[bflag:$0x3] =	sbarrier.arrive $0xFFFF;
	s2 =	simm.s32 @!p0 $0x1C05  }
0xd6: {  	[timem:s3], [sflag:s2] =	dma.local @!p0 [hbm:s0], s1  }
0xd7: {  	s0 =	simm.s32 @!p0 $0x5  }
0xd8: {  	_ =	swait.ge @!p0 [sflag:s0], s1  }
0xd9: {  	s1 =	ssub.s32 @!p0 $0x0, s1;
	[sflag:s0] =	ssyncset.done @!p0 $0x0  }
0xda: {  	[sflag:s0] =	ssyncadd.s32 @!p0 s1  }
0xdb: {  	[bflag:$0x3] =	sbarrier.arrive $0xFFFF  }
0xdc: {  	_ =	shalt  }

// kernel: kernel.13.cloned.1.call-start
scs
__scs_entry_jumppad:
0x0: {  	(pc) =	sbr.rel $0x88, $3  }
0x1: {  	(tag) =	ssettag $0x0;
	lr =	simm.s32 $0x1  }
0x2: {  	[smem:$0x3F94] =	sst lr;
	_ =	strace $0xD0000000  }
0x3: {  	_ = 	snop  }
0x4: {  	_ = 	snop  }
0x5: {  	_ = 	snop  }
0x6: {  	_ = 	snop  }
0x7: {  	_ = 	snop  }
__scs_overlays_trampoline_lowered:
0x8: {  	[smem:$0x3FA3] =	sst s0  }
0x9: {  	[smem:$0x3FA4] =	sst s1  }
0xa: {  	[smem:$0x3FA5] =	sst s2  }
0xb: {  	[smem:$0x3FA6] =	sst s3  }
0xc: {  	[smem:$0x3FA7] =	sst s4  }
0xd: {  	[smem:$0x3FA8] =	sst s5  }
0xe: {  	[smem:$0x3FA9] =	sst s6  }
0xf: {  	[smem:$0x3FAA] =	sst s7  }
0x10: {  	[smem:$0x3FAB] =	sst s8  }
0x11: {  	[smem:$0x3FAC] =	sst s9;
	s0 =	simm.s32 @!p0 $0x0  }
0x12: {  	s1 =	sld [smem:$0x3F92];
	s0 =	simm.s32 @p0 $0x1  }
0x13: {  	[smem:$0x3FAD] =	sst s0;
	s0 =	simm.s32 @!p1 $0x0  }
0x14: {  	s2 =	sld [smem:$0x3F91];
	s0 =	simm.s32 @p1 $0x1  }
0x15: {  	[smem:$0x3FAE] =	sst s0;
	s0 =	simm.s32 @!p2 $0x0  }
0x16: {  	s3 =	sld [smem:$0x3FDB];
	s0 =	simm.s32 @p2 $0x1  }
0x17: {  	s4 =	simm.s32 $0x1BF5;
	[smem:$0x3FB0] =	sst s0  }
0x18: {  	s0 =	sld [smem:$0x3F93];
	_ =	swait.ge [sflag:s4], $0x0  }
0x19: {  	s7 =	sld [smem:$0x3F94]  }
0x1a: {  	s8 =	sadd.s32 $0xFFFFE003, lr  }
0x1b: {  	s9 =	sadd.s32 $0xFFFFFEF7, lr;
	s5 =	simm.s32 $0xFFFFFFFF;
	p2 =	slt.u32 s8, $0xFFFFF086  }
0x1c: {  	p1 =	slt.u32 s9, $0xF7A;
	s5 =	simm.s32 @!p2 $0x0  }
0x1d: {  	s5 =	simm.s32 @p1 $0x1;
	p0 =	seq.s32 s7, s2  }
0x1e: {  	s7 =	smul.u32 @!p0 $0xF7A, s2;
	p2 =	seq.s32 @!p0 s5, $0x0  }
0x1f: {  	s9 =	smul.u32 $0xF7A, s1;
	s8 =	simm.s32 @!p0 $0x1BF5;
	p2 =	por !p2, p0  }
0x20: {  	[sflag:s8] =	ssyncset.s32 @!p0 $0xFFFFF086;
	s6 =	sadd.s32 @!p0 s3, s7;
	s7 =	simm.s32 @!p0 $0x108  }
0x21: {  	s3 =	sadd.s32 s3, s9;
	s6 =	sadd.s32 @!p0 $0x88, s6;
	s7 =	simm.s32 @p2 $0x1082  }
0x22: {  	[simem:s7], [sflag:s8] =	dma.local @!p0 [hbm:s6], $0xF7A  }
0x23: {  	s9 =	sor.u32 $0xD0000000, s2;
	s6 =	simm.s32 $0x108;
	_ =	swait.ge @!p0 [sflag:s8], $0x0  }
0x24: {  	s3 =	sadd.s32 $0x88, s3;
	s6 =	simm.s32 @!p1 $0x1082;
	[sflag:s4] =	ssyncset.s32 $0xFFFFF086  }
0x25: {  	[simem:s6], [sflag:s4] =	dma.local [hbm:s3], $0xF7A  }
0x26: {  	[smem:$0x3F94] =	sst s1;
	(tag) =	ssettag s2;
	_ =	strace s9  }
0x27: {  	s1 =	sld [smem:$0x3FA4]  }
0x28: {  	s2 =	sld [smem:$0x3FA5]  }
0x29: {  	s4 =	sld [smem:$0x3FA7]  }
0x2a: {  	p0 =	seq.s32 s5, $0x0;
	s5 =	sld [smem:$0x3FA8]  }
0x2b: {  	s6 =	sld [smem:$0x3FA9]  }
0x2c: {  	s7 =	sld [smem:$0x3FAA]  }
0x2d: {  	s3 =	simm.s32 $0x108;
	s8 =	sld [smem:$0x3FAB]  }
0x2e: {  	s3 =	simm.s32 @!p0 $0x1082;
	s9 =	sld [smem:$0x3FAC]  }
0x2f: {  	lr =	sadd.s32 s0, s3;
	s0 =	sld [smem:$0x3FA3]  }
0x30: {  	s3 =	sld [smem:$0x3FA6]  }
0x31: {  	[smem:$0x3FAF] =	sst s10  }
0x32: {  	s10 =	sld [smem:$0x3FAD];
	_ =	sdelay $0x3  }
0x33: {  	p0 =	seq.s32 s10, $0x1;
	s10 =	sld [smem:$0x3FAF];
	_ =	sdelay $0x3  }
0x34: {  	[smem:$0x3FAF] =	sst s10  }
0x35: {  	s10 =	sld [smem:$0x3FAE];
	_ =	sdelay $0x3  }
0x36: {  	p1 =	seq.s32 s10, $0x1;
	s10 =	sld [smem:$0x3FAF];
	_ =	sdelay $0x3  }
0x37: {  	[smem:$0x3FAF] =	sst s10  }
0x38: {  	s10 =	sld [smem:$0x3FB0]  }
0x39: {  	_ = 	snop;
	(pc) =	sbr.ind lr, $3  }
0x3a: {  	_ = 	snop  }
0x3b: {  	_ = 	snop  }
0x3c: {  	p2 =	seq.s32 s10, $0x1;
	s10 =	sld [smem:$0x3FAF]  }
0x3d: {  	_ =	shalt  }
0x3e: {  	_ =	shalt  }
0x3f: {  	_ =	shalt  }
0x40: {  	_ =	shalt  }
0x41: {  	_ =	shalt  }
0x42: {  	_ =	shalt  }
0x43: {  	_ =	shalt  }
0x44: {  	_ =	shalt  }
0x45: {  	_ =	shalt  }
0x46: {  	_ =	shalt  }
0x47: {  	_ =	shalt  }
0x48: {  	_ =	shalt  }
0x49: {  	_ =	shalt  }
0x4a: {  	_ =	shalt  }
0x4b: {  	_ =	shalt  }
0x4c: {  	_ =	shalt  }
0x4d: {  	_ =	shalt  }
0x4e: {  	_ =	shalt  }
0x4f: {  	_ =	shalt  }
0x50: {  	_ =	shalt  }
0x51: {  	_ =	shalt  }
0x52: {  	_ =	shalt  }
0x53: {  	_ =	shalt  }
0x54: {  	_ =	shalt  }
0x55: {  	_ =	shalt  }
0x56: {  	_ =	shalt  }
0x57: {  	_ =	shalt  }
0x58: {  	_ =	shalt  }
0x59: {  	_ =	shalt  }
0x5a: {  	_ =	shalt  }
0x5b: {  	_ =	shalt  }
0x5c: {  	_ =	shalt  }
0x5d: {  	_ =	shalt  }
0x5e: {  	_ =	shalt  }
0x5f: {  	_ =	shalt  }
0x60: {  	_ =	shalt  }
0x61: {  	_ =	shalt  }
0x62: {  	_ =	shalt  }
0x63: {  	_ =	shalt  }
0x64: {  	_ =	shalt  }
0x65: {  	_ =	shalt  }
0x66: {  	_ =	shalt  }
0x67: {  	_ =	shalt  }
0x68: {  	_ =	shalt  }
0x69: {  	_ =	shalt  }
0x6a: {  	_ =	shalt  }
0x6b: {  	_ =	shalt  }
0x6c: {  	_ =	shalt  }
0x6d: {  	_ =	shalt  }
0x6e: {  	_ =	shalt  }
0x6f: {  	_ =	shalt  }
0x70: {  	_ =	shalt  }
0x71: {  	_ =	shalt  }
0x72: {  	_ =	shalt  }
0x73: {  	_ =	shalt  }
0x74: {  	_ =	shalt  }
0x75: {  	_ =	shalt  }
0x76: {  	_ =	shalt  }
0x77: {  	_ =	shalt  }
0x78: {  	_ =	shalt  }
0x79: {  	_ =	shalt  }
0x7a: {  	_ =	shalt  }
0x7b: {  	_ =	shalt  }
0x7c: {  	_ =	shalt  }
0x7d: {  	_ =	shalt  }
0x7e: {  	_ =	shalt  }
0x7f: {  	_ =	shalt  }
0x80: {  	_ =	shalt  }
0x81: {  	_ =	shalt  }
0x82: {  	_ =	shalt  }
0x83: {  	_ =	shalt  }
0x84: {  	_ =	shalt  }
0x85: {  	_ =	shalt  }
0x86: {  	_ =	shalt  }
0x87: {  	_ =	shalt  }
.Lfunc_end0:
.L_simem_size_0:
called_computation.1_lowered:
.L_overlay_start_0:
0x88: {  	s2 =	sld [smem:$0x3FD9]  }
0x89: {  	s3 =	sld [smem:$0x3FFE];
	_ =	sdelay $0x1  }
0x8a: {  	s1 =	srdreg.scid  }
0x8b: {  	s0 =	sand.u32 $0x1, s1  }
0x8c: {  	s16 =	sshll.u32 s0, $0xA;
	s2 =	sadd.s32 s3, s2  }
0x8d: {  	s2 =	sadd.s32 s2, s16  }
0x8e: {  	[smem:$0x3FBB] =	sst s2  }
0x8f: {  	_ = 	snop  }
0x90: {  	(tm) =	ssettm $0x1  }
0x91: {  	s17 =	sld [smem:$0x3FFB];
	_ =	sdelay $0x3  }
0x92: {  	_ =	strace s17  }
0x93: {  	s2 =	sld [smem:$0x3FFC];
	_ =	sdelay $0x3  }
0x94: {  	_ =	strace s2  }
0x95: {  	s2 =	sld [smem:$0x3FFD];
	_ =	sdelay $0x3  }
0x96: {  	_ =	strace s2  }
0x97: {  	_ =	strace $0x8FFFFFFF  }
0x98: {  	s18 =	sld [smem:$0x3FDB];
	_ =	sdelay $0x1  }
0x99: {  	s19 =	simm.s32 $_scs_section_size  }
0x9a: {  	s4 =	simm.s32 $_size__tile_overlayer_lowered;
	s5 =	simm.s32 $_tile_overlayer_lowered  }
0x9b: {  	s22 =	simm.s32 $0x1BFF;
	s21 =	sshll.u32 s5, $0x1;
	s2 =	sadd.s32 s19, s18  }
0x9c: {  	s6 =	simm.s32 $0x0;
	s20 =	sshll.u32 s4, $0x1;
	s4 =	sadd.s32 s21, s2  }
0x9d: {  	[timem:s6], [sflag:s22] =	dma.local [hbm:s4], s20  }
0x9e: {  	_ =	swait.ge [sflag:s22], s20  }
0x9f: {  	s3 =	ssub.s32 $0x0, s20;
	[sflag:s22] =	ssyncset.done $0x0  }
0xa0: {  	[sflag:s22] =	ssyncadd.s32 s3;
	_ =	sdelay $0x1  }
0xa1: {  	s23 =	simm.s32 $0x1B8B  }
0xa2: {  	_ =	swait.ge [sflag:s23], $0x1  }
0xa3: {  	[sflag:s23] =	ssyncset.done $0x0  }
0xa4: {  	s25 =	simm.s32 $0x1B8E;
	s24 =	sld [smem:$0x3FFE];
	[sflag:s23] =	ssyncadd.s32 $0xFFFFFFFF  }
0xa5: {  	s26 =	simm.s32 $execute0_lowered;
	[smem:$0x3FD2] =	sst s25  }
0xa6: {  	s4 =	sshll.u32 s26, $0x1;
	_ =	strace $0x80000049;
	[dreg:$0x1] =	wrdreg $0xFFFFFFFF  }
0xa7: {  	s28 =	simm.s32 $_size_execute0_lowered;
	s2 =	sadd.s32 s2, s4;
	[dreg:$0x0] =	wrdreg $0x0  }
0xa8: {  	s4 =	sshll.u32 s28, $0x1;
	[dreg:$0x2] =	wrdreg s2  }
0xa9: {  	[dreg:$0x3] =	wrdreg s4  }
0xaa: {  	[dreg:$0x4] =	wrdreg $0xC0  }
0xab: {  	_ =	task [dreg:s6], $0x5FFFF  }
0xac: {  	[dreg:$0x1] =	wrdreg $0xFFFFFFFF  }
0xad: {  	[dreg:$0x0] =	wrdreg $0x60  }
0xae: {  	[dreg:$0x2] =	wrdreg s24  }
0xaf: {  	[dreg:$0x3] =	wrdreg $0x0  }
0xb0: {  	[dreg:$0x4] =	wrdreg $0x9  }
0xb1: {  	_ =	task.clear_ibuf [dreg:s6], $0x5FFFF;
	_ =	strace $0x90000049  }
0xb2: {  	s29 =	simm.s32 $0x9;
	_ =	strace $0x8000004B  }
0xb3: {  	_ =	swait.ge [sflag:s29], $0x1  }
0xb4: {  	[sflag:s29] =	ssyncadd.s32 $0xFFFFFFFF  }
0xb5: {  	_ =	strace $0x9000004B  }
0xb6: {  	_ =	sfence  }
0xb7: {  	s30 =	sld [smem:$0x0];
	_ =	sdelay $0x2  }
0xb8: {  	s31 =	sshll.u32 s1, $0xD;
	s1 =	sshrl.u32 s1, $0x2  }
0xb9: {  	s3 =	sand.u32 $0x4000, s31;
	s1 =	sadd.s32 s1, s30  }
0xba: {  	s0 =	sor.u32 s3, s0;
	s1 =	sshll.u32 s1, $0x11  }
0xbb: {  	s0 =	sor.u32 s1, s0  }
0xbc: {  	s0 =	sadd.s32 $0x8F2B, s0  }
0xbd: {  	[sflag:s0] =	ssyncadd.remote.s32 $0x1  }
0xbe: {  	_ =	sfence.sel $0xFFFF  }
0xbf: {  	[dreg:$0x0] =	wrdreg $0xFFFFFFFF;
	(pc) =	sbr.abs _section_cstart, $3  }
0xc0: {  	[dreg:$0x1] =	wrdreg $0xFFFFFFFF  }
0xc1: {  	_ =	task.clear_ibuf [dreg:s6], $0x2FFFF;
	_ =	strace $0x9FFFFFFF  }
0xc2: {  	(tm) =	ssettm $0x7FFFFFFF  }
0xc3: {  	_ =	shalt  }
tec
execute0_lowered:
.L_overlay_start_1:
0x0: {  	(tag) =	ssettag $0x1  }
0x1: {  	s0 =	srdreg.scid  }
0x2: {  	s11 =	stileid.u32;
	s6 =	rddreg [dreg:$0x0]  }
0x3: {  	s2 =	rddreg [dreg:$0x1];
	s3 =	simm.s32 $0x0;
	s12 =	simm.s32 $0x13880  }
0x4: {  	s28 =	simm.s32 $0x16100;
	s30 =	simm.s32 $0x1B180;
	s31 =	simm.s32 $0x1  }
0x5: {  	s29 =	simm.s32 $0x3;
	s0 =	sand.u32 $0x1, s0;
	s7 =	smul.u32 $0x2800, s11  }
0x6: {  	[smem:$0x7FF] =	sst s3;
	s4 =	sadd.s32 $0x16000, s6;
	s18 =	smul.u32 $0x2710, s11  }
0x7: {  	s16 =	ssub.s32 $0x8C, s11;
	s20 =	smul.u32 $0xA000, s11;
	s1 =	sshll.u32 s0, $0x4  }
0x8: {  	s5 =	smul.u32 $0x138800, s0;
	_ =	strace $0x8000004A;
	s9 =	ssub.s32 $0x2, s0  }
0x9: {  	s0 =	smul.u32 $0x27100, s0;
	s1 =	sor.u32 s11, s1;
	s10 =	sshrl.u32 s9, $0x1  }
0xa: {  	s22 =	sshrl.u32 s20, $0x2;
	s20 =	simm.s32 $0x7;
	s1 =	smul.u32 $0x2710, s1  }
0xb: {  	s7 =	sadd.s32 s7, s5;
	s5 =	sadd.s32 $0x2400, s6;
	s9 =	ssub.s32 s9, s10  }
0xc: {  	s0 =	sadd.s32 s18, s0;
	s14 =	sadd.s32 s22, s2;
	s22 =	simm.s32 $0x16000  }
0xd: {  	s7 =	sshrl.u32 s7, $0x3;
	s9 =	smax.u32 s9, $0x1;
	s23 =	sadd.s32 $0x190, s0  }
0xe: {  	s24 =	sadd.s32 $0x140, s0;
	s1 =	sshrl.u32 s1, $0x3;
	[dreg:$0x7] =	wrdreg s9  }
0xf: {  	s25 =	sshrl.u32 s23, $0x3;
	s26 =	sshrl.u32 s24, $0x3;
	s23 =	simm.s32 $0x50  }
0x10: {  	s24 =	simm.s32 $0x16080;
	s9 =	simm.s32 $0x0;
	s8 =	sadd.s32 s1, s6  }
0x11: {  	s6 =	sadd.s32 s7, s6;
	s17 =	sadd.s32 s5, s1;
	s15 =	sadd.s32 $0xC200, s8  }
0x12: {  	s8 =	sshrl.u32 s16, $0x4;
	s1 =	sadd.s32 $0xA, s17;
	[dreg:$0x4] =	wrdreg s17  }
0x13: {  	s19 =	sadd.s32 $0x14, s17;
	s21 =	sadd.s32 $0x4CE, s17;
	[dreg:$0x3] =	wrdreg s15  }
0x14: {  	s7 =	sadd.s32 $0x4D8, s17;
	s16 =	sadd.s32 s26, s5;
	[dreg:$0x5] =	wrdreg s1  }
0x15: {  	s17 =	sadd.s32 $0xF0, s0;
	s18 =	sadd.s32 $0x3D200, s6;
	[dreg:$0x6] =	wrdreg s19  }
0x16: {  	s26 =	simm.s32 $0x18980;
	s0 =	simm.s32 $0x2;
	[dreg:$0x8] =	wrdreg s21  }
0x17: {  	s6 =	simm.s32 $0x6;
	[dreg:$0x9] =	wrdreg s7;
	s15 =	sadd.s32 s25, s5  }
0x18: {  	v0 =	vimm.f32 $0.0e+00;
	s21 =	simm.s32 $0x16180;
	s1 =	simm.s32 $0x4;
	s25 =	simm.s32 $0x5  }
.LBB2_1:
0x19: {  	s10 =	simm.s32 $0x0;
	s11 =	simm.s32 $0x200  }
.LBB2_2:
0x1a: {  	p0 =	sne.s32 s11, $0x9E00;
	[tilespmem:s10+$0x161F0] =	vst v0  }
0x1b: {  	[tilespmem:s10+$0x16180] =	vst v0  }
0x1c: {  	[tilespmem:s10+$0x16190] =	vst v0  }
.Ltmp0:
0x1d: {  	[tilespmem:s10+$0x161A0] =	vst v0;
	(pc) =	sbr.rel @p0 .LBB2_2-.Ltmp0, $4  }
0x1e: {  	[tilespmem:s10+$0x161B0] =	vst v0  }
0x1f: {  	[tilespmem:s10+$0x161C0] =	vst v0  }
0x20: {  	[tilespmem:s10+$0x161D0] =	vst v0  }
0x21: {  	[tilespmem:s10+$0x161E0] =	vst v0;
	s10 =	sshra.s32 s11, $0x2;
	s11 =	sadd.s32 $0x200, s11  }
0x22: {  	[tilespmem:s10+$0x161F0] =	vst v0  }
0x23: {  	[tilespmem:s10+$0x16180] =	vst v0  }
0x24: {  	[tilespmem:s10+$0x16190] =	vst v0  }
0x25: {  	[tilespmem:s10+$0x161A0] =	vst v0  }
0x26: {  	[tilespmem:s10+$0x161B0] =	vst v0  }
0x27: {  	[tilespmem:s10+$0x161C0] =	vst v0  }
0x28: {  	[tilespmem:s10+$0x161D0] =	vst v0  }
0x29: {  	[tilespmem:s10+$0x161E0] =	vst v0;
	s7 =	rddreg [dreg:$0x3]  }
0x2a: {  	[tilespmem:s12], [sflag:$0x7] =	stream.linear.gather [hbm4b:s7+s3], $0x2710, $0x38;
	[tilespmem:$0x1D980] =	vst v63  }
0x2b: {  	p0 =	sne.s32 s8, $0x1;
	_ =	swait.ge [sflag:s20], $0x2710  }
.Ltmp1:
0x2c: {  	[sflag:s20] =	ssyncset.done $0x0;
	(pc) =	sbr.rel @!p0 .LBB2_5-.Ltmp1, $4  }
0x2d: {  	[sflag:s20] =	ssyncadd.s32 $0xFFFFD8F0  }
0x2e: {  	[spmem:s14] =	stream.linear.scatter [tilespmem:s21], [sflag:$0x7], $0x2800, $0x38;
	[tilespmem:$0x1D980] =	vst v63  }
0x2f: {  	_ =	swait.ge [sflag:s20], $0x2800  }
0x30: {  	s10 =	sadd.s32 $0xFFFFFFFF, s8;
	s11 =	smov.u32 s14;
	[sflag:s20] =	ssyncset.done $0x0  }
.LBB2_4:
0x31: {  	p1 =	sne.s32 s10, $0x1;
	[sflag:s20] =	ssyncadd.s32 $0xFFFFD800;
	s11 =	sadd.s32 $0x28000, s11  }
.Ltmp2:
0x32: {  	s10 =	sadd.s32 $0xFFFFFFFF, s10;
	(pc) =	sbr.rel @p1 .LBB2_4-.Ltmp2, $4  }
0x33: {  	_ = 	snop  }
0x34: {  	[spmem:s11] =	stream.linear.scatter [tilespmem:s21], [sflag:$0x7], $0x2800, $0x38;
	[tilespmem:$0x1D980] =	vst v63  }
0x35: {  	_ =	swait.ge [sflag:s20], $0x2800  }
0x36: {  	[sflag:s20] =	ssyncset.done $0x0  }
.LBB2_5:
0x37: {  	[sflag:s20] =	ssyncadd.s32 $0xFFFFD800  }
0x38: {  	[bflag:$0x0] =	sbarrier.arrive $0xFFFF  }
0x39: {  	s10 =	simm.s32 $0x0;
	s7 =	rddreg [dreg:$0x4]  }
0x3a: {  	[tilespmem:s22], [sflag:$0x1] =	stream.linear.gather [hbm4b:s7+s10], $0x50, $0x38;
	[tilespmem:$0x1D980] =	vst v63  }
0x3b: {  	_ = 	snop  }
0x3c: {  	[tilespmem:s21], [sflag:$0x4] =	stream.indirect.gather [hbm4b:s4+s23], $0x80, s12, s23, $0xb8;
	[tilespmem:$0x1D980] =	vst v63  }
0x3d: {  	s12 =	rddreg [dreg:$0x5]  }
0x3e: {  	[tilespmem:s24], [sflag:$0x2] =	stream.linear.gather [hbm4b:s12+s10], $0x50, $0x38;
	[tilespmem:$0x1D980] =	vst v63  }
0x3f: {  	s13 =	simm.s32 $0x138D0  }
0x40: {  	[tilespmem:s26], [sflag:$0x5] =	stream.indirect.gather [hbm4b:s4+s23], $0x80, s13, s23, $0xb8;
	[tilespmem:$0x1D980] =	vst v63  }
0x41: {  	s19 =	rddreg [dreg:$0x6]  }
0x42: {  	[tilespmem:s28], [sflag:$0x3] =	stream.linear.gather [hbm4b:s19+s10], $0x50, $0x38;
	[tilespmem:$0x1D980] =	vst v63  }
0x43: {  	s11 =	simm.s32 $0x13920  }
0x44: {  	[tilespmem:s30], [sflag:$0x6] =	stream.indirect.gather [hbm4b:s4+s23], $0x80, s11, s23, $0xb8;
	[tilespmem:$0x1D980] =	vst v63  }
0x45: {  	_ =	swait.ge [sflag:s31], $0x50  }
0x46: {  	[sflag:s31] =	ssyncset.done $0x0  }
0x47: {  	[sflag:s31] =	ssyncadd.s32 $0xFFFFFFB0  }
0x48: {  	_ =	swait.ge [sflag:s1], $0x2800  }
0x49: {  	[sflag:s1] =	ssyncset.done $0x0  }
0x4a: {  	[sflag:s1] =	ssyncadd.s32 $0xFFFFD800  }
0x4b: {  	[spmem:s2] =	stream.indirect.scatter.add.f32 [tilespmem:s21], [sflag:$0x7], $0x80, s22, s23, $0xb8;
	[tilespmem:$0x1D980] =	vst v63  }
0x4c: {  	_ =	swait.ge [sflag:s20], $0x2800  }
0x4d: {  	s12 =	sshrl.u32 s17, $0x3;
	[sflag:s20] =	ssyncset.done $0x0  }
0x4e: {  	s10 =	sadd.s32 s5, s12;
	[sflag:s20] =	ssyncadd.s32 $0xFFFFD800  }
0x4f: {  	[tilespmem:s22], [sflag:$0x1] =	stream.linear.gather [hbm4b:s10+s3], $0x50, $0x38;
	[tilespmem:$0x1D980] =	vst v63  }
0x50: {  	s13 =	simm.s32 $0x13970  }
0x51: {  	[tilespmem:s21], [sflag:$0x4] =	stream.indirect.gather [hbm4b:s4+s23], $0x80, s13, s23, $0xb8;
	[tilespmem:$0x1D980] =	vst v63  }
0x52: {  	_ =	swait.ge [sflag:s0], $0x50  }
0x53: {  	[sflag:s0] =	ssyncset.done $0x0  }
0x54: {  	[sflag:s0] =	ssyncadd.s32 $0xFFFFFFB0  }
0x55: {  	_ =	swait.ge [sflag:s25], $0x2800  }
0x56: {  	[sflag:s25] =	ssyncset.done $0x0  }
0x57: {  	[sflag:s25] =	ssyncadd.s32 $0xFFFFD800  }
0x58: {  	[spmem:s2] =	stream.indirect.scatter.add.f32 [tilespmem:s26], [sflag:$0x7], $0x80, s24, s23, $0xb8;
	[tilespmem:$0x1D980] =	vst v63  }
0x59: {  	_ =	swait.ge [sflag:s20], $0x2800  }
0x5a: {  	[sflag:s20] =	ssyncset.done $0x0  }
0x5b: {  	[sflag:s20] =	ssyncadd.s32 $0xFFFFD800  }
0x5c: {  	[tilespmem:s24], [sflag:$0x2] =	stream.linear.gather [hbm4b:s16+s3], $0x50, $0x38;
	[tilespmem:$0x1D980] =	vst v63  }
0x5d: {  	s19 =	simm.s32 $0x139C0  }
0x5e: {  	[tilespmem:s26], [sflag:$0x5] =	stream.indirect.gather [hbm4b:s4+s23], $0x80, s19, s23, $0xb8;
	[tilespmem:$0x1D980] =	vst v63  }
0x5f: {  	_ =	swait.ge [sflag:s29], $0x50  }
0x60: {  	[sflag:s29] =	ssyncset.done $0x0  }
0x61: {  	[sflag:s29] =	ssyncadd.s32 $0xFFFFFFB0  }
0x62: {  	_ =	swait.ge [sflag:s6], $0x2800  }
0x63: {  	[sflag:s6] =	ssyncset.done $0x0  }
0x64: {  	[sflag:s6] =	ssyncadd.s32 $0xFFFFD800  }
0x65: {  	[spmem:s2] =	stream.indirect.scatter.add.f32 [tilespmem:s30], [sflag:$0x7], $0x80, s28, s23, $0xb8;
	[tilespmem:$0x1D980] =	vst v63  }
0x66: {  	s12 =	sadd.s32 $0x1E, s15;
	_ =	swait.ge [sflag:s20], $0x2800  }
0x67: {  	s11 =	sadd.s32 $0xF0, s17;
	s10 =	simm.s32 $0x3C0;
	[sflag:s20] =	ssyncset.done $0x0  }
0x68: {  	s13 =	sadd.s32 $0x1E, s16;
	s19 =	simm.s32 $0x13A10;
	[sflag:s20] =	ssyncadd.s32 $0xFFFFD800  }
0x69: {  	[tilespmem:s28], [sflag:$0x3] =	stream.linear.gather [hbm4b:s15+s3], $0x50, $0x38;
	[tilespmem:$0x1D980] =	vst v63  }
.LBB2_6:
0x6a: {  	[tilespmem:s30], [sflag:$0x6] =	stream.indirect.gather [hbm4b:s4+s23], $0x80, s19, s23, $0xb8;
	[tilespmem:$0x1D980] =	vst v63  }
0x6b: {  	s19 =	smov.u32 s10  }
0x6c: {  	p1 =	sne.s32 s10, $0x9240;
	s10 =	sadd.s32 $0x3C0, s10;
	_ =	swait.ge [sflag:s31], $0x50  }
0x6d: {  	[sflag:s31] =	ssyncset.done $0x0  }
0x6e: {  	[sflag:s31] =	ssyncadd.s32 $0xFFFFFFB0  }
0x6f: {  	_ =	swait.ge [sflag:s1], $0x2800  }
0x70: {  	[sflag:s1] =	ssyncset.done $0x0  }
0x71: {  	[sflag:s1] =	ssyncadd.s32 $0xFFFFD800  }
0x72: {  	[spmem:s2] =	stream.indirect.scatter.add.f32 [tilespmem:s21], [sflag:$0x7], $0x80, s22, s23, $0xb8;
	[tilespmem:$0x1D980] =	vst v63  }
0x73: {  	_ =	swait.ge [sflag:s20], $0x2800  }
0x74: {  	s7 =	sshrl.u32 s11, $0x3;
	[sflag:s20] =	ssyncset.done $0x0  }
0x75: {  	s7 =	sadd.s32 s5, s7;
	s19 =	sshra.s32 s19, $0x2;
	[sflag:s20] =	ssyncadd.s32 $0xFFFFD800  }
0x76: {  	[tilespmem:s22], [sflag:$0x1] =	stream.linear.gather [hbm4b:s7+s3], $0x50, $0x38;
	[tilespmem:$0x1D980] =	vst v63  }
0x77: {  	s7 =	sadd.s32 $0x13970, s19  }
0x78: {  	[tilespmem:s21], [sflag:$0x4] =	stream.indirect.gather [hbm4b:s4+s23], $0x80, s7, s23, $0xb8;
	[tilespmem:$0x1D980] =	vst v63  }
0x79: {  	_ =	swait.ge [sflag:s0], $0x50  }
0x7a: {  	[sflag:s0] =	ssyncset.done $0x0  }
0x7b: {  	[sflag:s0] =	ssyncadd.s32 $0xFFFFFFB0  }
0x7c: {  	_ =	swait.ge [sflag:s25], $0x2800  }
0x7d: {  	[sflag:s25] =	ssyncset.done $0x0  }
0x7e: {  	[sflag:s25] =	ssyncadd.s32 $0xFFFFD800  }
0x7f: {  	[spmem:s2] =	stream.indirect.scatter.add.f32 [tilespmem:s26], [sflag:$0x7], $0x80, s24, s23, $0xb8;
	[tilespmem:$0x1D980] =	vst v63  }
0x80: {  	_ =	swait.ge [sflag:s20], $0x2800  }
0x81: {  	[sflag:s20] =	ssyncset.done $0x0  }
0x82: {  	[sflag:s20] =	ssyncadd.s32 $0xFFFFD800  }
0x83: {  	[tilespmem:s24], [sflag:$0x2] =	stream.linear.gather [hbm4b:s13+s3], $0x50, $0x38;
	[tilespmem:$0x1D980] =	vst v63  }
0x84: {  	s7 =	sadd.s32 $0x139C0, s19  }
0x85: {  	[tilespmem:s26], [sflag:$0x5] =	stream.indirect.gather [hbm4b:s4+s23], $0x80, s7, s23, $0xb8;
	[tilespmem:$0x1D980] =	vst v63  }
0x86: {  	_ =	swait.ge [sflag:s29], $0x50  }
0x87: {  	[sflag:s29] =	ssyncset.done $0x0  }
0x88: {  	[sflag:s29] =	ssyncadd.s32 $0xFFFFFFB0  }
0x89: {  	_ =	swait.ge [sflag:s6], $0x2800  }
0x8a: {  	[sflag:s6] =	ssyncset.done $0x0  }
0x8b: {  	[sflag:s6] =	ssyncadd.s32 $0xFFFFD800  }
0x8c: {  	[spmem:s2] =	stream.indirect.scatter.add.f32 [tilespmem:s30], [sflag:$0x7], $0x80, s28, s23, $0xb8;
	[tilespmem:$0x1D980] =	vst v63  }
.Ltmp3:
0x8d: {  	_ =	swait.ge [sflag:s20], $0x2800;
	(pc) =	sbr.rel @p1 .LBB2_6-.Ltmp3, $4  }
0x8e: {  	[sflag:s20] =	ssyncset.done $0x0  }
0x8f: {  	s11 =	sadd.s32 $0xF0, s11;
	[sflag:s20] =	ssyncadd.s32 $0xFFFFD800  }
0x90: {  	[tilespmem:s28], [sflag:$0x3] =	stream.linear.gather [hbm4b:s12+s3], $0x50, $0x38;
	[tilespmem:$0x1D980] =	vst v63  }
0x91: {  	s19 =	sadd.s32 $0x13A10, s19;
	s13 =	sadd.s32 $0x1E, s13;
	s12 =	sadd.s32 $0x1E, s12  }
0x92: {  	[tilespmem:s30], [sflag:$0x6] =	stream.indirect.gather [hbm4b:s4+s23], $0x80, s19, s23, $0xb8;
	[tilespmem:$0x1D980] =	vst v63  }
0x93: {  	_ =	swait.ge [sflag:s31], $0x50  }
0x94: {  	[sflag:s31] =	ssyncset.done $0x0  }
0x95: {  	[sflag:s31] =	ssyncadd.s32 $0xFFFFFFB0  }
0x96: {  	_ =	swait.ge [sflag:s1], $0x2800  }
0x97: {  	[sflag:s1] =	ssyncset.done $0x0  }
0x98: {  	[sflag:s1] =	ssyncadd.s32 $0xFFFFD800  }
0x99: {  	[spmem:s2] =	stream.indirect.scatter.add.f32 [tilespmem:s21], [sflag:$0x7], $0x80, s22, s23, $0xb8;
	[tilespmem:$0x1D980] =	vst v63  }
0x9a: {  	_ =	swait.ge [sflag:s20], $0x2800  }
0x9b: {  	[sflag:s20] =	ssyncset.done $0x0  }
0x9c: {  	s7 =	rddreg [dreg:$0x8];
	[sflag:s20] =	ssyncadd.s32 $0xFFFFD800  }
0x9d: {  	[tilespmem:s22], [sflag:$0x1] =	stream.linear.gather [hbm4b:s7+s3], $0x50, $0x38;
	[tilespmem:$0x1D980] =	vst v63  }
0x9e: {  	s12 =	simm.s32 $0x15EF0  }
0x9f: {  	[tilespmem:s21], [sflag:$0x4] =	stream.indirect.gather [hbm4b:s4+s23], $0x80, s12, s23, $0xb8;
	[tilespmem:$0x1D980] =	vst v63  }
0xa0: {  	_ =	swait.ge [sflag:s0], $0x50  }
0xa1: {  	[sflag:s0] =	ssyncset.done $0x0  }
0xa2: {  	[sflag:s0] =	ssyncadd.s32 $0xFFFFFFB0  }
0xa3: {  	_ =	swait.ge [sflag:s25], $0x2800  }
0xa4: {  	[sflag:s25] =	ssyncset.done $0x0  }
0xa5: {  	[sflag:s25] =	ssyncadd.s32 $0xFFFFD800  }
0xa6: {  	[spmem:s2] =	stream.indirect.scatter.add.f32 [tilespmem:s26], [sflag:$0x7], $0x80, s24, s23, $0xb8;
	[tilespmem:$0x1D980] =	vst v63  }
0xa7: {  	_ =	swait.ge [sflag:s20], $0x2800  }
0xa8: {  	[sflag:s20] =	ssyncset.done $0x0  }
0xa9: {  	s13 =	rddreg [dreg:$0x9];
	[sflag:s20] =	ssyncadd.s32 $0xFFFFD800  }
0xaa: {  	[tilespmem:s24], [sflag:$0x2] =	stream.linear.gather [hbm4b:s13+s3], $0x50, $0x38;
	[tilespmem:$0x1D980] =	vst v63  }
0xab: {  	s19 =	simm.s32 $0x15F40  }
0xac: {  	[tilespmem:s26], [sflag:$0x5] =	stream.indirect.gather [hbm4b:s4+s23], $0x80, s19, s23, $0xb8;
	[tilespmem:$0x1D980] =	vst v63  }
0xad: {  	_ =	swait.ge [sflag:s29], $0x50  }
0xae: {  	[sflag:s29] =	ssyncset.done $0x0  }
0xaf: {  	[sflag:s29] =	ssyncadd.s32 $0xFFFFFFB0  }
0xb0: {  	_ =	swait.ge [sflag:s6], $0x2800  }
0xb1: {  	[sflag:s6] =	ssyncset.done $0x0  }
0xb2: {  	[sflag:s6] =	ssyncadd.s32 $0xFFFFD800  }
0xb3: {  	[spmem:s2] =	stream.indirect.scatter.add.f32 [tilespmem:s30], [sflag:$0x7], $0x80, s28, s23, $0xb8;
	[tilespmem:$0x1D980] =	vst v63  }
0xb4: {  	_ =	swait.ge [sflag:s20], $0x2800  }
0xb5: {  	[sflag:s20] =	ssyncset.done $0x0  }
0xb6: {  	[sflag:s20] =	ssyncadd.s32 $0xFFFFD800  }
0xb7: {  	_ =	swait.ge [sflag:s31], $0x50  }
0xb8: {  	[sflag:s31] =	ssyncset.done $0x0  }
0xb9: {  	[sflag:s31] =	ssyncadd.s32 $0xFFFFFFB0  }
0xba: {  	_ =	swait.ge [sflag:s1], $0x2800  }
0xbb: {  	[sflag:s1] =	ssyncset.done $0x0  }
0xbc: {  	[sflag:s1] =	ssyncadd.s32 $0xFFFFD800  }
0xbd: {  	[spmem:s2] =	stream.indirect.scatter.add.f32 [tilespmem:s21], [sflag:$0x7], $0x80, s22, s23, $0xb8;
	[tilespmem:$0x1D980] =	vst v63  }
0xbe: {  	_ =	swait.ge [sflag:s20], $0x2800  }
0xbf: {  	[sflag:s20] =	ssyncset.done $0x0  }
0xc0: {  	[sflag:s20] =	ssyncadd.s32 $0xFFFFD800  }
0xc1: {  	_ =	swait.ge [sflag:s0], $0x50  }
0xc2: {  	[sflag:s0] =	ssyncset.done $0x0  }
0xc3: {  	[sflag:s0] =	ssyncadd.s32 $0xFFFFFFB0  }
0xc4: {  	_ =	swait.ge [sflag:s25], $0x2800  }
0xc5: {  	[sflag:s25] =	ssyncset.done $0x0  }
0xc6: {  	[sflag:s25] =	ssyncadd.s32 $0xFFFFD800  }
0xc7: {  	[spmem:s2] =	stream.indirect.scatter.add.f32 [tilespmem:s26], [sflag:$0x7], $0x80, s24, s23, $0xb8;
	[tilespmem:$0x1D980] =	vst v63  }
0xc8: {  	_ =	swait.ge [sflag:s20], $0x2800  }
0xc9: {  	[sflag:s20] =	ssyncset.done $0x0  }
0xca: {  	[sflag:s20] =	ssyncadd.s32 $0xFFFFD800  }
0xcb: {  	[bflag:$0x0] =	sbarrier.arrive $0xFFFF  }
0xcc: {  	[tilespmem:s21], [sflag:$0x7] =	stream.linear.gather [spmem:s14], $0x2800, $0x38;
	[tilespmem:$0x1D980] =	vst v63  }
0xcd: {  	_ =	swait.ge [sflag:s20], $0x2800  }
.Ltmp4:
0xce: {  	[sflag:s20] =	ssyncset.done $0x0;
	(pc) =	sbr.rel @!p0 .LBB2_9-.Ltmp4, $4  }
0xcf: {  	[sflag:s20] =	ssyncadd.s32 $0xFFFFD800  }
0xd0: {  	[hbm4b:s18+s3] =	stream.linear.scatter [tilespmem:s21], [sflag:$0x7], $0x2800, $0x38;
	[tilespmem:$0x1D980] =	vst v63  }
0xd1: {  	s10 =	sadd.s32 $0xFFFFFFFF, s8;
	_ =	swait.ge [sflag:s20], $0x2800  }
0xd2: {  	s11 =	smov.u32 s14;
	s12 =	smov.u32 s18;
	[sflag:s20] =	ssyncset.done $0x0  }
.LBB2_8:
0xd3: {  	[sflag:s20] =	ssyncadd.s32 $0xFFFFD800;
	s11 =	sadd.s32 $0x28000, s11;
	s12 =	sadd.s32 $0x5000, s12  }
0xd4: {  	[tilespmem:s21], [sflag:$0x7] =	stream.linear.gather [spmem:s11], $0x2800, $0x38;
	[tilespmem:$0x1D980] =	vst v63  }
0xd5: {  	p0 =	sne.s32 s10, $0x1;
	s10 =	sadd.s32 $0xFFFFFFFF, s10;
	_ =	swait.ge [sflag:s20], $0x2800  }
.Ltmp5:
0xd6: {  	[sflag:s20] =	ssyncset.done $0x0;
	(pc) =	sbr.rel @p0 .LBB2_8-.Ltmp5, $4  }
0xd7: {  	[sflag:s20] =	ssyncadd.s32 $0xFFFFD800  }
0xd8: {  	[hbm4b:s12+s3] =	stream.linear.scatter [tilespmem:s21], [sflag:$0x7], $0x2800, $0x38;
	[tilespmem:$0x1D980] =	vst v63  }
0xd9: {  	_ =	swait.ge [sflag:s20], $0x2800  }
0xda: {  	[sflag:s20] =	ssyncset.done $0x0  }
.LBB2_9:
0xdb: {  	s9 =	sadd.s32 $0x1, s9;
	s7 =	rddreg [dreg:$0x7]  }
0xdc: {  	p0 =	sne.s32 s9, s7  }
.Ltmp6:
0xdd: {  	_ = 	snop;
	(pc) =	sbr.rel @p0 .LBB2_1-.Ltmp6, $2  }
0xde: {  	_ =	sdelay $0x2  }
0xdf: {  	[sflag:s20] =	ssyncadd.s32 $0xFFFFD800;
	s12 =	simm.s32 $0x13880  }
0xe0: {  	_ =	sfence.sel $0x180000  }
0xe1: {  	[bflag:$0x0] =	sbarrier.arrive $0xFFFF  }
0xe2: {  	_ =	strace $0x9000004A  }
0xe3: {  	s0 =	stileid.u32;
	[bflag:$0x2] =	sbarrier.arrive $0xFFFF  }
0xe4: {  	p0 =	sne.s32 s0, $0x0;
	s0 =	rddreg [dreg:$0x2]  }
0xe5: {  	s0 =	sadd.s32 @!p0 $0x100000, s0  }
0xe6: {  	[sflag:s0] =	ssyncadd.tile.s32 @!p0 $0x1;
	_ =	shalt  }
.Lfunc_end2:
_tile_overlayer_lowered:
.L_overlay_start_2:
0xe7: {  	(tag) =	ssettag $0x2  }
0xe8: {  	s0 =	rddreg [dreg:$0x0];
	s2 =	stileid.u32  }
0xe9: {  	s1 =	rddreg [dreg:$0x1];
	p0 =	sne.s32 s2, $0x0  }
0xea: {  	s3 =	rddreg [dreg:$0x2];
	[bflag:$0x3] =	sbarrier.arrive $0xFFFF;
	s2 =	simm.s32 @!p0 $0x1C07  }
0xeb: {  	[timem:s3], [sflag:s2] =	dma.local @!p0 [hbm:s0], s1  }
0xec: {  	s0 =	simm.s32 @!p0 $0x7  }
0xed: {  	_ =	swait.ge @!p0 [sflag:s0], s1  }
0xee: {  	s1 =	ssub.s32 @!p0 $0x0, s1;
	[sflag:s0] =	ssyncset.done @!p0 $0x0  }
0xef: {  	[sflag:s0] =	ssyncadd.s32 @!p0 s1  }
0xf0: {  	[bflag:$0x3] =	sbarrier.arrive $0xFFFF  }
0xf1: {  	_ =	shalt  }

// kernel: kernel.16.cloned.1.call-start
scs
__scs_entry_jumppad:
0x0: {  	(pc) =	sbr.rel $0x88, $3  }
0x1: {  	(tag) =	ssettag $0x0;
	lr =	simm.s32 $0x1  }
0x2: {  	[smem:$0x3F94] =	sst lr;
	_ =	strace $0xD0000000  }
0x3: {  	_ = 	snop  }
0x4: {  	_ = 	snop  }
0x5: {  	_ = 	snop  }
0x6: {  	_ = 	snop  }
0x7: {  	_ = 	snop  }
__scs_overlays_trampoline_lowered:
0x8: {  	[smem:$0x3FA3] =	sst s0  }
0x9: {  	[smem:$0x3FA4] =	sst s1  }
0xa: {  	[smem:$0x3FA5] =	sst s2  }
0xb: {  	[smem:$0x3FA6] =	sst s3  }
0xc: {  	[smem:$0x3FA7] =	sst s4  }
0xd: {  	[smem:$0x3FA8] =	sst s5  }
0xe: {  	[smem:$0x3FA9] =	sst s6  }
0xf: {  	[smem:$0x3FAA] =	sst s7  }
0x10: {  	[smem:$0x3FAB] =	sst s8  }
0x11: {  	[smem:$0x3FAC] =	sst s9;
	s0 =	simm.s32 @!p0 $0x0  }
0x12: {  	s1 =	sld [smem:$0x3F92];
	s0 =	simm.s32 @p0 $0x1  }
0x13: {  	[smem:$0x3FAD] =	sst s0;
	s0 =	simm.s32 @!p1 $0x0  }
0x14: {  	s2 =	sld [smem:$0x3F91];
	s0 =	simm.s32 @p1 $0x1  }
0x15: {  	[smem:$0x3FAE] =	sst s0;
	s0 =	simm.s32 @!p2 $0x0  }
0x16: {  	s3 =	sld [smem:$0x3FDB];
	s0 =	simm.s32 @p2 $0x1  }
0x17: {  	s4 =	simm.s32 $0x1BF5;
	[smem:$0x3FB0] =	sst s0  }
0x18: {  	s0 =	sld [smem:$0x3F93];
	_ =	swait.ge [sflag:s4], $0x0  }
0x19: {  	s7 =	sld [smem:$0x3F94]  }
0x1a: {  	s8 =	sadd.s32 $0xFFFFE003, lr  }
0x1b: {  	s9 =	sadd.s32 $0xFFFFFEF7, lr;
	s5 =	simm.s32 $0xFFFFFFFF;
	p2 =	slt.u32 s8, $0xFFFFF086  }
0x1c: {  	p1 =	slt.u32 s9, $0xF7A;
	s5 =	simm.s32 @!p2 $0x0  }
0x1d: {  	s5 =	simm.s32 @p1 $0x1;
	p0 =	seq.s32 s7, s2  }
0x1e: {  	s7 =	smul.u32 @!p0 $0xF7A, s2;
	p2 =	seq.s32 @!p0 s5, $0x0  }
0x1f: {  	s9 =	smul.u32 $0xF7A, s1;
	s8 =	simm.s32 @!p0 $0x1BF5;
	p2 =	por !p2, p0  }
0x20: {  	[sflag:s8] =	ssyncset.s32 @!p0 $0xFFFFF086;
	s6 =	sadd.s32 @!p0 s3, s7;
	s7 =	simm.s32 @!p0 $0x108  }
0x21: {  	s3 =	sadd.s32 s3, s9;
	s6 =	sadd.s32 @!p0 $0x88, s6;
	s7 =	simm.s32 @p2 $0x1082  }
0x22: {  	[simem:s7], [sflag:s8] =	dma.local @!p0 [hbm:s6], $0xF7A  }
0x23: {  	s9 =	sor.u32 $0xD0000000, s2;
	s6 =	simm.s32 $0x108;
	_ =	swait.ge @!p0 [sflag:s8], $0x0  }
0x24: {  	s3 =	sadd.s32 $0x88, s3;
	s6 =	simm.s32 @!p1 $0x1082;
	[sflag:s4] =	ssyncset.s32 $0xFFFFF086  }
0x25: {  	[simem:s6], [sflag:s4] =	dma.local [hbm:s3], $0xF7A  }
0x26: {  	[smem:$0x3F94] =	sst s1;
	(tag) =	ssettag s2;
	_ =	strace s9  }
0x27: {  	s1 =	sld [smem:$0x3FA4]  }
0x28: {  	s2 =	sld [smem:$0x3FA5]  }
0x29: {  	s4 =	sld [smem:$0x3FA7]  }
0x2a: {  	p0 =	seq.s32 s5, $0x0;
	s5 =	sld [smem:$0x3FA8]  }
0x2b: {  	s6 =	sld [smem:$0x3FA9]  }
0x2c: {  	s7 =	sld [smem:$0x3FAA]  }
0x2d: {  	s3 =	simm.s32 $0x108;
	s8 =	sld [smem:$0x3FAB]  }
0x2e: {  	s3 =	simm.s32 @!p0 $0x1082;
	s9 =	sld [smem:$0x3FAC]  }
0x2f: {  	lr =	sadd.s32 s0, s3;
	s0 =	sld [smem:$0x3FA3]  }
0x30: {  	s3 =	sld [smem:$0x3FA6]  }
0x31: {  	[smem:$0x3FAF] =	sst s10  }
0x32: {  	s10 =	sld [smem:$0x3FAD];
	_ =	sdelay $0x3  }
0x33: {  	p0 =	seq.s32 s10, $0x1;
	s10 =	sld [smem:$0x3FAF];
	_ =	sdelay $0x3  }
0x34: {  	[smem:$0x3FAF] =	sst s10  }
0x35: {  	s10 =	sld [smem:$0x3FAE];
	_ =	sdelay $0x3  }
0x36: {  	p1 =	seq.s32 s10, $0x1;
	s10 =	sld [smem:$0x3FAF];
	_ =	sdelay $0x3  }
0x37: {  	[smem:$0x3FAF] =	sst s10  }
0x38: {  	s10 =	sld [smem:$0x3FB0]  }
0x39: {  	_ = 	snop;
	(pc) =	sbr.ind lr, $3  }
0x3a: {  	_ = 	snop  }
0x3b: {  	_ = 	snop  }
0x3c: {  	p2 =	seq.s32 s10, $0x1;
	s10 =	sld [smem:$0x3FAF]  }
0x3d: {  	_ =	shalt  }
0x3e: {  	_ =	shalt  }
0x3f: {  	_ =	shalt  }
0x40: {  	_ =	shalt  }
0x41: {  	_ =	shalt  }
0x42: {  	_ =	shalt  }
0x43: {  	_ =	shalt  }
0x44: {  	_ =	shalt  }
0x45: {  	_ =	shalt  }
0x46: {  	_ =	shalt  }
0x47: {  	_ =	shalt  }
0x48: {  	_ =	shalt  }
0x49: {  	_ =	shalt  }
0x4a: {  	_ =	shalt  }
0x4b: {  	_ =	shalt  }
0x4c: {  	_ =	shalt  }
0x4d: {  	_ =	shalt  }
0x4e: {  	_ =	shalt  }
0x4f: {  	_ =	shalt  }
0x50: {  	_ =	shalt  }
0x51: {  	_ =	shalt  }
0x52: {  	_ =	shalt  }
0x53: {  	_ =	shalt  }
0x54: {  	_ =	shalt  }
0x55: {  	_ =	shalt  }
0x56: {  	_ =	shalt  }
0x57: {  	_ =	shalt  }
0x58: {  	_ =	shalt  }
0x59: {  	_ =	shalt  }
0x5a: {  	_ =	shalt  }
0x5b: {  	_ =	shalt  }
0x5c: {  	_ =	shalt  }
0x5d: {  	_ =	shalt  }
0x5e: {  	_ =	shalt  }
0x5f: {  	_ =	shalt  }
0x60: {  	_ =	shalt  }
0x61: {  	_ =	shalt  }
0x62: {  	_ =	shalt  }
0x63: {  	_ =	shalt  }
0x64: {  	_ =	shalt  }
0x65: {  	_ =	shalt  }
0x66: {  	_ =	shalt  }
0x67: {  	_ =	shalt  }
0x68: {  	_ =	shalt  }
0x69: {  	_ =	shalt  }
0x6a: {  	_ =	shalt  }
0x6b: {  	_ =	shalt  }
0x6c: {  	_ =	shalt  }
0x6d: {  	_ =	shalt  }
0x6e: {  	_ =	shalt  }
0x6f: {  	_ =	shalt  }
0x70: {  	_ =	shalt  }
0x71: {  	_ =	shalt  }
0x72: {  	_ =	shalt  }
0x73: {  	_ =	shalt  }
0x74: {  	_ =	shalt  }
0x75: {  	_ =	shalt  }
0x76: {  	_ =	shalt  }
0x77: {  	_ =	shalt  }
0x78: {  	_ =	shalt  }
0x79: {  	_ =	shalt  }
0x7a: {  	_ =	shalt  }
0x7b: {  	_ =	shalt  }
0x7c: {  	_ =	shalt  }
0x7d: {  	_ =	shalt  }
0x7e: {  	_ =	shalt  }
0x7f: {  	_ =	shalt  }
0x80: {  	_ =	shalt  }
0x81: {  	_ =	shalt  }
0x82: {  	_ =	shalt  }
0x83: {  	_ =	shalt  }
0x84: {  	_ =	shalt  }
0x85: {  	_ =	shalt  }
0x86: {  	_ =	shalt  }
0x87: {  	_ =	shalt  }
.Lfunc_end0:
.L_simem_size_0:
called_computation.2_lowered:
.L_overlay_start_0:
0x88: {  	s2 =	sld [smem:$0x3FD9]  }
0x89: {  	s3 =	sld [smem:$0x3FFE];
	_ =	sdelay $0x1  }
0x8a: {  	s1 =	srdreg.scid  }
0x8b: {  	s0 =	sand.u32 $0x1, s1  }
0x8c: {  	s16 =	sshll.u32 s0, $0xA;
	s2 =	sadd.s32 s3, s2  }
0x8d: {  	s2 =	sadd.s32 s2, s16  }
0x8e: {  	[smem:$0x3FBB] =	sst s2  }
0x8f: {  	_ = 	snop  }
0x90: {  	(tm) =	ssettm $0x1  }
0x91: {  	s17 =	sld [smem:$0x3FFB];
	_ =	sdelay $0x3  }
0x92: {  	_ =	strace s17  }
0x93: {  	s2 =	sld [smem:$0x3FFC];
	_ =	sdelay $0x3  }
0x94: {  	_ =	strace s2  }
0x95: {  	s2 =	sld [smem:$0x3FFD];
	_ =	sdelay $0x3  }
0x96: {  	_ =	strace s2  }
0x97: {  	_ =	strace $0x8FFFFFFF  }
0x98: {  	s18 =	sld [smem:$0x3FDB];
	_ =	sdelay $0x1  }
0x99: {  	s19 =	simm.s32 $_scs_section_size  }
0x9a: {  	s4 =	simm.s32 $_size__tile_overlayer_lowered;
	s5 =	simm.s32 $_tile_overlayer_lowered  }
0x9b: {  	s22 =	simm.s32 $0x1BFF;
	s21 =	sshll.u32 s5, $0x1;
	s2 =	sadd.s32 s19, s18  }
0x9c: {  	s6 =	simm.s32 $0x0;
	s20 =	sshll.u32 s4, $0x1;
	s4 =	sadd.s32 s21, s2  }
0x9d: {  	[timem:s6], [sflag:s22] =	dma.local [hbm:s4], s20  }
0x9e: {  	_ =	swait.ge [sflag:s22], s20  }
0x9f: {  	s3 =	ssub.s32 $0x0, s20;
	[sflag:s22] =	ssyncset.done $0x0  }
0xa0: {  	[sflag:s22] =	ssyncadd.s32 s3;
	_ =	sdelay $0x1  }
0xa1: {  	s23 =	simm.s32 $0x1B8B  }
0xa2: {  	_ =	swait.ge [sflag:s23], $0x1  }
0xa3: {  	[sflag:s23] =	ssyncset.done $0x0  }
0xa4: {  	s25 =	simm.s32 $0x1B8E;
	s24 =	sld [smem:$0x3FFE];
	[sflag:s23] =	ssyncadd.s32 $0xFFFFFFFF  }
0xa5: {  	s26 =	simm.s32 $execute0_lowered;
	[smem:$0x3FD2] =	sst s25  }
0xa6: {  	s4 =	sshll.u32 s26, $0x1;
	_ =	strace $0x8000004C;
	[dreg:$0x1] =	wrdreg $0xFFFFFFFF  }
0xa7: {  	s28 =	simm.s32 $_size_execute0_lowered;
	s2 =	sadd.s32 s2, s4;
	[dreg:$0x0] =	wrdreg $0x0  }
0xa8: {  	s4 =	sshll.u32 s28, $0x1;
	[dreg:$0x2] =	wrdreg s2  }
0xa9: {  	[dreg:$0x3] =	wrdreg s4  }
0xaa: {  	[dreg:$0x4] =	wrdreg $0xC0  }
0xab: {  	_ =	task [dreg:s6], $0x5FFFF  }
0xac: {  	[dreg:$0x1] =	wrdreg $0xFFFFFFFF  }
0xad: {  	[dreg:$0x0] =	wrdreg $0x60  }
0xae: {  	[dreg:$0x2] =	wrdreg s24  }
0xaf: {  	[dreg:$0x3] =	wrdreg $0x9  }
0xb0: {  	_ =	task.clear_ibuf [dreg:s6], $0x4FFFF;
	_ =	strace $0x9000004C  }
0xb1: {  	s29 =	simm.s32 $0x9;
	_ =	strace $0x8000004E  }
0xb2: {  	_ =	swait.ge [sflag:s29], $0x1  }
0xb3: {  	[sflag:s29] =	ssyncadd.s32 $0xFFFFFFFF  }
0xb4: {  	_ =	strace $0x9000004E  }
0xb5: {  	_ =	sfence  }
0xb6: {  	s30 =	sld [smem:$0x0];
	_ =	sdelay $0x2  }
0xb7: {  	s31 =	sshll.u32 s1, $0xD;
	s1 =	sshrl.u32 s1, $0x2  }
0xb8: {  	s3 =	sand.u32 $0x4000, s31;
	s1 =	sadd.s32 s1, s30  }
0xb9: {  	s0 =	sor.u32 s3, s0;
	s1 =	sshll.u32 s1, $0x11  }
0xba: {  	s0 =	sor.u32 s1, s0  }
0xbb: {  	s0 =	sadd.s32 $0x8F2B, s0  }
0xbc: {  	[sflag:s0] =	ssyncadd.remote.s32 $0x1  }
0xbd: {  	_ =	sfence.sel $0xFFFF  }
0xbe: {  	[dreg:$0x0] =	wrdreg $0xFFFFFFFF;
	(pc) =	sbr.abs _section_cstart, $3  }
0xbf: {  	[dreg:$0x1] =	wrdreg $0xFFFFFFFF  }
0xc0: {  	_ =	task.clear_ibuf [dreg:s6], $0x2FFFF;
	_ =	strace $0x9FFFFFFF  }
0xc1: {  	(tm) =	ssettm $0x7FFFFFFF  }
tec
execute0_lowered:
.L_overlay_start_1:
0x0: {  	(tag) =	ssettag $0x1  }
0x1: {  	s0 =	rddreg [dreg:$0x0];
	s1 =	simm.s32 $0x0;
	s2 =	srdreg.scid  }
0x2: {  	s13 =	stileid.u32;
	s17 =	simm.s32 $0x1;
	s28 =	simm.s32 $0x7A00  }
0x3: {  	s29 =	simm.s32 $0x5;
	s30 =	simm.s32 $0x7;
	s31 =	simm.s32 $0x9  }
0x4: {  	[smem:$0x7FF] =	sst s1;
	s2 =	sand.u32 $0x1, s2;
	s3 =	sadd.s32 $0x2400, s0  }
0x5: {  	s4 =	sadd.s32 $0x8CE00, s0;
	s6 =	sadd.s32 $0x8B400, s0;
	s7 =	sadd.s32 $0x8E800, s0  }
0x6: {  	s8 =	sadd.s32 $0x151E00, s0;
	s23 =	smul.u32 $0x500, s13;
	s5 =	sshll.u32 s2, $0x4  }
0x7: {  	s9 =	ssub.s32 $0x2, s2;
	s2 =	smul.u32 $0x5000, s2;
	s5 =	sor.u32 s13, s5  }
0x8: {  	_ =	strace $0x8000004D;
	s11 =	sshrl.u32 s9, $0x1;
	s10 =	smul.u32 $0x50, s5  }
0x9: {  	s12 =	smul.u32 $0xA, s5;
	s18 =	ssub.s32 s9, s11;
	s24 =	sadd.s32 s2, s7  }
0xa: {  	s2 =	sadd.s32 s2, s8;
	s0 =	smax.u32 s18, $0x1;
	s25 =	sadd.s32 s23, s24  }
0xb: {  	s26 =	sadd.s32 s23, s2;
	s18 =	simm.s32 $0x3;
	s23 =	simm.s32 $0x180  }
0xc: {  	s24 =	simm.s32 $0x2;
	s2 =	simm.s32 $0x8;
	[dreg:$0x6] =	wrdreg s0  }
0xd: {  	s19 =	sshrl.u32 s10, $0x3;
	s20 =	sadd.s32 s4, s12;
	[dreg:$0x7] =	wrdreg s25  }
0xe: {  	s21 =	sadd.s32 s6, s12;
	[dreg:$0x8] =	wrdreg s26;
	s25 =	simm.s32 $0x4  }
.Ltmp0:
0xf: {  	s26 =	simm.s32 $0x2A00;
	[dreg:$0x2] =	wrdreg s20;
	(pc) =	sbr.rel .LBB2_1-.Ltmp0, $4  }
0x10: {  	s0 =	simm.s32 $0x6;
	s9 =	sadd.s32 $0x140, s19;
	[dreg:$0x3] =	wrdreg s21  }
0x11: {  	s19 =	simm.s32 $0x50;
	s20 =	simm.s32 $0x200;
	s22 =	sadd.s32 s4, s9  }
0x12: {  	s21 =	simm.s32 $0x5200;
	s9 =	sadd.s32 s6, s9;
	[dreg:$0x4] =	wrdreg s22  }
0x13: {  	[dreg:$0x5] =	wrdreg s9;
	s22 =	simm.s32 $0x80;
	s9 =	simm.s32 $0x0  }
.LBB2_4:
0x14: {  	s9 =	sadd.s32 $0x1, s9;
	s10 =	rddreg [dreg:$0x6]  }
0x15: {  	p0 =	sne.s32 s9, s10  }
.Ltmp1:
0x16: {  	_ = 	snop;
	(pc) =	sbr.rel @!p0 .LBB2_5-.Ltmp1, $1  }
0x17: {  	_ =	sdelay $0x3  }
.LBB2_1:
0x18: {  	s10 =	rddreg [dreg:$0x2]  }
0x19: {  	[tilespmem:s1], [sflag:$0x1] =	stream.linear.gather [hbm4b:s10+s1], $0x50, $0x38;
	[tilespmem:$0xA200] =	vst v63  }
0x1a: {  	s14 =	rddreg [dreg:$0x3];
	s11 =	simm.s32 $0x100  }
0x1b: {  	[tilespmem:s11], [sflag:$0x3] =	stream.linear.gather [hbm4b:s14+s1], $0x50, $0x38;
	[tilespmem:$0xA200] =	vst v63  }
0x1c: {  	_ =	swait.ge [sflag:s17], $0x50  }
0x1d: {  	[sflag:s17] =	ssyncset.done $0x0  }
0x1e: {  	[sflag:s17] =	ssyncadd.s32 $0xFFFFFFB0  }
0x1f: {  	_ =	swait.ge [sflag:s18], $0x50  }
0x20: {  	[sflag:s18] =	ssyncset.done $0x0  }
0x21: {  	s15 =	rddreg [dreg:$0x4];
	[sflag:s18] =	ssyncadd.s32 $0xFFFFFFB0  }
0x22: {  	[tilespmem:s20], [sflag:$0x5] =	stream.indirect.gather [hbm4b:s3+s19], $0x80, s1, s19, $0xb8;
	[tilespmem:$0xA200] =	vst v63  }
0x23: {  	s16 =	rddreg [dreg:$0x5]  }
0x24: {  	[tilespmem:s21], [sflag:$0x7] =	stream.indirect.gather [hbm4b:s3+s19], $0x80, s11, s19, $0xb8;
	[tilespmem:$0xA200] =	vst v63  }
0x25: {  	s14 =	rddreg [dreg:$0x7]  }
0x26: {  	[tilespmem:s22], [sflag:$0x2] =	stream.linear.gather [hbm4b:s15+s1], $0x50, $0x38;
	[tilespmem:$0xA200] =	vst v63  }
0x27: {  	s12 =	simm.s32 $0x0;
	s15 =	rddreg [dreg:$0x8]  }
0x28: {  	[tilespmem:s23], [sflag:$0x4] =	stream.linear.gather [hbm4b:s16+s1], $0x50, $0x38;
	[tilespmem:$0xA200] =	vst v63  }
.LBB2_2:
0x29: {  	_ =	swait.ge [sflag:s24], $0x50  }
0x2a: {  	[sflag:s24] =	ssyncset.done $0x0  }
0x2b: {  	[sflag:s24] =	ssyncadd.s32 $0xFFFFFFB0  }
0x2c: {  	_ =	swait.ge [sflag:s25], $0x50  }
0x2d: {  	[sflag:s25] =	ssyncset.done $0x0  }
0x2e: {  	[sflag:s25] =	ssyncadd.s32 $0xFFFFFFB0  }
0x2f: {  	[tilespmem:s26], [sflag:$0x6] =	stream.indirect.gather [hbm4b:s3+s19], $0x80, s22, s19, $0xb8;
	[tilespmem:$0xA200] =	vst v63  }
0x30: {  	_ = 	snop  }
0x31: {  	[tilespmem:s28], [sflag:$0x8] =	stream.indirect.gather [hbm4b:s3+s19], $0x80, s23, s19, $0xb8;
	[tilespmem:$0xA200] =	vst v63  }
0x32: {  	_ =	swait.ge [sflag:s29], $0x2800  }
0x33: {  	[sflag:s29] =	ssyncset.done $0x0  }
0x34: {  	[sflag:s29] =	ssyncadd.s32 $0xFFFFD800  }
0x35: {  	p0 =	seq.s32 s12, $0x240;
	_ =	swait.ge [sflag:s30], $0x2800  }
0x36: {  	s13 =	sadd.s32 @!p0 s12, s5;
	[sflag:s30] =	ssyncset.done $0x0  }
0x37: {  	s13 =	sadd.s32 @!p0 $0x40, s13;
	[sflag:s30] =	ssyncadd.s32 $0xFFFFD800  }
0x38: {  	[hbm4b:s14+s1] =	stream.linear.scatter [tilespmem:s20], [sflag:$0x9], $0x2800, $0x38;
	[tilespmem:$0xA200] =	vst v63  }
0x39: {  	p1 =	slt.s32 @!p0 s13, $0x270;
	_ =	swait.ge [sflag:s31], $0x2800  }
0x3a: {  	p1 =	por !p1, p0;
	[sflag:s31] =	ssyncset.done $0x0  }
0x3b: {  	s13 =	simm.s32 @p1 $0x270;
	[sflag:s31] =	ssyncadd.s32 $0xFFFFD800  }
0x3c: {  	[hbm4b:s15+s1] =	stream.linear.scatter [tilespmem:s21], [sflag:$0x9], $0x2800, $0x38;
	[tilespmem:$0xA200] =	vst v63  }
0x3d: {  	s13 =	smul.u32 @!p0 $0xA, s13;
	_ =	swait.ge [sflag:s31], $0x2800  }
0x3e: {  	[sflag:s31] =	ssyncset.done $0x0  }
0x3f: {  	s11 =	simm.s32 @!p0 $0x0;
	s16 =	sadd.s32 @!p0 s4, s13;
	[sflag:s31] =	ssyncadd.s32 $0xFFFFD800  }
0x40: {  	[tilespmem:s11], [sflag:$0x1] =	stream.linear.gather @!p0 [hbm4b:s16+s11], $0x50, $0x38;
	[tilespmem:$0xA200] =	vst v63  }
0x41: {  	s13 =	sadd.s32 @!p0 s6, s13;
	s16 =	simm.s32 @!p0 $0x100  }
0x42: {  	[tilespmem:s16], [sflag:$0x3] =	stream.linear.gather @!p0 [hbm4b:s13+s11], $0x50, $0x38;
	[tilespmem:$0xA200] =	vst v63  }
0x43: {  	s13 =	simm.s32 @!p0 $0x1  }
0x44: {  	_ =	swait.ge @!p0 [sflag:s13], $0x50  }
0x45: {  	[sflag:s13] =	ssyncset.done @!p0 $0x0  }
0x46: {  	[sflag:s13] =	ssyncadd.s32 @!p0 $0xFFFFFFB0;
	s13 =	simm.s32 @!p0 $0x3  }
0x47: {  	_ =	swait.ge @!p0 [sflag:s13], $0x50  }
0x48: {  	[sflag:s13] =	ssyncset.done @!p0 $0x0  }
0x49: {  	s10 =	simm.s32 @!p0 $0x200;
	[sflag:s13] =	ssyncadd.s32 @!p0 $0xFFFFFFB0;
	s13 =	simm.s32 @!p0 $0x50  }
0x4a: {  	[tilespmem:s10], [sflag:$0x5] =	stream.indirect.gather @!p0 [hbm4b:s3+s13], $0x80, s11, s13, $0xb8;
	[tilespmem:$0xA200] =	vst v63  }
0x4b: {  	s10 =	simm.s32 @!p0 $0x5200  }
0x4c: {  	[tilespmem:s10], [sflag:$0x7] =	stream.indirect.gather @!p0 [hbm4b:s3+s13], $0x80, s16, s13, $0xb8;
	[tilespmem:$0xA200] =	vst v63  }
0x4d: {  	s13 =	sadd.s32 s12, s5  }
0x4e: {  	_ =	swait.ge [sflag:s0], $0x2800;
	s10 =	sadd.s32 $0x20, s13  }
0x4f: {  	[sflag:s0] =	ssyncset.done $0x0;
	p1 =	slt.s32 s10, $0x270  }
0x50: {  	[sflag:s0] =	ssyncadd.s32 $0xFFFFD800;
	s10 =	simm.s32 @!p1 $0x270  }
0x51: {  	_ =	swait.ge [sflag:s2], $0x2800;
	s10 =	smul.u32 $0x500, s10  }
0x52: {  	[sflag:s2] =	ssyncset.done $0x0  }
0x53: {  	[sflag:s2] =	ssyncadd.s32 $0xFFFFD800;
	s16 =	sadd.s32 s7, s10  }
0x54: {  	[hbm4b:s16+s1] =	stream.linear.scatter [tilespmem:s26], [sflag:$0x9], $0x2800, $0x38;
	[tilespmem:$0xA200] =	vst v63  }
0x55: {  	_ =	swait.ge [sflag:s31], $0x2800  }
0x56: {  	[sflag:s31] =	ssyncset.done $0x0  }
.Ltmp2:
0x57: {  	s10 =	sadd.s32 s8, s10;
	[sflag:s31] =	ssyncadd.s32 $0xFFFFD800;
	(pc) =	sbr.rel @p0 .LBB2_4-.Ltmp2, $4  }
0x58: {  	[hbm4b:s10+s1] =	stream.linear.scatter [tilespmem:s28], [sflag:$0x9], $0x2800, $0x38;
	[tilespmem:$0xA200] =	vst v63  }
0x59: {  	_ =	swait.ge [sflag:s31], $0x2800  }
0x5a: {  	[sflag:s31] =	ssyncset.done $0x0  }
0x5b: {  	[sflag:s31] =	ssyncadd.s32 $0xFFFFD800  }
0x5c: {  	s10 =	sadd.s32 $0x60, s13  }
0x5d: {  	p0 =	slt.s32 s10, $0x270  }
0x5e: {  	s10 =	simm.s32 @!p0 $0x270  }
0x5f: {  	s10 =	smul.u32 $0xA, s10  }
.Ltmp3:
0x60: {  	_ = 	snop;
	(pc) =	sbr.rel .LBB2_2-.Ltmp3, $4  }
0x61: {  	s12 =	sadd.s32 $0x40, s12;
	s11 =	sadd.s32 s4, s10  }
0x62: {  	[tilespmem:s22], [sflag:$0x2] =	stream.linear.gather [hbm4b:s11+s1], $0x50, $0x38;
	[tilespmem:$0xA200] =	vst v63  }
0x63: {  	s14 =	sadd.s32 $0x14000, s14;
	s15 =	sadd.s32 $0x14000, s15;
	s10 =	sadd.s32 s6, s10  }
0x64: {  	[tilespmem:s23], [sflag:$0x4] =	stream.linear.gather [hbm4b:s10+s1], $0x50, $0x38;
	[tilespmem:$0xA200] =	vst v63  }
.LBB2_5:
0x65: {  	_ =	sfence.sel $0x180000  }
0x66: {  	[bflag:$0x0] =	sbarrier.arrive $0xFFFF  }
0x67: {  	_ =	strace $0x9000004D  }
0x68: {  	s0 =	stileid.u32;
	[bflag:$0x2] =	sbarrier.arrive $0xFFFF  }
0x69: {  	p0 =	sne.s32 s0, $0x0;
	s0 =	rddreg [dreg:$0x1]  }
0x6a: {  	s0 =	sadd.s32 @!p0 $0x100000, s0  }
0x6b: {  	[sflag:s0] =	ssyncadd.tile.s32 @!p0 $0x1;
	_ =	shalt  }
.Lfunc_end2:
_tile_overlayer_lowered:
.L_overlay_start_2:
0x6c: {  	(tag) =	ssettag $0x2  }
0x6d: {  	s0 =	rddreg [dreg:$0x0];
	s2 =	stileid.u32  }
0x6e: {  	s1 =	rddreg [dreg:$0x1];
	p0 =	sne.s32 s2, $0x0  }
0x6f: {  	s3 =	rddreg [dreg:$0x2];
	[bflag:$0x3] =	sbarrier.arrive $0xFFFF;
	s2 =	simm.s32 @!p0 $0x1C09  }
0x70: {  	[timem:s3], [sflag:s2] =	dma.local @!p0 [hbm:s0], s1  }
0x71: {  	s0 =	simm.s32 @!p0 $0x9  }
0x72: {  	_ =	swait.ge @!p0 [sflag:s0], s1  }
0x73: {  	s1 =	ssub.s32 @!p0 $0x0, s1;
	[sflag:s0] =	ssyncset.done @!p0 $0x0  }
0x74: {  	[sflag:s0] =	ssyncadd.s32 @!p0 s1  }
0x75: {  	[bflag:$0x3] =	sbarrier.arrive $0xFFFF  }
0x76: {  	_ =	shalt  }

// kernel: kernel.19.cloned.1.call-start
scs
__scs_entry_jumppad:
0x0: {  	(pc) =	sbr.rel $0x88, $3  }
0x1: {  	(tag) =	ssettag $0x0;
	lr =	simm.s32 $0x1  }
0x2: {  	[smem:$0x3F94] =	sst lr;
	_ =	strace $0xD0000000  }
0x3: {  	_ = 	snop  }
0x4: {  	_ = 	snop  }
0x5: {  	_ = 	snop  }
0x6: {  	_ = 	snop  }
0x7: {  	_ = 	snop  }
__scs_overlays_trampoline_lowered:
0x8: {  	[smem:$0x3FA3] =	sst s0  }
0x9: {  	[smem:$0x3FA4] =	sst s1  }
0xa: {  	[smem:$0x3FA5] =	sst s2  }
0xb: {  	[smem:$0x3FA6] =	sst s3  }
0xc: {  	[smem:$0x3FA7] =	sst s4  }
0xd: {  	[smem:$0x3FA8] =	sst s5  }
0xe: {  	[smem:$0x3FA9] =	sst s6  }
0xf: {  	[smem:$0x3FAA] =	sst s7  }
0x10: {  	[smem:$0x3FAB] =	sst s8  }
0x11: {  	[smem:$0x3FAC] =	sst s9;
	s0 =	simm.s32 @!p0 $0x0  }
0x12: {  	s1 =	sld [smem:$0x3F92];
	s0 =	simm.s32 @p0 $0x1  }
0x13: {  	[smem:$0x3FAD] =	sst s0;
	s0 =	simm.s32 @!p1 $0x0  }
0x14: {  	s2 =	sld [smem:$0x3F91];
	s0 =	simm.s32 @p1 $0x1  }
0x15: {  	[smem:$0x3FAE] =	sst s0;
	s0 =	simm.s32 @!p2 $0x0  }
0x16: {  	s3 =	sld [smem:$0x3FDB];
	s0 =	simm.s32 @p2 $0x1  }
0x17: {  	s4 =	simm.s32 $0x1BF5;
	[smem:$0x3FB0] =	sst s0  }
0x18: {  	s0 =	sld [smem:$0x3F93];
	_ =	swait.ge [sflag:s4], $0x0  }
0x19: {  	s7 =	sld [smem:$0x3F94]  }
0x1a: {  	s8 =	sadd.s32 $0xFFFFE003, lr  }
0x1b: {  	s9 =	sadd.s32 $0xFFFFFEF7, lr;
	s5 =	simm.s32 $0xFFFFFFFF;
	p2 =	slt.u32 s8, $0xFFFFF086  }
0x1c: {  	p1 =	slt.u32 s9, $0xF7A;
	s5 =	simm.s32 @!p2 $0x0  }
0x1d: {  	s5 =	simm.s32 @p1 $0x1;
	p0 =	seq.s32 s7, s2  }
0x1e: {  	s7 =	smul.u32 @!p0 $0xF7A, s2;
	p2 =	seq.s32 @!p0 s5, $0x0  }
0x1f: {  	s9 =	smul.u32 $0xF7A, s1;
	s8 =	simm.s32 @!p0 $0x1BF5;
	p2 =	por !p2, p0  }
0x20: {  	[sflag:s8] =	ssyncset.s32 @!p0 $0xFFFFF086;
	s6 =	sadd.s32 @!p0 s3, s7;
	s7 =	simm.s32 @!p0 $0x108  }
0x21: {  	s3 =	sadd.s32 s3, s9;
	s6 =	sadd.s32 @!p0 $0x88, s6;
	s7 =	simm.s32 @p2 $0x1082  }
0x22: {  	[simem:s7], [sflag:s8] =	dma.local @!p0 [hbm:s6], $0xF7A  }
0x23: {  	s9 =	sor.u32 $0xD0000000, s2;
	s6 =	simm.s32 $0x108;
	_ =	swait.ge @!p0 [sflag:s8], $0x0  }
0x24: {  	s3 =	sadd.s32 $0x88, s3;
	s6 =	simm.s32 @!p1 $0x1082;
	[sflag:s4] =	ssyncset.s32 $0xFFFFF086  }
0x25: {  	[simem:s6], [sflag:s4] =	dma.local [hbm:s3], $0xF7A  }
0x26: {  	[smem:$0x3F94] =	sst s1;
	(tag) =	ssettag s2;
	_ =	strace s9  }
0x27: {  	s1 =	sld [smem:$0x3FA4]  }
0x28: {  	s2 =	sld [smem:$0x3FA5]  }
0x29: {  	s4 =	sld [smem:$0x3FA7]  }
0x2a: {  	p0 =	seq.s32 s5, $0x0;
	s5 =	sld [smem:$0x3FA8]  }
0x2b: {  	s6 =	sld [smem:$0x3FA9]  }
0x2c: {  	s7 =	sld [smem:$0x3FAA]  }
0x2d: {  	s3 =	simm.s32 $0x108;
	s8 =	sld [smem:$0x3FAB]  }
0x2e: {  	s3 =	simm.s32 @!p0 $0x1082;
	s9 =	sld [smem:$0x3FAC]  }
0x2f: {  	lr =	sadd.s32 s0, s3;
	s0 =	sld [smem:$0x3FA3]  }
0x30: {  	s3 =	sld [smem:$0x3FA6]  }
0x31: {  	[smem:$0x3FAF] =	sst s10  }
0x32: {  	s10 =	sld [smem:$0x3FAD];
	_ =	sdelay $0x3  }
0x33: {  	p0 =	seq.s32 s10, $0x1;
	s10 =	sld [smem:$0x3FAF];
	_ =	sdelay $0x3  }
0x34: {  	[smem:$0x3FAF] =	sst s10  }
0x35: {  	s10 =	sld [smem:$0x3FAE];
	_ =	sdelay $0x3  }
0x36: {  	p1 =	seq.s32 s10, $0x1;
	s10 =	sld [smem:$0x3FAF];
	_ =	sdelay $0x3  }
0x37: {  	[smem:$0x3FAF] =	sst s10  }
0x38: {  	s10 =	sld [smem:$0x3FB0]  }
0x39: {  	_ = 	snop;
	(pc) =	sbr.ind lr, $3  }
0x3a: {  	_ = 	snop  }
0x3b: {  	_ = 	snop  }
0x3c: {  	p2 =	seq.s32 s10, $0x1;
	s10 =	sld [smem:$0x3FAF]  }
0x3d: {  	_ =	shalt  }
0x3e: {  	_ =	shalt  }
0x3f: {  	_ =	shalt  }
0x40: {  	_ =	shalt  }
0x41: {  	_ =	shalt  }
0x42: {  	_ =	shalt  }
0x43: {  	_ =	shalt  }
0x44: {  	_ =	shalt  }
0x45: {  	_ =	shalt  }
0x46: {  	_ =	shalt  }
0x47: {  	_ =	shalt  }
0x48: {  	_ =	shalt  }
0x49: {  	_ =	shalt  }
0x4a: {  	_ =	shalt  }
0x4b: {  	_ =	shalt  }
0x4c: {  	_ =	shalt  }
0x4d: {  	_ =	shalt  }
0x4e: {  	_ =	shalt  }
0x4f: {  	_ =	shalt  }
0x50: {  	_ =	shalt  }
0x51: {  	_ =	shalt  }
0x52: {  	_ =	shalt  }
0x53: {  	_ =	shalt  }
0x54: {  	_ =	shalt  }
0x55: {  	_ =	shalt  }
0x56: {  	_ =	shalt  }
0x57: {  	_ =	shalt  }
0x58: {  	_ =	shalt  }
0x59: {  	_ =	shalt  }
0x5a: {  	_ =	shalt  }
0x5b: {  	_ =	shalt  }
0x5c: {  	_ =	shalt  }
0x5d: {  	_ =	shalt  }
0x5e: {  	_ =	shalt  }
0x5f: {  	_ =	shalt  }
0x60: {  	_ =	shalt  }
0x61: {  	_ =	shalt  }
0x62: {  	_ =	shalt  }
0x63: {  	_ =	shalt  }
0x64: {  	_ =	shalt  }
0x65: {  	_ =	shalt  }
0x66: {  	_ =	shalt  }
0x67: {  	_ =	shalt  }
0x68: {  	_ =	shalt  }
0x69: {  	_ =	shalt  }
0x6a: {  	_ =	shalt  }
0x6b: {  	_ =	shalt  }
0x6c: {  	_ =	shalt  }
0x6d: {  	_ =	shalt  }
0x6e: {  	_ =	shalt  }
0x6f: {  	_ =	shalt  }
0x70: {  	_ =	shalt  }
0x71: {  	_ =	shalt  }
0x72: {  	_ =	shalt  }
0x73: {  	_ =	shalt  }
0x74: {  	_ =	shalt  }
0x75: {  	_ =	shalt  }
0x76: {  	_ =	shalt  }
0x77: {  	_ =	shalt  }
0x78: {  	_ =	shalt  }
0x79: {  	_ =	shalt  }
0x7a: {  	_ =	shalt  }
0x7b: {  	_ =	shalt  }
0x7c: {  	_ =	shalt  }
0x7d: {  	_ =	shalt  }
0x7e: {  	_ =	shalt  }
0x7f: {  	_ =	shalt  }
0x80: {  	_ =	shalt  }
0x81: {  	_ =	shalt  }
0x82: {  	_ =	shalt  }
0x83: {  	_ =	shalt  }
0x84: {  	_ =	shalt  }
0x85: {  	_ =	shalt  }
0x86: {  	_ =	shalt  }
0x87: {  	_ =	shalt  }
.Lfunc_end0:
.L_simem_size_0:
called_computation.3_lowered:
.L_overlay_start_0:
0x88: {  	s2 =	sld [smem:$0x3FD9]  }
0x89: {  	s3 =	sld [smem:$0x3FFE];
	_ =	sdelay $0x1  }
0x8a: {  	s1 =	srdreg.scid  }
0x8b: {  	s0 =	sand.u32 $0x1, s1  }
0x8c: {  	s17 =	sshll.u32 s0, $0xA;
	s2 =	sadd.s32 s3, s2  }
0x8d: {  	s2 =	sadd.s32 s2, s17  }
0x8e: {  	[smem:$0x3FBB] =	sst s2  }
0x8f: {  	_ = 	snop  }
0x90: {  	s18 =	sld [smem:$0x3FD0];
	(tm) =	ssettm $0x1  }
0x91: {  	s19 =	sld [smem:$0x3FFB];
	_ =	sdelay $0x3  }
0x92: {  	_ =	strace s19  }
0x93: {  	s2 =	sld [smem:$0x3FFC];
	_ =	sdelay $0x3  }
0x94: {  	_ =	strace s2  }
0x95: {  	s2 =	sld [smem:$0x3FFD];
	_ =	sdelay $0x3  }
0x96: {  	_ =	strace s2  }
0x97: {  	_ =	strace $0x8FFFFFFF  }
0x98: {  	s20 =	sld [smem:$0x3FDB];
	_ =	sdelay $0x1  }
0x99: {  	s4 =	simm.s32 $_scs_section_size  }
0x9a: {  	s5 =	simm.s32 $_size__tile_overlayer_lowered;
	s6 =	simm.s32 $_tile_overlayer_lowered  }
0x9b: {  	s7 =	simm.s32 $0x1BFF;
	s21 =	sshll.u32 s6, $0x1;
	s4 =	sadd.s32 s4, s20  }
0x9c: {  	s22 =	simm.s32 $0x0;
	s5 =	sshll.u32 s5, $0x1;
	s6 =	sadd.s32 s21, s4  }
0x9d: {  	[timem:s22], [sflag:s7] =	dma.local [hbm:s6], s5  }
0x9e: {  	_ =	swait.ge [sflag:s7], s5  }
0x9f: {  	s5 =	ssub.s32 $0x0, s5;
	[sflag:s7] =	ssyncset.done $0x0  }
0xa0: {  	[sflag:s7] =	ssyncadd.s32 s5;
	_ =	sdelay $0x1  }
0xa1: {  	s23 =	simm.s32 $0x1B8B  }
0xa2: {  	_ =	swait.ge [sflag:s23], $0x1  }
0xa3: {  	[sflag:s23] =	ssyncset.done $0x0  }
0xa4: {  	[sflag:s23] =	ssyncadd.s32 $0xFFFFFFFF  }
0xa5: {  	s5 =	sld [smem:$0x0]  }
0xa6: {  	s6 =	sand.u32 $0xFFFFFFFE, s1  }
0xa7: {  	p0 =	sne.s32 s1, s6  }
0xa8: {  	s6 =	sshll.u32 @p0 s6, $0xE  }
0xa9: {  	s6 =	sadd.s32 @p0 $0x11B8D, s6;
	s7 =	sshll.u32 @p0 s5, $0x11  }
0xaa: {  	s6 =	sor.u32 @p0 s7, s6  }
0xab: {  	[sflag:s6] =	ssyncadd.remote.s32 @p0 $0x1;
	_ =	sdelay $0x1  }
0xac: {  	s6 =	simm.s32 @p0 $0x1B8D  }
0xad: {  	_ =	swait.eq @p0 [sflag:s6], $0x1  }
0xae: {  	[sflag:s6] =	ssyncadd.s32 @p0 $0xFFFFFFFF  }
0xaf: {  	s7 =	sshll.u32 @!p0 s1, $0xE  }
0xb0: {  	s7 =	sor.u32 @!p0 $0x4000, s7;
	s6 =	simm.s32 @!p0 $0x1B8D  }
0xb1: {  	s5 =	sshll.u32 @!p0 s5, $0x11;
	s7 =	sadd.s32 @!p0 $0x11B8D, s7;
	_ =	swait.eq @!p0 [sflag:s6], $0x1  }
0xb2: {  	s5 =	sor.u32 @!p0 s5, s7;
	[sflag:s6] =	ssyncadd.s32 @!p0 $0xFFFFFFFF  }
0xb3: {  	s25 =	simm.s32 $0x1B8E;
	s24 =	sld [smem:$0x3FFE];
	[sflag:s5] =	ssyncadd.remote.s32 @!p0 $0x1  }
0xb4: {  	s26 =	simm.s32 $execute0_lowered;
	[smem:$0x3FD2] =	sst s25  }
0xb5: {  	s6 =	sshll.u32 s26, $0x1;
	_ =	strace $0x8000004F;
	[dreg:$0x1] =	wrdreg $0xFFFFFFFF  }
0xb6: {  	s28 =	simm.s32 $_size_execute0_lowered;
	s4 =	sadd.s32 s4, s6;
	[dreg:$0x0] =	wrdreg $0x0  }
0xb7: {  	s6 =	sshll.u32 s28, $0x1;
	[dreg:$0x2] =	wrdreg s4  }
0xb8: {  	[dreg:$0x3] =	wrdreg s6  }
0xb9: {  	[dreg:$0x4] =	wrdreg $0xC0  }
0xba: {  	_ =	task [dreg:s22], $0x5FFFF  }
0xbb: {  	[dreg:$0x1] =	wrdreg $0xFFFFFFFF  }
0xbc: {  	[dreg:$0x0] =	wrdreg $0x60  }
0xbd: {  	[dreg:$0x2] =	wrdreg s24  }
0xbe: {  	[dreg:$0x3] =	wrdreg s18  }
0xbf: {  	[dreg:$0x4] =	wrdreg $0xA  }
0xc0: {  	_ =	task.clear_ibuf [dreg:s22], $0x5FFFF;
	_ =	strace $0x9000004F  }
0xc1: {  	s29 =	simm.s32 $0xA;
	_ =	strace $0x80000051  }
0xc2: {  	_ =	swait.ge [sflag:s29], $0x1  }
0xc3: {  	[sflag:s29] =	ssyncadd.s32 $0xFFFFFFFF  }
0xc4: {  	_ =	strace $0x90000051  }
0xc5: {  	_ =	sfence  }
0xc6: {  	s30 =	sld [smem:$0x0];
	_ =	sdelay $0x2  }
0xc7: {  	s31 =	sshll.u32 s1, $0xD;
	s1 =	sshrl.u32 s1, $0x2  }
0xc8: {  	s4 =	sand.u32 $0x4000, s31;
	s1 =	sadd.s32 s1, s30  }
0xc9: {  	s0 =	sor.u32 s4, s0;
	s1 =	sshll.u32 s1, $0x11  }
0xca: {  	s0 =	sor.u32 s1, s0  }
0xcb: {  	s0 =	sadd.s32 $0x8F2B, s0  }
0xcc: {  	[sflag:s0] =	ssyncadd.remote.s32 $0x1  }
0xcd: {  	_ =	sfence.sel $0xFFFF  }
0xce: {  	[dreg:$0x0] =	wrdreg $0xFFFFFFFF;
	(pc) =	sbr.abs _section_cstart, $3  }
0xcf: {  	[dreg:$0x1] =	wrdreg $0xFFFFFFFF  }
0xd0: {  	_ =	task.clear_ibuf [dreg:s22], $0x2FFFF;
	_ =	strace $0x9FFFFFFF  }
0xd1: {  	(tm) =	ssettm $0x7FFFFFFF  }
tec
execute0_lowered:
.L_overlay_start_1:
0x0: {  	(tag) =	ssettag $0x1  }
0x1: {  	s0 =	rddreg [dreg:$0x0]  }
0x2: {  	s1 =	rddreg [dreg:$0x1];
	s2 =	srdreg.scid  }
0x3: {  	s3 =	simm.s32 $0x0;
	s13 =	stileid.u32;
	s17 =	simm.s32 $0x1  }
0x4: {  	s28 =	simm.s32 $0x7A00;
	s29 =	simm.s32 $0x5;
	s30 =	simm.s32 $0x7  }
0x5: {  	s31 =	simm.s32 $0x9;
	s2 =	sand.u32 $0x1, s2;
	[smem:$0x7FF] =	sst s3  }
0x6: {  	s4 =	sadd.s32 $0x2400, s0;
	s6 =	sadd.s32 $0x29600, s0;
	s7 =	sadd.s32 $0x215400, s0  }
0x7: {  	s8 =	sadd.s32 $0x2D8A00, s0;
	s23 =	smul.u32 $0x500, s13;
	s5 =	sshll.u32 s2, $0x4  }
0x8: {  	s9 =	ssub.s32 $0x2, s2;
	s2 =	smul.u32 $0x5000, s2;
	s5 =	sor.u32 s13, s5  }
0x9: {  	_ =	strace $0x80000050;
	s11 =	sshrl.u32 s9, $0x1;
	s10 =	smul.u32 $0x50, s5  }
0xa: {  	s12 =	smul.u32 $0xA, s5;
	s18 =	ssub.s32 s9, s11;
	s24 =	sadd.s32 s2, s7  }
0xb: {  	s2 =	sadd.s32 s2, s8;
	s0 =	smax.u32 s18, $0x1;
	s25 =	sadd.s32 s23, s24  }
0xc: {  	s26 =	sadd.s32 s23, s2;
	s18 =	simm.s32 $0x3;
	s23 =	simm.s32 $0x180  }
0xd: {  	s24 =	simm.s32 $0x2;
	s2 =	simm.s32 $0x8;
	[dreg:$0x7] =	wrdreg s0  }
0xe: {  	s19 =	sshrl.u32 s10, $0x3;
	s20 =	sadd.s32 s1, s12;
	[dreg:$0x8] =	wrdreg s25  }
0xf: {  	s21 =	sadd.s32 s6, s12;
	[dreg:$0x9] =	wrdreg s26;
	s25 =	simm.s32 $0x4  }
.Ltmp0:
0x10: {  	s26 =	simm.s32 $0x2A00;
	[dreg:$0x3] =	wrdreg s20;
	(pc) =	sbr.rel .LBB2_1-.Ltmp0, $4  }
0x11: {  	s0 =	simm.s32 $0x6;
	s9 =	sadd.s32 $0x140, s19;
	[dreg:$0x4] =	wrdreg s21  }
0x12: {  	s19 =	simm.s32 $0x50;
	s20 =	simm.s32 $0x200;
	s22 =	sadd.s32 s1, s9  }
0x13: {  	s21 =	simm.s32 $0x5200;
	s9 =	sadd.s32 s6, s9;
	[dreg:$0x5] =	wrdreg s22  }
0x14: {  	[dreg:$0x6] =	wrdreg s9;
	s22 =	simm.s32 $0x80;
	s9 =	simm.s32 $0x0  }
.LBB2_4:
0x15: {  	s9 =	sadd.s32 $0x1, s9;
	s10 =	rddreg [dreg:$0x7]  }
0x16: {  	p0 =	sne.s32 s9, s10  }
.Ltmp1:
0x17: {  	_ = 	snop;
	(pc) =	sbr.rel @!p0 .LBB2_5-.Ltmp1, $1  }
0x18: {  	_ =	sdelay $0x3  }
.LBB2_1:
0x19: {  	s10 =	rddreg [dreg:$0x3]  }
0x1a: {  	[tilespmem:s3], [sflag:$0x1] =	stream.linear.gather [hbm4b:s10+s3], $0x50, $0x38;
	[tilespmem:$0xA200] =	vst v63  }
0x1b: {  	s14 =	rddreg [dreg:$0x4];
	s11 =	simm.s32 $0x100  }
0x1c: {  	[tilespmem:s11], [sflag:$0x3] =	stream.linear.gather [hbm4b:s14+s3], $0x50, $0x38;
	[tilespmem:$0xA200] =	vst v63  }
0x1d: {  	_ =	swait.ge [sflag:s17], $0x50  }
0x1e: {  	[sflag:s17] =	ssyncset.done $0x0  }
0x1f: {  	[sflag:s17] =	ssyncadd.s32 $0xFFFFFFB0  }
0x20: {  	_ =	swait.ge [sflag:s18], $0x50  }
0x21: {  	[sflag:s18] =	ssyncset.done $0x0  }
0x22: {  	s15 =	rddreg [dreg:$0x5];
	[sflag:s18] =	ssyncadd.s32 $0xFFFFFFB0  }
0x23: {  	[tilespmem:s20], [sflag:$0x5] =	stream.indirect.gather [hbm4b:s4+s19], $0x80, s3, s19, $0xb8;
	[tilespmem:$0xA200] =	vst v63  }
0x24: {  	s16 =	rddreg [dreg:$0x6]  }
0x25: {  	[tilespmem:s21], [sflag:$0x7] =	stream.indirect.gather [hbm4b:s4+s19], $0x80, s11, s19, $0xb8;
	[tilespmem:$0xA200] =	vst v63  }
0x26: {  	s14 =	rddreg [dreg:$0x8]  }
0x27: {  	[tilespmem:s22], [sflag:$0x2] =	stream.linear.gather [hbm4b:s15+s3], $0x50, $0x38;
	[tilespmem:$0xA200] =	vst v63  }
0x28: {  	s12 =	simm.s32 $0x0;
	s15 =	rddreg [dreg:$0x9]  }
0x29: {  	[tilespmem:s23], [sflag:$0x4] =	stream.linear.gather [hbm4b:s16+s3], $0x50, $0x38;
	[tilespmem:$0xA200] =	vst v63  }
.LBB2_2:
0x2a: {  	_ =	swait.ge [sflag:s24], $0x50  }
0x2b: {  	[sflag:s24] =	ssyncset.done $0x0  }
0x2c: {  	[sflag:s24] =	ssyncadd.s32 $0xFFFFFFB0  }
0x2d: {  	_ =	swait.ge [sflag:s25], $0x50  }
0x2e: {  	[sflag:s25] =	ssyncset.done $0x0  }
0x2f: {  	[sflag:s25] =	ssyncadd.s32 $0xFFFFFFB0  }
0x30: {  	[tilespmem:s26], [sflag:$0x6] =	stream.indirect.gather [hbm4b:s4+s19], $0x80, s22, s19, $0xb8;
	[tilespmem:$0xA200] =	vst v63  }
0x31: {  	_ = 	snop  }
0x32: {  	[tilespmem:s28], [sflag:$0x8] =	stream.indirect.gather [hbm4b:s4+s19], $0x80, s23, s19, $0xb8;
	[tilespmem:$0xA200] =	vst v63  }
0x33: {  	_ =	swait.ge [sflag:s29], $0x2800  }
0x34: {  	[sflag:s29] =	ssyncset.done $0x0  }
0x35: {  	[sflag:s29] =	ssyncadd.s32 $0xFFFFD800  }
0x36: {  	p0 =	seq.s32 s12, $0x240;
	_ =	swait.ge [sflag:s30], $0x2800  }
0x37: {  	s13 =	sadd.s32 @!p0 s12, s5;
	[sflag:s30] =	ssyncset.done $0x0  }
0x38: {  	s13 =	sadd.s32 @!p0 $0x40, s13;
	[sflag:s30] =	ssyncadd.s32 $0xFFFFD800  }
0x39: {  	[hbm4b:s14+s3] =	stream.linear.scatter [tilespmem:s20], [sflag:$0x9], $0x2800, $0x38;
	[tilespmem:$0xA200] =	vst v63  }
0x3a: {  	p1 =	slt.s32 @!p0 s13, $0x270;
	_ =	swait.ge [sflag:s31], $0x2800  }
0x3b: {  	p1 =	por !p1, p0;
	[sflag:s31] =	ssyncset.done $0x0  }
0x3c: {  	s13 =	simm.s32 @p1 $0x270;
	[sflag:s31] =	ssyncadd.s32 $0xFFFFD800  }
0x3d: {  	[hbm4b:s15+s3] =	stream.linear.scatter [tilespmem:s21], [sflag:$0x9], $0x2800, $0x38;
	[tilespmem:$0xA200] =	vst v63  }
0x3e: {  	s13 =	smul.u32 @!p0 $0xA, s13;
	_ =	swait.ge [sflag:s31], $0x2800  }
0x3f: {  	[sflag:s31] =	ssyncset.done $0x0  }
0x40: {  	s11 =	simm.s32 @!p0 $0x0;
	s16 =	sadd.s32 @!p0 s1, s13;
	[sflag:s31] =	ssyncadd.s32 $0xFFFFD800  }
0x41: {  	[tilespmem:s11], [sflag:$0x1] =	stream.linear.gather @!p0 [hbm4b:s16+s11], $0x50, $0x38;
	[tilespmem:$0xA200] =	vst v63  }
0x42: {  	s13 =	sadd.s32 @!p0 s6, s13;
	s16 =	simm.s32 @!p0 $0x100  }
0x43: {  	[tilespmem:s16], [sflag:$0x3] =	stream.linear.gather @!p0 [hbm4b:s13+s11], $0x50, $0x38;
	[tilespmem:$0xA200] =	vst v63  }
0x44: {  	s13 =	simm.s32 @!p0 $0x1  }
0x45: {  	_ =	swait.ge @!p0 [sflag:s13], $0x50  }
0x46: {  	[sflag:s13] =	ssyncset.done @!p0 $0x0  }
0x47: {  	[sflag:s13] =	ssyncadd.s32 @!p0 $0xFFFFFFB0;
	s13 =	simm.s32 @!p0 $0x3  }
0x48: {  	_ =	swait.ge @!p0 [sflag:s13], $0x50  }
0x49: {  	[sflag:s13] =	ssyncset.done @!p0 $0x0  }
0x4a: {  	s10 =	simm.s32 @!p0 $0x200;
	[sflag:s13] =	ssyncadd.s32 @!p0 $0xFFFFFFB0;
	s13 =	simm.s32 @!p0 $0x50  }
0x4b: {  	[tilespmem:s10], [sflag:$0x5] =	stream.indirect.gather @!p0 [hbm4b:s4+s13], $0x80, s11, s13, $0xb8;
	[tilespmem:$0xA200] =	vst v63  }
0x4c: {  	s10 =	simm.s32 @!p0 $0x5200  }
0x4d: {  	[tilespmem:s10], [sflag:$0x7] =	stream.indirect.gather @!p0 [hbm4b:s4+s13], $0x80, s16, s13, $0xb8;
	[tilespmem:$0xA200] =	vst v63  }
0x4e: {  	s13 =	sadd.s32 s12, s5  }
0x4f: {  	_ =	swait.ge [sflag:s0], $0x2800;
	s10 =	sadd.s32 $0x20, s13  }
0x50: {  	[sflag:s0] =	ssyncset.done $0x0;
	p1 =	slt.s32 s10, $0x270  }
0x51: {  	[sflag:s0] =	ssyncadd.s32 $0xFFFFD800;
	s10 =	simm.s32 @!p1 $0x270  }
0x52: {  	_ =	swait.ge [sflag:s2], $0x2800;
	s10 =	smul.u32 $0x500, s10  }
0x53: {  	[sflag:s2] =	ssyncset.done $0x0  }
0x54: {  	[sflag:s2] =	ssyncadd.s32 $0xFFFFD800;
	s16 =	sadd.s32 s7, s10  }
0x55: {  	[hbm4b:s16+s3] =	stream.linear.scatter [tilespmem:s26], [sflag:$0x9], $0x2800, $0x38;
	[tilespmem:$0xA200] =	vst v63  }
0x56: {  	_ =	swait.ge [sflag:s31], $0x2800  }
0x57: {  	[sflag:s31] =	ssyncset.done $0x0  }
.Ltmp2:
0x58: {  	s10 =	sadd.s32 s8, s10;
	[sflag:s31] =	ssyncadd.s32 $0xFFFFD800;
	(pc) =	sbr.rel @p0 .LBB2_4-.Ltmp2, $4  }
0x59: {  	[hbm4b:s10+s3] =	stream.linear.scatter [tilespmem:s28], [sflag:$0x9], $0x2800, $0x38;
	[tilespmem:$0xA200] =	vst v63  }
0x5a: {  	_ =	swait.ge [sflag:s31], $0x2800  }
0x5b: {  	[sflag:s31] =	ssyncset.done $0x0  }
0x5c: {  	[sflag:s31] =	ssyncadd.s32 $0xFFFFD800  }
0x5d: {  	s10 =	sadd.s32 $0x60, s13  }
0x5e: {  	p0 =	slt.s32 s10, $0x270  }
0x5f: {  	s10 =	simm.s32 @!p0 $0x270  }
0x60: {  	s10 =	smul.u32 $0xA, s10  }
.Ltmp3:
0x61: {  	_ = 	snop;
	(pc) =	sbr.rel .LBB2_2-.Ltmp3, $4  }
0x62: {  	s12 =	sadd.s32 $0x40, s12;
	s11 =	sadd.s32 s1, s10  }
0x63: {  	[tilespmem:s22], [sflag:$0x2] =	stream.linear.gather [hbm4b:s11+s3], $0x50, $0x38;
	[tilespmem:$0xA200] =	vst v63  }
0x64: {  	s14 =	sadd.s32 $0x14000, s14;
	s15 =	sadd.s32 $0x14000, s15;
	s10 =	sadd.s32 s6, s10  }
0x65: {  	[tilespmem:s23], [sflag:$0x4] =	stream.linear.gather [hbm4b:s10+s3], $0x50, $0x38;
	[tilespmem:$0xA200] =	vst v63  }
.LBB2_5:
0x66: {  	_ =	sfence.sel $0x180000  }
0x67: {  	[bflag:$0x0] =	sbarrier.arrive $0xFFFF  }
0x68: {  	_ =	strace $0x90000050  }
0x69: {  	s0 =	stileid.u32;
	[bflag:$0x2] =	sbarrier.arrive $0xFFFF  }
0x6a: {  	p0 =	sne.s32 s0, $0x0;
	s0 =	rddreg [dreg:$0x2]  }
0x6b: {  	s0 =	sadd.s32 @!p0 $0x100000, s0  }
0x6c: {  	[sflag:s0] =	ssyncadd.tile.s32 @!p0 $0x1;
	_ =	shalt  }
.Lfunc_end2:
_tile_overlayer_lowered:
.L_overlay_start_2:
0x6d: {  	(tag) =	ssettag $0x2  }
0x6e: {  	s0 =	rddreg [dreg:$0x0];
	s2 =	stileid.u32  }
0x6f: {  	s1 =	rddreg [dreg:$0x1];
	p0 =	sne.s32 s2, $0x0  }
0x70: {  	s3 =	rddreg [dreg:$0x2];
	[bflag:$0x3] =	sbarrier.arrive $0xFFFF;
	s2 =	simm.s32 @!p0 $0x1C09  }
0x71: {  	[timem:s3], [sflag:s2] =	dma.local @!p0 [hbm:s0], s1  }
0x72: {  	s0 =	simm.s32 @!p0 $0x9  }
0x73: {  	_ =	swait.ge @!p0 [sflag:s0], s1  }
0x74: {  	s1 =	ssub.s32 @!p0 $0x0, s1;
	[sflag:s0] =	ssyncset.done @!p0 $0x0  }
0x75: {  	[sflag:s0] =	ssyncadd.s32 @!p0 s1  }
0x76: {  	[bflag:$0x3] =	sbarrier.arrive $0xFFFF  }
0x77: {  	_ =	shalt  }

</sc_bundles>
